<compile_context>
chip_gen: v7x
topology: tpu7x:2x2x1
jax: 0.10.2.dev20260603
libtpu: 0.0.44.dev20260713+nightly
codegen_flags: <defaults>
</compile_context>

<pallas_src>
import functools

import jax
import jax.numpy as jnp
from jax import lax
from jax.experimental import pallas as pl
from jax.experimental.pallas import tpu as pltpu
from jax.experimental.pallas import tpu_sc as plsc

_DIM = 64
_BATCH = 16384

_info = plsc.get_sparse_core_info()
_NC = _info.num_cores
_NS = _info.num_subcores
_NW = _NC * _NS
_BPW = _BATCH // _NW
_CH = 256
_NCHUNK = _BPW // _CH

_mesh = plsc.VectorSubcoreMesh(core_axis_name="c", subcore_axis_name="s")


@functools.partial(
    pl.kernel,
    mesh=_mesh,
    out_type=(
        jax.ShapeDtypeStruct((_BATCH, _DIM), jnp.float32),
        jax.ShapeDtypeStruct((_BATCH, _DIM), jnp.float32),
        jax.ShapeDtypeStruct((_BATCH, _DIM), jnp.float32),
    ),
    scratch_types=[
        pltpu.VMEM((_BPW,), jnp.int32),
        pltpu.VMEM((_BPW,), jnp.int32),
        pltpu.VMEM((_BPW,), jnp.int32),
        pltpu.VMEM((_CH, _DIM), jnp.float32),
        pltpu.VMEM((_CH, _DIM), jnp.float32),
        pltpu.VMEM((_CH, _DIM), jnp.float32),
        pltpu.SemaphoreType.DMA,
        pltpu.SemaphoreType.DMA,
        pltpu.SemaphoreType.DMA,
    ],
)
def _trans_embedding(h_hbm, r_hbm, t_hbm, e_hbm, rel_hbm,
                     ho_hbm, ro_hbm, to_hbm,
                     hi_v, ri_v, ti_v, hrows_v, rrows_v, trows_v,
                     sem_h, sem_r, sem_t):
    wid = lax.axis_index("s") * _NC + lax.axis_index("c")
    base = wid * _BPW
    pltpu.sync_copy(h_hbm.at[pl.ds(base, _BPW)], hi_v)
    pltpu.sync_copy(r_hbm.at[pl.ds(base, _BPW)], ri_v)
    pltpu.sync_copy(t_hbm.at[pl.ds(base, _BPW)], ti_v)

    jobs = ((e_hbm, hi_v, hrows_v, sem_h, ho_hbm),
            (rel_hbm, ri_v, rrows_v, sem_r, ro_hbm),
            (e_hbm, ti_v, trows_v, sem_t, to_hbm))

    def fire(c, job):
        tbl, idx_v, rows_v, sem, _ = job

        def issue(g, carry):
            v = idx_v[pl.ds(c * _CH + g * 16, 16)]
            for k in range(16):
                pltpu.async_copy(tbl.at[v[k]], rows_v.at[g * 16 + k], sem)
            return carry

        lax.fori_loop(0, _CH // 16, issue, 0)

    def drain_and_write(c, job):
        tbl, _, rows_v, sem, out_hbm = job
        pltpu.make_async_copy(tbl.at[pl.ds(0, _CH)], rows_v, sem).wait()
        pltpu.sync_copy(rows_v, out_hbm.at[pl.ds(base + c * _CH, _CH)])

    for job in jobs:
        fire(0, job)
    for c in range(_NCHUNK):
        for job in jobs:
            drain_and_write(c, job)
            if c + 1 < _NCHUNK:
                fire(c + 1, job)


def kernel(h, r, t, E_table, R_table):
    hh = jnp.reshape(h, (-1,)).astype(jnp.int32)
    rr = jnp.reshape(r, (-1,)).astype(jnp.int32)
    tt = jnp.reshape(t, (-1,)).astype(jnp.int32)
    return _trans_embedding(hh, rr, tt, E_table, R_table)

# --- scband reference (transcript-rebuilt; emitter-appended) ---
"""Pipeline reference for scband-trans-embedding-52269751992639 (READ-ONLY COPY).

The authoritative reference and input builder live on the scoring server;
editing this copy changes nothing except your own understanding.
"""

import jax, jax.numpy as jnp
import numpy as np

INDEX_RANGE = 1000000
DIM = 64
BATCH = 16384

def setup_inputs(seed: int = 0) -> dict:
    key = jax.random.key(seed)
    k1, k2, k3, k4, k5 = jax.random.split(key, 5)
    h = jax.random.randint(k1, (BATCH,), 0, INDEX_RANGE, dtype=jnp.int64 if jax.config.read('jax_enable_x64') else jnp.int32)
    r = jax.random.randint(k2, (BATCH,), 0, INDEX_RANGE, dtype=jnp.int64 if jax.config.read('jax_enable_x64') else jnp.int32)
    t = jax.random.randint(k3, (BATCH,), 0, INDEX_RANGE, dtype=jnp.int64 if jax.config.read('jax_enable_x64') else jnp.int32)
    # Learned parameters: entity embedding table (eembedding) and relation table (rembedding)
    # Keras Embedding default init is uniform(-0.05, 0.05)
    E_table = jax.random.uniform(k4, (INDEX_RANGE, DIM), minval=-0.05, maxval=0.05, dtype=jnp.float32)
    R_table = jax.random.uniform(k5, (INDEX_RANGE, DIM), minval=-0.05, maxval=0.05, dtype=jnp.float32)
    return {"h": h, "r": r, "t": t, "E_table": E_table, "R_table": R_table}

def reference(h, r, t, E_table, R_table):
    # TransEmbedding.call: flatten each index tensor, then
    # head/tail use the entity table (eembedding), relation uses rembedding
    hh = jnp.reshape(h, (-1,))
    rr = jnp.reshape(r, (-1,))
    tt = jnp.reshape(t, (-1,))
    h_emb = jnp.take(E_table, hh, axis=0)
    r_emb = jnp.take(R_table, rr, axis=0)
    t_emb = jnp.take(E_table, tt, axis=0)
    return (h_emb, r_emb, t_emb)

if __name__ == "__main__":
    import jax
    _d = setup_inputs()
    print(jax.jit(kernel)(*tuple(_d.values())))

</pallas_src>

<mosaic_0001>
#map = affine_map<(d0, d1) -> (0)>
#map1 = affine_map<(d0, d1) -> (0, 0)>
module attributes {stable_mosaic.version = 14 : i64} {
  func.func @_trans_embedding(%arg0: i32, %arg1: i32, %arg2: memref<16384xi32, #tpu.memory_space<hbm>>, %arg3: memref<16384xi32, #tpu.memory_space<hbm>>, %arg4: memref<16384xi32, #tpu.memory_space<hbm>>, %arg5: memref<1000000x64xf32, #tpu.memory_space<hbm>>, %arg6: memref<1000000x64xf32, #tpu.memory_space<hbm>>, %arg7: memref<16384x64xf32, #tpu.memory_space<hbm>>, %arg8: memref<16384x64xf32, #tpu.memory_space<hbm>>, %arg9: memref<16384x64xf32, #tpu.memory_space<hbm>>, %arg10: memref<512xi32, #tpu.memory_space<vmem>>, %arg11: memref<512xi32, #tpu.memory_space<vmem>>, %arg12: memref<512xi32, #tpu.memory_space<vmem>>, %arg13: memref<256x64xf32, #tpu.memory_space<vmem>>, %arg14: memref<256x64xf32, #tpu.memory_space<vmem>>, %arg15: memref<256x64xf32, #tpu.memory_space<vmem>>, %arg16: memref<!tpu.dma_semaphore, #tpu.memory_space<semaphore_mem>>, %arg17: memref<!tpu.dma_semaphore, #tpu.memory_space<semaphore_mem>>, %arg18: memref<!tpu.dma_semaphore, #tpu.memory_space<semaphore_mem>>) attributes {dimension_semantics = [#tpu.dimension_semantics<core_parallel>, #tpu.dimension_semantics<subcore_parallel>], iteration_bounds = array<i64: 2, 16>, scalar_prefetch = 0 : i64, scratch_operands = 9 : i64, tpu.core_type = #tpu.core_type<sc_vector_subcore>, window_params = [{transform_indices = #map}, {transform_indices = #map}, {transform_indices = #map}, {transform_indices = #map1}, {transform_indices = #map1}, {transform_indices = #map1}, {transform_indices = #map1}, {transform_indices = #map1}]} {
    %mul3A = arith.constant 2 : i32
    %mul3A_0 = arith.muli %arg1, %mul3A : i32
    %add3A = arith.addi %mul3A_0, %arg0 : i32
    %mul3A_1 = arith.constant 512 : i32
    %mul3A_2 = arith.muli %add3A, %mul3A_1 : i32
    "tpu.region"() ({
      %run_scoped3A = tpu.sem_alloc : memref<!tpu.dma_semaphore, #tpu.memory_space<semaphore_mem>>
      %dma_start3A = tpu.memref_slice %arg2[%mul3A_2] : memref<16384xi32, #tpu.memory_space<hbm>> -> memref<512xi32, #tpu.memory_space<hbm>>
      %dma_start3A_85 = tpu.memref_slice %arg2[%mul3A_2] : memref<16384xi32, #tpu.memory_space<hbm>> -> memref<512xi32, #tpu.memory_space<hbm>>
      tpu.enqueue_dma source(%dma_start3A_85 : memref<512xi32, #tpu.memory_space<hbm>>) target(%arg10 : memref<512xi32, #tpu.memory_space<vmem>>) target_semaphore(%run_scoped3A : memref<!tpu.dma_semaphore, #tpu.memory_space<semaphore_mem>>)
      %dma_wait3A_86 = tpu.memref_slice %arg2[%mul3A_2] : memref<16384xi32, #tpu.memory_space<hbm>> -> memref<512xi32, #tpu.memory_space<hbm>>
      %dma_wait3A_87 = tpu.memref_slice %arg2[%mul3A_2] : memref<16384xi32, #tpu.memory_space<hbm>> -> memref<512xi32, #tpu.memory_space<hbm>>
      tpu.wait_dma2 semaphore(%run_scoped3A : memref<!tpu.dma_semaphore, #tpu.memory_space<semaphore_mem>>) src(%dma_wait3A_87 : memref<512xi32, #tpu.memory_space<hbm>>) dst(%arg10 : memref<512xi32, #tpu.memory_space<vmem>>)
      tpu.yield
    }) : () -> ()
    "tpu.region"() ({
      %run_scoped3A = tpu.sem_alloc : memref<!tpu.dma_semaphore, #tpu.memory_space<semaphore_mem>>
      %dma_start3A = tpu.memref_slice %arg3[%mul3A_2] : memref<16384xi32, #tpu.memory_space<hbm>> -> memref<512xi32, #tpu.memory_space<hbm>>
      %dma_start3A_85 = tpu.memref_slice %arg3[%mul3A_2] : memref<16384xi32, #tpu.memory_space<hbm>> -> memref<512xi32, #tpu.memory_space<hbm>>
      tpu.enqueue_dma source(%dma_start3A_85 : memref<512xi32, #tpu.memory_space<hbm>>) target(%arg11 : memref<512xi32, #tpu.memory_space<vmem>>) target_semaphore(%run_scoped3A : memref<!tpu.dma_semaphore, #tpu.memory_space<semaphore_mem>>)
      %dma_wait3A_86 = tpu.memref_slice %arg3[%mul3A_2] : memref<16384xi32, #tpu.memory_space<hbm>> -> memref<512xi32, #tpu.memory_space<hbm>>
      %dma_wait3A_87 = tpu.memref_slice %arg3[%mul3A_2] : memref<16384xi32, #tpu.memory_space<hbm>> -> memref<512xi32, #tpu.memory_space<hbm>>
      tpu.wait_dma2 semaphore(%run_scoped3A : memref<!tpu.dma_semaphore, #tpu.memory_space<semaphore_mem>>) src(%dma_wait3A_87 : memref<512xi32, #tpu.memory_space<hbm>>) dst(%arg11 : memref<512xi32, #tpu.memory_space<vmem>>)
      tpu.yield
    }) : () -> ()
    "tpu.region"() ({
      %run_scoped3A = tpu.sem_alloc : memref<!tpu.dma_semaphore, #tpu.memory_space<semaphore_mem>>
      %dma_start3A = tpu.memref_slice %arg4[%mul3A_2] : memref<16384xi32, #tpu.memory_space<hbm>> -> memref<512xi32, #tpu.memory_space<hbm>>
      %dma_start3A_85 = tpu.memref_slice %arg4[%mul3A_2] : memref<16384xi32, #tpu.memory_space<hbm>> -> memref<512xi32, #tpu.memory_space<hbm>>
      tpu.enqueue_dma source(%dma_start3A_85 : memref<512xi32, #tpu.memory_space<hbm>>) target(%arg12 : memref<512xi32, #tpu.memory_space<vmem>>) target_semaphore(%run_scoped3A : memref<!tpu.dma_semaphore, #tpu.memory_space<semaphore_mem>>)
      %dma_wait3A_86 = tpu.memref_slice %arg4[%mul3A_2] : memref<16384xi32, #tpu.memory_space<hbm>> -> memref<512xi32, #tpu.memory_space<hbm>>
      %dma_wait3A_87 = tpu.memref_slice %arg4[%mul3A_2] : memref<16384xi32, #tpu.memory_space<hbm>> -> memref<512xi32, #tpu.memory_space<hbm>>
      tpu.wait_dma2 semaphore(%run_scoped3A : memref<!tpu.dma_semaphore, #tpu.memory_space<semaphore_mem>>) src(%dma_wait3A_87 : memref<512xi32, #tpu.memory_space<hbm>>) dst(%arg12 : memref<512xi32, #tpu.memory_space<vmem>>)
      tpu.yield
    }) : () -> ()
    %scan3A = arith.constant 0 : i32
    %scan3A_3 = arith.constant 0 : i32
    %scan3A_4 = arith.constant 16 : i32
    %scan3A_5 = arith.addi %scan3A_3, %scan3A_4 : i32
    %scan3A_6 = arith.constant 1 : i32
    scf.for %scan3A_85 = %scan3A_3 to %scan3A_5 step %scan3A_6  : i32 {
      %mul3A_86 = arith.constant 16 : i32
      %mul3A_87 = arith.muli %scan3A_85, %mul3A_86 : i32
      %add3A_88 = arith.constant 0 : i32
      %add3A_89 = arith.addi %add3A_88, %mul3A_87 : i32
      %get3A = arith.index_cast %add3A_89 : i32 to index
      %get3A_90 = tpu.vector_load %arg10[%get3A] {strides = array<i32>} : memref<512xi32, #tpu.memory_space<vmem>>, vector<16xi32>,
      %get3A_91 = vector.shape_cast %get3A_90 : vector<16xi32> to vector<16xi32>
      %slice3A = vector.extract_strided_slice %get3A_91 {offsets = [0], sizes = [1], strides = [1]} : vector<16xi32> to vector<1xi32>
      %squeeze3A = vector.extract %slice3A[0] : i32 from vector<1xi32>
      %mul3A_92 = arith.constant 16 : i32
      %mul3A_93 = arith.muli %scan3A_85, %mul3A_92 : i32
      %add3A_94 = arith.constant 0 : i32
      %add3A_95 = arith.addi %mul3A_93, %add3A_94 : i32
      %dma_start3A = arith.constant 0 : i32
      %dma_start3A_96 = tpu.memref_slice %arg13[%add3A_95, %dma_start3A] : memref<256x64xf32, #tpu.memory_space<vmem>> -> memref<1x64xf32, #tpu.memory_space<vmem>>
      %dma_start3A_97 = tpu.memref_squeeze %dma_start3A_96 : memref<1x64xf32, #tpu.memory_space<vmem>> -> memref<64xf32, #tpu.memory_space<vmem>>
      %dma_start3A_98 = arith.constant 0 : i32
      %dma_start3A_99 = tpu.memref_slice %arg5[%squeeze3A, %dma_start3A_98] : memref<1000000x64xf32, #tpu.memory_space<hbm>> -> memref<1x64xf32, #tpu.memory_space<hbm>>
      %dma_start3A_100 = tpu.memref_squeeze %dma_start3A_99 : memref<1x64xf32, #tpu.memory_space<hbm>> -> memref<64xf32, #tpu.memory_space<hbm>>
      %dma_start3A_101 = arith.constant 0 : i32
      %dma_start3A_102 = tpu.memref_slice %arg13[%add3A_95, %dma_start3A_101] : memref<256x64xf32, #tpu.memory_space<vmem>> -> memref<1x64xf32, #tpu.memory_space<vmem>>
      %dma_start3A_103 = tpu.memref_squeeze %dma_start3A_102 : memref<1x64xf32, #tpu.memory_space<vmem>> -> memref<64xf32, #tpu.memory_space<vmem>>
      %dma_start3A_104 = arith.constant 0 : i32
      %dma_start3A_105 = tpu.memref_slice %arg5[%squeeze3A, %dma_start3A_104] : memref<1000000x64xf32, #tpu.memory_space<hbm>> -> memref<1x64xf32, #tpu.memory_space<hbm>>
      %dma_start3A_106 = tpu.memref_squeeze %dma_start3A_105 : memref<1x64xf32, #tpu.memory_space<hbm>> -> memref<64xf32, #tpu.memory_space<hbm>>
      tpu.enqueue_dma source(%dma_start3A_106 : memref<64xf32, #tpu.memory_space<hbm>>) target(%dma_start3A_103 : memref<64xf32, #tpu.memory_space<vmem>>) target_semaphore(%arg16 : memref<!tpu.dma_semaphore, #tpu.memory_space<semaphore_mem>>)
      %slice3A_107 = vector.extract_strided_slice %get3A_91 {offsets = [1], sizes = [1], strides = [1]} : vector<16xi32> to vector<1xi32>
      %squeeze3A_108 = vector.extract %slice3A_107[0] : i32 from vector<1xi32>
      %mul3A_109 = arith.constant 16 : i32
      %mul3A_110 = arith.muli %scan3A_85, %mul3A_109 : i32
      %add3A_111 = arith.constant 1 : i32
      %add3A_112 = arith.addi %mul3A_110, %add3A_111 : i32
      %dma_start3A_113 = arith.constant 0 : i32
      %dma_start3A_114 = tpu.memref_slice %arg13[%add3A_112, %dma_start3A_113] : memref<256x64xf32, #tpu.memory_space<vmem>> -> memref<1x64xf32, #tpu.memory_space<vmem>>
      %dma_start3A_115 = tpu.memref_squeeze %dma_start3A_114 : memref<1x64xf32, #tpu.memory_space<vmem>> -> memref<64xf32, #tpu.memory_space<vmem>>
      %dma_start3A_116 = arith.constant 0 : i32
      %dma_start3A_117 = tpu.memref_slice %arg5[%squeeze3A_108, %dma_start3A_116] : memref<1000000x64xf32, #tpu.memory_space<hbm>> -> memref<1x64xf32, #tpu.memory_space<hbm>>
      %dma_start3A_118 = tpu.memref_squeeze %dma_start3A_117 : memref<1x64xf32, #tpu.memory_space<hbm>> -> memref<64xf32, #tpu.memory_space<hbm>>
      %dma_start3A_119 = arith.constant 0 : i32
      %dma_start3A_120 = tpu.memref_slice %arg13[%add3A_112, %dma_start3A_119] : memref<256x64xf32, #tpu.memory_space<vmem>> -> memref<1x64xf32, #tpu.memory_space<vmem>>
      %dma_start3A_121 = tpu.memref_squeeze %dma_start3A_120 : memref<1x64xf32, #tpu.memory_space<vmem>> -> memref<64xf32, #tpu.memory_space<vmem>>
      %dma_start3A_122 = arith.constant 0 : i32
      %dma_start3A_123 = tpu.memref_slice %arg5[%squeeze3A_108, %dma_start3A_122] : memref<1000000x64xf32, #tpu.memory_space<hbm>> -> memref<1x64xf32, #tpu.memory_space<hbm>>
      %dma_start3A_124 = tpu.memref_squeeze %dma_start3A_123 : memref<1x64xf32, #tpu.memory_space<hbm>> -> memref<64xf32, #tpu.memory_space<hbm>>
      tpu.enqueue_dma source(%dma_start3A_124 : memref<64xf32, #tpu.memory_space<hbm>>) target(%dma_start3A_121 : memref<64xf32, #tpu.memory_space<vmem>>) target_semaphore(%arg16 : memref<!tpu.dma_semaphore, #tpu.memory_space<semaphore_mem>>)
      %slice3A_125 = vector.extract_strided_slice %get3A_91 {offsets = [2], sizes = [1], strides = [1]} : vector<16xi32> to vector<1xi32>
      %squeeze3A_126 = vector.extract %slice3A_125[0] : i32 from vector<1xi32>
      %mul3A_127 = arith.constant 16 : i32
      %mul3A_128 = arith.muli %scan3A_85, %mul3A_127 : i32
      %add3A_129 = arith.constant 2 : i32
      %add3A_130 = arith.addi %mul3A_128, %add3A_129 : i32
      %dma_start3A_131 = arith.constant 0 : i32
      %dma_start3A_132 = tpu.memref_slice %arg13[%add3A_130, %dma_start3A_131] : memref<256x64xf32, #tpu.memory_space<vmem>> -> memref<1x64xf32, #tpu.memory_space<vmem>>
      %dma_start3A_133 = tpu.memref_squeeze %dma_start3A_132 : memref<1x64xf32, #tpu.memory_space<vmem>> -> memref<64xf32, #tpu.memory_space<vmem>>
      %dma_start3A_134 = arith.constant 0 : i32
      %dma_start3A_135 = tpu.memref_slice %arg5[%squeeze3A_126, %dma_start3A_134] : memref<1000000x64xf32, #tpu.memory_space<hbm>> -> memref<1x64xf32, #tpu.memory_space<hbm>>
      %dma_start3A_136 = tpu.memref_squeeze %dma_start3A_135 : memref<1x64xf32, #tpu.memory_space<hbm>> -> memref<64xf32, #tpu.memory_space<hbm>>
      %dma_start3A_137 = arith.constant 0 : i32
      %dma_start3A_138 = tpu.memref_slice %arg13[%add3A_130, %dma_start3A_137] : memref<256x64xf32, #tpu.memory_space<vmem>> -> memref<1x64xf32, #tpu.memory_space<vmem>>
      %dma_start3A_139 = tpu.memref_squeeze %dma_start3A_138 : memref<1x64xf32, #tpu.memory_space<vmem>> -> memref<64xf32, #tpu.memory_space<vmem>>
      %dma_start3A_140 = arith.constant 0 : i32
      %dma_start3A_141 = tpu.memref_slice %arg5[%squeeze3A_126, %dma_start3A_140] : memref<1000000x64xf32, #tpu.memory_space<hbm>> -> memref<1x64xf32, #tpu.memory_space<hbm>>
      %dma_start3A_142 = tpu.memref_squeeze %dma_start3A_141 : memref<1x64xf32, #tpu.memory_space<hbm>> -> memref<64xf32, #tpu.memory_space<hbm>>
      tpu.enqueue_dma source(%dma_start3A_142 : memref<64xf32, #tpu.memory_space<hbm>>) target(%dma_start3A_139 : memref<64xf32, #tpu.memory_space<vmem>>) target_semaphore(%arg16 : memref<!tpu.dma_semaphore, #tpu.memory_space<semaphore_mem>>)
      %slice3A_143 = vector.extract_strided_slice %get3A_91 {offsets = [3], sizes = [1], strides = [1]} : vector<16xi32> to vector<1xi32>
      %squeeze3A_144 = vector.extract %slice3A_143[0] : i32 from vector<1xi32>
      %mul3A_145 = arith.constant 16 : i32
      %mul3A_146 = arith.muli %scan3A_85, %mul3A_145 : i32
      %add3A_147 = arith.constant 3 : i32
      %add3A_148 = arith.addi %mul3A_146, %add3A_147 : i32
      %dma_start3A_149 = arith.constant 0 : i32
      %dma_start3A_150 = tpu.memref_slice %arg13[%add3A_148, %dma_start3A_149] : memref<256x64xf32, #tpu.memory_space<vmem>> -> memref<1x64xf32, #tpu.memory_space<vmem>>
      %dma_start3A_151 = tpu.memref_squeeze %dma_start3A_150 : memref<1x64xf32, #tpu.memory_space<vmem>> -> memref<64xf32, #tpu.memory_space<vmem>>
      %dma_start3A_152 = arith.constant 0 : i32
      %dma_start3A_153 = tpu.memref_slice %arg5[%squeeze3A_144, %dma_start3A_152] : memref<1000000x64xf32, #tpu.memory_space<hbm>> -> memref<1x64xf32, #tpu.memory_space<hbm>>
      %dma_start3A_154 = tpu.memref_squeeze %dma_start3A_153 : memref<1x64xf32, #tpu.memory_space<hbm>> -> memref<64xf32, #tpu.memory_space<hbm>>
      %dma_start3A_155 = arith.constant 0 : i32
      %dma_start3A_156 = tpu.memref_slice %arg13[%add3A_148, %dma_start3A_155] : memref<256x64xf32, #tpu.memory_space<vmem>> -> memref<1x64xf32, #tpu.memory_space<vmem>>
      %dma_start3A_157 = tpu.memref_squeeze %dma_start3A_156 : memref<1x64xf32, #tpu.memory_space<vmem>> -> memref<64xf32, #tpu.memory_space<vmem>>
      %dma_start3A_158 = arith.constant 0 : i32
      %dma_start3A_159 = tpu.memref_slice %arg5[%squeeze3A_144, %dma_start3A_158] : memref<1000000x64xf32, #tpu.memory_space<hbm>> -> memref<1x64xf32, #tpu.memory_space<hbm>>
      %dma_start3A_160 = tpu.memref_squeeze %dma_start3A_159 : memref<1x64xf32, #tpu.memory_space<hbm>> -> memref<64xf32, #tpu.memory_space<hbm>>
      tpu.enqueue_dma source(%dma_start3A_160 : memref<64xf32, #tpu.memory_space<hbm>>) target(%dma_start3A_157 : memref<64xf32, #tpu.memory_space<vmem>>) target_semaphore(%arg16 : memref<!tpu.dma_semaphore, #tpu.memory_space<semaphore_mem>>)
      %slice3A_161 = vector.extract_strided_slice %get3A_91 {offsets = [4], sizes = [1], strides = [1]} : vector<16xi32> to vector<1xi32>
      %squeeze3A_162 = vector.extract %slice3A_161[0] : i32 from vector<1xi32>
      %mul3A_163 = arith.constant 16 : i32
      %mul3A_164 = arith.muli %scan3A_85, %mul3A_163 : i32
      %add3A_165 = arith.constant 4 : i32
      %add3A_166 = arith.addi %mul3A_164, %add3A_165 : i32
      %dma_start3A_167 = arith.constant 0 : i32
      %dma_start3A_168 = tpu.memref_slice %arg13[%add3A_166, %dma_start3A_167] : memref<256x64xf32, #tpu.memory_space<vmem>> -> memref<1x64xf32, #tpu.memory_space<vmem>>
      %dma_start3A_169 = tpu.memref_squeeze %dma_start3A_168 : memref<1x64xf32, #tpu.memory_space<vmem>> -> memref<64xf32, #tpu.memory_space<vmem>>
      %dma_start3A_170 = arith.constant 0 : i32
      %dma_start3A_171 = tpu.memref_slice %arg5[%squeeze3A_162, %dma_start3A_170] : memref<1000000x64xf32, #tpu.memory_space<hbm>> -> memref<1x64xf32, #tpu.memory_space<hbm>>
      %dma_start3A_172 = tpu.memref_squeeze %dma_start3A_171 : memref<1x64xf32, #tpu.memory_space<hbm>> -> memref<64xf32, #tpu.memory_space<hbm>>
      %dma_start3A_173 = arith.constant 0 : i32
      %dma_start3A_174 = tpu.memref_slice %arg13[%add3A_166, %dma_start3A_173] : memref<256x64xf32, #tpu.memory_space<vmem>> -> memref<1x64xf32, #tpu.memory_space<vmem>>
      %dma_start3A_175 = tpu.memref_squeeze %dma_start3A_174 : memref<1x64xf32, #tpu.memory_space<vmem>> -> memref<64xf32, #tpu.memory_space<vmem>>
      %dma_start3A_176 = arith.constant 0 : i32
      %dma_start3A_177 = tpu.memref_slice %arg5[%squeeze3A_162, %dma_start3A_176] : memref<1000000x64xf32, #tpu.memory_space<hbm>> -> memref<1x64xf32, #tpu.memory_space<hbm>>
      %dma_start3A_178 = tpu.memref_squeeze %dma_start3A_177 : memref<1x64xf32, #tpu.memory_space<hbm>> -> memref<64xf32, #tpu.memory_space<hbm>>
      tpu.enqueue_dma source(%dma_start3A_178 : memref<64xf32, #tpu.memory_space<hbm>>) target(%dma_start3A_175 : memref<64xf32, #tpu.memory_space<vmem>>) target_semaphore(%arg16 : memref<!tpu.dma_semaphore, #tpu.memory_space<semaphore_mem>>)
      %slice3A_179 = vector.extract_strided_slice %get3A_91 {offsets = [5], sizes = [1], strides = [1]} : vector<16xi32> to vector<1xi32>
      %squeeze3A_180 = vector.extract %slice3A_179[0] : i32 from vector<1xi32>
      %mul3A_181 = arith.constant 16 : i32
      %mul3A_182 = arith.muli %scan3A_85, %mul3A_181 : i32
      %add3A_183 = arith.constant 5 : i32
      %add3A_184 = arith.addi %mul3A_182, %add3A_183 : i32
      %dma_start3A_185 = arith.constant 0 : i32
      %dma_start3A_186 = tpu.memref_slice %arg13[%add3A_184, %dma_start3A_185] : memref<256x64xf32, #tpu.memory_space<vmem>> -> memref<1x64xf32, #tpu.memory_space<vmem>>
      %dma_start3A_187 = tpu.memref_squeeze %dma_start3A_186 : memref<1x64xf32, #tpu.memory_space<vmem>> -> memref<64xf32, #tpu.memory_space<vmem>>
      %dma_start3A_188 = arith.constant 0 : i32
      %dma_start3A_189 = tpu.memref_slice %arg5[%squeeze3A_180, %dma_start3A_188] : memref<1000000x64xf32, #tpu.memory_space<hbm>> -> memref<1x64xf32, #tpu.memory_space<hbm>>
      %dma_start3A_190 = tpu.memref_squeeze %dma_start3A_189 : memref<1x64xf32, #tpu.memory_space<hbm>> -> memref<64xf32, #tpu.memory_space<hbm>>
      %dma_start3A_191 = arith.constant 0 : i32
      %dma_start3A_192 = tpu.memref_slice %arg13[%add3A_184, %dma_start3A_191] : memref<256x64xf32, #tpu.memory_space<vmem>> -> memref<1x64xf32, #tpu.memory_space<vmem>>
      %dma_start3A_193 = tpu.memref_squeeze %dma_start3A_192 : memref<1x64xf32, #tpu.memory_space<vmem>> -> memref<64xf32, #tpu.memory_space<vmem>>
      %dma_start3A_194 = arith.constant 0 : i32
      %dma_start3A_195 = tpu.memref_slice %arg5[%squeeze3A_180, %dma_start3A_194] : memref<1000000x64xf32, #tpu.memory_space<hbm>> -> memref<1x64xf32, #tpu.memory_space<hbm>>
      %dma_start3A_196 = tpu.memref_squeeze %dma_start3A_195 : memref<1x64xf32, #tpu.memory_space<hbm>> -> memref<64xf32, #tpu.memory_space<hbm>>
      tpu.enqueue_dma source(%dma_start3A_196 : memref<64xf32, #tpu.memory_space<hbm>>) target(%dma_start3A_193 : memref<64xf32, #tpu.memory_space<vmem>>) target_semaphore(%arg16 : memref<!tpu.dma_semaphore, #tpu.memory_space<semaphore_mem>>)
      %slice3A_197 = vector.extract_strided_slice %get3A_91 {offsets = [6], sizes = [1], strides = [1]} : vector<16xi32> to vector<1xi32>
      %squeeze3A_198 = vector.extract %slice3A_197[0] : i32 from vector<1xi32>
      %mul3A_199 = arith.constant 16 : i32
      %mul3A_200 = arith.muli %scan3A_85, %mul3A_199 : i32
      %add3A_201 = arith.constant 6 : i32
      %add3A_202 = arith.addi %mul3A_200, %add3A_201 : i32
      %dma_start3A_203 = arith.constant 0 : i32
      %dma_start3A_204 = tpu.memref_slice %arg13[%add3A_202, %dma_start3A_203] : memref<256x64xf32, #tpu.memory_space<vmem>> -> memref<1x64xf32, #tpu.memory_space<vmem>>
      %dma_start3A_205 = tpu.memref_squeeze %dma_start3A_204 : memref<1x64xf32, #tpu.memory_space<vmem>> -> memref<64xf32, #tpu.memory_space<vmem>>
      %dma_start3A_206 = arith.constant 0 : i32
      %dma_start3A_207 = tpu.memref_slice %arg5[%squeeze3A_198, %dma_start3A_206] : memref<1000000x64xf32, #tpu.memory_space<hbm>> -> memref<1x64xf32, #tpu.memory_space<hbm>>
      %dma_start3A_208 = tpu.memref_squeeze %dma_start3A_207 : memref<1x64xf32, #tpu.memory_space<hbm>> -> memref<64xf32, #tpu.memory_space<hbm>>
      %dma_start3A_209 = arith.constant 0 : i32
      %dma_start3A_210 = tpu.memref_slice %arg13[%add3A_202, %dma_start3A_209] : memref<256x64xf32, #tpu.memory_space<vmem>> -> memref<1x64xf32, #tpu.memory_space<vmem>>
      %dma_start3A_211 = tpu.memref_squeeze %dma_start3A_210 : memref<1x64xf32, #tpu.memory_space<vmem>> -> memref<64xf32, #tpu.memory_space<vmem>>
      %dma_start3A_212 = arith.constant 0 : i32
      %dma_start3A_213 = tpu.memref_slice %arg5[%squeeze3A_198, %dma_start3A_212] : memref<1000000x64xf32, #tpu.memory_space<hbm>> -> memref<1x64xf32, #tpu.memory_space<hbm>>
      %dma_start3A_214 = tpu.memref_squeeze %dma_start3A_213 : memref<1x64xf32, #tpu.memory_space<hbm>> -> memref<64xf32, #tpu.memory_space<hbm>>
      tpu.enqueue_dma source(%dma_start3A_214 : memref<64xf32, #tpu.memory_space<hbm>>) target(%dma_start3A_211 : memref<64xf32, #tpu.memory_space<vmem>>) target_semaphore(%arg16 : memref<!tpu.dma_semaphore, #tpu.memory_space<semaphore_mem>>)
      %slice3A_215 = vector.extract_strided_slice %get3A_91 {offsets = [7], sizes = [1], strides = [1]} : vector<16xi32> to vector<1xi32>
      %squeeze3A_216 = vector.extract %slice3A_215[0] : i32 from vector<1xi32>
      %mul3A_217 = arith.constant 16 : i32
      %mul3A_218 = arith.muli %scan3A_85, %mul3A_217 : i32
      %add3A_219 = arith.constant 7 : i32
      %add3A_220 = arith.addi %mul3A_218, %add3A_219 : i32
      %dma_start3A_221 = arith.constant 0 : i32
      %dma_start3A_222 = tpu.memref_slice %arg13[%add3A_220, %dma_start3A_221] : memref<256x64xf32, #tpu.memory_space<vmem>> -> memref<1x64xf32, #tpu.memory_space<vmem>>
      %dma_start3A_223 = tpu.memref_squeeze %dma_start3A_222 : memref<1x64xf32, #tpu.memory_space<vmem>> -> memref<64xf32, #tpu.memory_space<vmem>>
      %dma_start3A_224 = arith.constant 0 : i32
      %dma_start3A_225 = tpu.memref_slice %arg5[%squeeze3A_216, %dma_start3A_224] : memref<1000000x64xf32, #tpu.memory_space<hbm>> -> memref<1x64xf32, #tpu.memory_space<hbm>>
      %dma_start3A_226 = tpu.memref_squeeze %dma_start3A_225 : memref<1x64xf32, #tpu.memory_space<hbm>> -> memref<64xf32, #tpu.memory_space<hbm>>
      %dma_start3A_227 = arith.constant 0 : i32
      %dma_start3A_228 = tpu.memref_slice %arg13[%add3A_220, %dma_start3A_227] : memref<256x64xf32, #tpu.memory_space<vmem>> -> memref<1x64xf32, #tpu.memory_space<vmem>>
      %dma_start3A_229 = tpu.memref_squeeze %dma_start3A_228 : memref<1x64xf32, #tpu.memory_space<vmem>> -> memref<64xf32, #tpu.memory_space<vmem>>
      %dma_start3A_230 = arith.constant 0 : i32
      %dma_start3A_231 = tpu.memref_slice %arg5[%squeeze3A_216, %dma_start3A_230] : memref<1000000x64xf32, #tpu.memory_space<hbm>> -> memref<1x64xf32, #tpu.memory_space<hbm>>
      %dma_start3A_232 = tpu.memref_squeeze %dma_start3A_231 : memref<1x64xf32, #tpu.memory_space<hbm>> -> memref<64xf32, #tpu.memory_space<hbm>>
      tpu.enqueue_dma source(%dma_start3A_232 : memref<64xf32, #tpu.memory_space<hbm>>) target(%dma_start3A_229 : memref<64xf32, #tpu.memory_space<vmem>>) target_semaphore(%arg16 : memref<!tpu.dma_semaphore, #tpu.memory_space<semaphore_mem>>)
      %slice3A_233 = vector.extract_strided_slice %get3A_91 {offsets = [8], sizes = [1], strides = [1]} : vector<16xi32> to vector<1xi32>
      %squeeze3A_234 = vector.extract %slice3A_233[0] : i32 from vector<1xi32>
      %mul3A_235 = arith.constant 16 : i32
      %mul3A_236 = arith.muli %scan3A_85, %mul3A_235 : i32
      %add3A_237 = arith.constant 8 : i32
      %add3A_238 = arith.addi %mul3A_236, %add3A_237 : i32
      %dma_start3A_239 = arith.constant 0 : i32
      %dma_start3A_240 = tpu.memref_slice %arg13[%add3A_238, %dma_start3A_239] : memref<256x64xf32, #tpu.memory_space<vmem>> -> memref<1x64xf32, #tpu.memory_space<vmem>>
      %dma_start3A_241 = tpu.memref_squeeze %dma_start3A_240 : memref<1x64xf32, #tpu.memory_space<vmem>> -> memref<64xf32, #tpu.memory_space<vmem>>
      %dma_start3A_242 = arith.constant 0 : i32
      %dma_start3A_243 = tpu.memref_slice %arg5[%squeeze3A_234, %dma_start3A_242] : memref<1000000x64xf32, #tpu.memory_space<hbm>> -> memref<1x64xf32, #tpu.memory_space<hbm>>
      %dma_start3A_244 = tpu.memref_squeeze %dma_start3A_243 : memref<1x64xf32, #tpu.memory_space<hbm>> -> memref<64xf32, #tpu.memory_space<hbm>>
      %dma_start3A_245 = arith.constant 0 : i32
      %dma_start3A_246 = tpu.memref_slice %arg13[%add3A_238, %dma_start3A_245] : memref<256x64xf32, #tpu.memory_space<vmem>> -> memref<1x64xf32, #tpu.memory_space<vmem>>
      %dma_start3A_247 = tpu.memref_squeeze %dma_start3A_246 : memref<1x64xf32, #tpu.memory_space<vmem>> -> memref<64xf32, #tpu.memory_space<vmem>>
      %dma_start3A_248 = arith.constant 0 : i32
      %dma_start3A_249 = tpu.memref_slice %arg5[%squeeze3A_234, %dma_start3A_248] : memref<1000000x64xf32, #tpu.memory_space<hbm>> -> memref<1x64xf32, #tpu.memory_space<hbm>>
      %dma_start3A_250 = tpu.memref_squeeze %dma_start3A_249 : memref<1x64xf32, #tpu.memory_space<hbm>> -> memref<64xf32, #tpu.memory_space<hbm>>
      tpu.enqueue_dma source(%dma_start3A_250 : memref<64xf32, #tpu.memory_space<hbm>>) target(%dma_start3A_247 : memref<64xf32, #tpu.memory_space<vmem>>) target_semaphore(%arg16 : memref<!tpu.dma_semaphore, #tpu.memory_space<semaphore_mem>>)
      %slice3A_251 = vector.extract_strided_slice %get3A_91 {offsets = [9], sizes = [1], strides = [1]} : vector<16xi32> to vector<1xi32>
      %squeeze3A_252 = vector.extract %slice3A_251[0] : i32 from vector<1xi32>
      %mul3A_253 = arith.constant 16 : i32
      %mul3A_254 = arith.muli %scan3A_85, %mul3A_253 : i32
      %add3A_255 = arith.constant 9 : i32
      %add3A_256 = arith.addi %mul3A_254, %add3A_255 : i32
      %dma_start3A_257 = arith.constant 0 : i32
      %dma_start3A_258 = tpu.memref_slice %arg13[%add3A_256, %dma_start3A_257] : memref<256x64xf32, #tpu.memory_space<vmem>> -> memref<1x64xf32, #tpu.memory_space<vmem>>
      %dma_start3A_259 = tpu.memref_squeeze %dma_start3A_258 : memref<1x64xf32, #tpu.memory_space<vmem>> -> memref<64xf32, #tpu.memory_space<vmem>>
      %dma_start3A_260 = arith.constant 0 : i32
      %dma_start3A_261 = tpu.memref_slice %arg5[%squeeze3A_252, %dma_start3A_260] : memref<1000000x64xf32, #tpu.memory_space<hbm>> -> memref<1x64xf32, #tpu.memory_space<hbm>>
      %dma_start3A_262 = tpu.memref_squeeze %dma_start3A_261 : memref<1x64xf32, #tpu.memory_space<hbm>> -> memref<64xf32, #tpu.memory_space<hbm>>
      %dma_start3A_263 = arith.constant 0 : i32
      %dma_start3A_264 = tpu.memref_slice %arg13[%add3A_256, %dma_start3A_263] : memref<256x64xf32, #tpu.memory_space<vmem>> -> memref<1x64xf32, #tpu.memory_space<vmem>>
      %dma_start3A_265 = tpu.memref_squeeze %dma_start3A_264 : memref<1x64xf32, #tpu.memory_space<vmem>> -> memref<64xf32, #tpu.memory_space<vmem>>
      %dma_start3A_266 = arith.constant 0 : i32
      %dma_start3A_267 = tpu.memref_slice %arg5[%squeeze3A_252, %dma_start3A_266] : memref<1000000x64xf32, #tpu.memory_space<hbm>> -> memref<1x64xf32, #tpu.memory_space<hbm>>
      %dma_start3A_268 = tpu.memref_squeeze %dma_start3A_267 : memref<1x64xf32, #tpu.memory_space<hbm>> -> memref<64xf32, #tpu.memory_space<hbm>>
      tpu.enqueue_dma source(%dma_start3A_268 : memref<64xf32, #tpu.memory_space<hbm>>) target(%dma_start3A_265 : memref<64xf32, #tpu.memory_space<vmem>>) target_semaphore(%arg16 : memref<!tpu.dma_semaphore, #tpu.memory_space<semaphore_mem>>)
      %slice3A_269 = vector.extract_strided_slice %get3A_91 {offsets = [10], sizes = [1], strides = [1]} : vector<16xi32> to vector<1xi32>
      %squeeze3A_270 = vector.extract %slice3A_269[0] : i32 from vector<1xi32>
      %mul3A_271 = arith.constant 16 : i32
      %mul3A_272 = arith.muli %scan3A_85, %mul3A_271 : i32
      %add3A_273 = arith.constant 10 : i32
      %add3A_274 = arith.addi %mul3A_272, %add3A_273 : i32
      %dma_start3A_275 = arith.constant 0 : i32
      %dma_start3A_276 = tpu.memref_slice %arg13[%add3A_274, %dma_start3A_275] : memref<256x64xf32, #tpu.memory_space<vmem>> -> memref<1x64xf32, #tpu.memory_space<vmem>>
      %dma_start3A_277 = tpu.memref_squeeze %dma_start3A_276 : memref<1x64xf32, #tpu.memory_space<vmem>> -> memref<64xf32, #tpu.memory_space<vmem>>
      %dma_start3A_278 = arith.constant 0 : i32
      %dma_start3A_279 = tpu.memref_slice %arg5[%squeeze3A_270, %dma_start3A_278] : memref<1000000x64xf32, #tpu.memory_space<hbm>> -> memref<1x64xf32, #tpu.memory_space<hbm>>
      %dma_start3A_280 = tpu.memref_squeeze %dma_start3A_279 : memref<1x64xf32, #tpu.memory_space<hbm>> -> memref<64xf32, #tpu.memory_space<hbm>>
      %dma_start3A_281 = arith.constant 0 : i32
      %dma_start3A_282 = tpu.memref_slice %arg13[%add3A_274, %dma_start3A_281] : memref<256x64xf32, #tpu.memory_space<vmem>> -> memref<1x64xf32, #tpu.memory_space<vmem>>
      %dma_start3A_283 = tpu.memref_squeeze %dma_start3A_282 : memref<1x64xf32, #tpu.memory_space<vmem>> -> memref<64xf32, #tpu.memory_space<vmem>>
      %dma_start3A_284 = arith.constant 0 : i32
      %dma_start3A_285 = tpu.memref_slice %arg5[%squeeze3A_270, %dma_start3A_284] : memref<1000000x64xf32, #tpu.memory_space<hbm>> -> memref<1x64xf32, #tpu.memory_space<hbm>>
      %dma_start3A_286 = tpu.memref_squeeze %dma_start3A_285 : memref<1x64xf32, #tpu.memory_space<hbm>> -> memref<64xf32, #tpu.memory_space<hbm>>
      tpu.enqueue_dma source(%dma_start3A_286 : memref<64xf32, #tpu.memory_space<hbm>>) target(%dma_start3A_283 : memref<64xf32, #tpu.memory_space<vmem>>) target_semaphore(%arg16 : memref<!tpu.dma_semaphore, #tpu.memory_space<semaphore_mem>>)
      %slice3A_287 = vector.extract_strided_slice %get3A_91 {offsets = [11], sizes = [1], strides = [1]} : vector<16xi32> to vector<1xi32>
      %squeeze3A_288 = vector.extract %slice3A_287[0] : i32 from vector<1xi32>
      %mul3A_289 = arith.constant 16 : i32
      %mul3A_290 = arith.muli %scan3A_85, %mul3A_289 : i32
      %add3A_291 = arith.constant 11 : i32
      %add3A_292 = arith.addi %mul3A_290, %add3A_291 : i32
      %dma_start3A_293 = arith.constant 0 : i32
      %dma_start3A_294 = tpu.memref_slice %arg13[%add3A_292, %dma_start3A_293] : memref<256x64xf32, #tpu.memory_space<vmem>> -> memref<1x64xf32, #tpu.memory_space<vmem>>
      %dma_start3A_295 = tpu.memref_squeeze %dma_start3A_294 : memref<1x64xf32, #tpu.memory_space<vmem>> -> memref<64xf32, #tpu.memory_space<vmem>>
      %dma_start3A_296 = arith.constant 0 : i32
      %dma_start3A_297 = tpu.memref_slice %arg5[%squeeze3A_288, %dma_start3A_296] : memref<1000000x64xf32, #tpu.memory_space<hbm>> -> memref<1x64xf32, #tpu.memory_space<hbm>>
      %dma_start3A_298 = tpu.memref_squeeze %dma_start3A_297 : memref<1x64xf32, #tpu.memory_space<hbm>> -> memref<64xf32, #tpu.memory_space<hbm>>
      %dma_start3A_299 = arith.constant 0 : i32
      %dma_start3A_300 = tpu.memref_slice %arg13[%add3A_292, %dma_start3A_299] : memref<256x64xf32, #tpu.memory_space<vmem>> -> memref<1x64xf32, #tpu.memory_space<vmem>>
      %dma_start3A_301 = tpu.memref_squeeze %dma_start3A_300 : memref<1x64xf32, #tpu.memory_space<vmem>> -> memref<64xf32, #tpu.memory_space<vmem>>
      %dma_start3A_302 = arith.constant 0 : i32
      %dma_start3A_303 = tpu.memref_slice %arg5[%squeeze3A_288, %dma_start3A_302] : memref<1000000x64xf32, #tpu.memory_space<hbm>> -> memref<1x64xf32, #tpu.memory_space<hbm>>
      %dma_start3A_304 = tpu.memref_squeeze %dma_start3A_303 : memref<1x64xf32, #tpu.memory_space<hbm>> -> memref<64xf32, #tpu.memory_space<hbm>>
      tpu.enqueue_dma source(%dma_start3A_304 : memref<64xf32, #tpu.memory_space<hbm>>) target(%dma_start3A_301 : memref<64xf32, #tpu.memory_space<vmem>>) target_semaphore(%arg16 : memref<!tpu.dma_semaphore, #tpu.memory_space<semaphore_mem>>)
      %slice3A_305 = vector.extract_strided_slice %get3A_91 {offsets = [12], sizes = [1], strides = [1]} : vector<16xi32> to vector<1xi32>
      %squeeze3A_306 = vector.extract %slice3A_305[0] : i32 from vector<1xi32>
      %mul3A_307 = arith.constant 16 : i32
      %mul3A_308 = arith.muli %scan3A_85, %mul3A_307 : i32
      %add3A_309 = arith.constant 12 : i32
      %add3A_310 = arith.addi %mul3A_308, %add3A_309 : i32
      %dma_start3A_311 = arith.constant 0 : i32
      %dma_start3A_312 = tpu.memref_slice %arg13[%add3A_310, %dma_start3A_311] : memref<256x64xf32, #tpu.memory_space<vmem>> -> memref<1x64xf32, #tpu.memory_space<vmem>>
      %dma_start3A_313 = tpu.memref_squeeze %dma_start3A_312 : memref<1x64xf32, #tpu.memory_space<vmem>> -> memref<64xf32, #tpu.memory_space<vmem>>
      %dma_start3A_314 = arith.constant 0 : i32
      %dma_start3A_315 = tpu.memref_slice %arg5[%squeeze3A_306, %dma_start3A_314] : memref<1000000x64xf32, #tpu.memory_space<hbm>> -> memref<1x64xf32, #tpu.memory_space<hbm>>
      %dma_start3A_316 = tpu.memref_squeeze %dma_start3A_315 : memref<1x64xf32, #tpu.memory_space<hbm>> -> memref<64xf32, #tpu.memory_space<hbm>>
      %dma_start3A_317 = arith.constant 0 : i32
      %dma_start3A_318 = tpu.memref_slice %arg13[%add3A_310, %dma_start3A_317] : memref<256x64xf32, #tpu.memory_space<vmem>> -> memref<1x64xf32, #tpu.memory_space<vmem>>
      %dma_start3A_319 = tpu.memref_squeeze %dma_start3A_318 : memref<1x64xf32, #tpu.memory_space<vmem>> -> memref<64xf32, #tpu.memory_space<vmem>>
      %dma_start3A_320 = arith.constant 0 : i32
      %dma_start3A_321 = tpu.memref_slice %arg5[%squeeze3A_306, %dma_start3A_320] : memref<1000000x64xf32, #tpu.memory_space<hbm>> -> memref<1x64xf32, #tpu.memory_space<hbm>>
      %dma_start3A_322 = tpu.memref_squeeze %dma_start3A_321 : memref<1x64xf32, #tpu.memory_space<hbm>> -> memref<64xf32, #tpu.memory_space<hbm>>
      tpu.enqueue_dma source(%dma_start3A_322 : memref<64xf32, #tpu.memory_space<hbm>>) target(%dma_start3A_319 : memref<64xf32, #tpu.memory_space<vmem>>) target_semaphore(%arg16 : memref<!tpu.dma_semaphore, #tpu.memory_space<semaphore_mem>>)
      %slice3A_323 = vector.extract_strided_slice %get3A_91 {offsets = [13], sizes = [1], strides = [1]} : vector<16xi32> to vector<1xi32>
      %squeeze3A_324 = vector.extract %slice3A_323[0] : i32 from vector<1xi32>
      %mul3A_325 = arith.constant 16 : i32
      %mul3A_326 = arith.muli %scan3A_85, %mul3A_325 : i32
      %add3A_327 = arith.constant 13 : i32
      %add3A_328 = arith.addi %mul3A_326, %add3A_327 : i32
      %dma_start3A_329 = arith.constant 0 : i32
      %dma_start3A_330 = tpu.memref_slice %arg13[%add3A_328, %dma_start3A_329] : memref<256x64xf32, #tpu.memory_space<vmem>> -> memref<1x64xf32, #tpu.memory_space<vmem>>
      %dma_start3A_331 = tpu.memref_squeeze %dma_start3A_330 : memref<1x64xf32, #tpu.memory_space<vmem>> -> memref<64xf32, #tpu.memory_space<vmem>>
      %dma_start3A_332 = arith.constant 0 : i32
      %dma_start3A_333 = tpu.memref_slice %arg5[%squeeze3A_324, %dma_start3A_332] : memref<1000000x64xf32, #tpu.memory_space<hbm>> -> memref<1x64xf32, #tpu.memory_space<hbm>>
      %dma_start3A_334 = tpu.memref_squeeze %dma_start3A_333 : memref<1x64xf32, #tpu.memory_space<hbm>> -> memref<64xf32, #tpu.memory_space<hbm>>
      %dma_start3A_335 = arith.constant 0 : i32
      %dma_start3A_336 = tpu.memref_slice %arg13[%add3A_328, %dma_start3A_335] : memref<256x64xf32, #tpu.memory_space<vmem>> -> memref<1x64xf32, #tpu.memory_space<vmem>>
      %dma_start3A_337 = tpu.memref_squeeze %dma_start3A_336 : memref<1x64xf32, #tpu.memory_space<vmem>> -> memref<64xf32, #tpu.memory_space<vmem>>
      %dma_start3A_338 = arith.constant 0 : i32
      %dma_start3A_339 = tpu.memref_slice %arg5[%squeeze3A_324, %dma_start3A_338] : memref<1000000x64xf32, #tpu.memory_space<hbm>> -> memref<1x64xf32, #tpu.memory_space<hbm>>
      %dma_start3A_340 = tpu.memref_squeeze %dma_start3A_339 : memref<1x64xf32, #tpu.memory_space<hbm>> -> memref<64xf32, #tpu.memory_space<hbm>>
      tpu.enqueue_dma source(%dma_start3A_340 : memref<64xf32, #tpu.memory_space<hbm>>) target(%dma_start3A_337 : memref<64xf32, #tpu.memory_space<vmem>>) target_semaphore(%arg16 : memref<!tpu.dma_semaphore, #tpu.memory_space<semaphore_mem>>)
      %slice3A_341 = vector.extract_strided_slice %get3A_91 {offsets = [14], sizes = [1], strides = [1]} : vector<16xi32> to vector<1xi32>
      %squeeze3A_342 = vector.extract %slice3A_341[0] : i32 from vector<1xi32>
      %mul3A_343 = arith.constant 16 : i32
      %mul3A_344 = arith.muli %scan3A_85, %mul3A_343 : i32
      %add3A_345 = arith.constant 14 : i32
      %add3A_346 = arith.addi %mul3A_344, %add3A_345 : i32
      %dma_start3A_347 = arith.constant 0 : i32
      %dma_start3A_348 = tpu.memref_slice %arg13[%add3A_346, %dma_start3A_347] : memref<256x64xf32, #tpu.memory_space<vmem>> -> memref<1x64xf32, #tpu.memory_space<vmem>>
      %dma_start3A_349 = tpu.memref_squeeze %dma_start3A_348 : memref<1x64xf32, #tpu.memory_space<vmem>> -> memref<64xf32, #tpu.memory_space<vmem>>
      %dma_start3A_350 = arith.constant 0 : i32
      %dma_start3A_351 = tpu.memref_slice %arg5[%squeeze3A_342, %dma_start3A_350] : memref<1000000x64xf32, #tpu.memory_space<hbm>> -> memref<1x64xf32, #tpu.memory_space<hbm>>
      %dma_start3A_352 = tpu.memref_squeeze %dma_start3A_351 : memref<1x64xf32, #tpu.memory_space<hbm>> -> memref<64xf32, #tpu.memory_space<hbm>>
      %dma_start3A_353 = arith.constant 0 : i32
      %dma_start3A_354 = tpu.memref_slice %arg13[%add3A_346, %dma_start3A_353] : memref<256x64xf32, #tpu.memory_space<vmem>> -> memref<1x64xf32, #tpu.memory_space<vmem>>
      %dma_start3A_355 = tpu.memref_squeeze %dma_start3A_354 : memref<1x64xf32, #tpu.memory_space<vmem>> -> memref<64xf32, #tpu.memory_space<vmem>>
      %dma_start3A_356 = arith.constant 0 : i32
      %dma_start3A_357 = tpu.memref_slice %arg5[%squeeze3A_342, %dma_start3A_356] : memref<1000000x64xf32, #tpu.memory_space<hbm>> -> memref<1x64xf32, #tpu.memory_space<hbm>>
      %dma_start3A_358 = tpu.memref_squeeze %dma_start3A_357 : memref<1x64xf32, #tpu.memory_space<hbm>> -> memref<64xf32, #tpu.memory_space<hbm>>
      tpu.enqueue_dma source(%dma_start3A_358 : memref<64xf32, #tpu.memory_space<hbm>>) target(%dma_start3A_355 : memref<64xf32, #tpu.memory_space<vmem>>) target_semaphore(%arg16 : memref<!tpu.dma_semaphore, #tpu.memory_space<semaphore_mem>>)
      %slice3A_359 = vector.extract_strided_slice %get3A_91 {offsets = [15], sizes = [1], strides = [1]} : vector<16xi32> to vector<1xi32>
      %squeeze3A_360 = vector.extract %slice3A_359[0] : i32 from vector<1xi32>
      %mul3A_361 = arith.constant 16 : i32
      %mul3A_362 = arith.muli %scan3A_85, %mul3A_361 : i32
      %add3A_363 = arith.constant 15 : i32
      %add3A_364 = arith.addi %mul3A_362, %add3A_363 : i32
      %dma_start3A_365 = arith.constant 0 : i32
      %dma_start3A_366 = tpu.memref_slice %arg13[%add3A_364, %dma_start3A_365] : memref<256x64xf32, #tpu.memory_space<vmem>> -> memref<1x64xf32, #tpu.memory_space<vmem>>
      %dma_start3A_367 = tpu.memref_squeeze %dma_start3A_366 : memref<1x64xf32, #tpu.memory_space<vmem>> -> memref<64xf32, #tpu.memory_space<vmem>>
      %dma_start3A_368 = arith.constant 0 : i32
      %dma_start3A_369 = tpu.memref_slice %arg5[%squeeze3A_360, %dma_start3A_368] : memref<1000000x64xf32, #tpu.memory_space<hbm>> -> memref<1x64xf32, #tpu.memory_space<hbm>>
      %dma_start3A_370 = tpu.memref_squeeze %dma_start3A_369 : memref<1x64xf32, #tpu.memory_space<hbm>> -> memref<64xf32, #tpu.memory_space<hbm>>
      %dma_start3A_371 = arith.constant 0 : i32
      %dma_start3A_372 = tpu.memref_slice %arg13[%add3A_364, %dma_start3A_371] : memref<256x64xf32, #tpu.memory_space<vmem>> -> memref<1x64xf32, #tpu.memory_space<vmem>>
      %dma_start3A_373 = tpu.memref_squeeze %dma_start3A_372 : memref<1x64xf32, #tpu.memory_space<vmem>> -> memref<64xf32, #tpu.memory_space<vmem>>
      %dma_start3A_374 = arith.constant 0 : i32
      %dma_start3A_375 = tpu.memref_slice %arg5[%squeeze3A_360, %dma_start3A_374] : memref<1000000x64xf32, #tpu.memory_space<hbm>> -> memref<1x64xf32, #tpu.memory_space<hbm>>
      %dma_start3A_376 = tpu.memref_squeeze %dma_start3A_375 : memref<1x64xf32, #tpu.memory_space<hbm>> -> memref<64xf32, #tpu.memory_space<hbm>>
      tpu.enqueue_dma source(%dma_start3A_376 : memref<64xf32, #tpu.memory_space<hbm>>) target(%dma_start3A_373 : memref<64xf32, #tpu.memory_space<vmem>>) target_semaphore(%arg16 : memref<!tpu.dma_semaphore, #tpu.memory_space<semaphore_mem>>)
    }
    %scan3A_7 = arith.constant 16 : i32
    %scan3A_8 = arith.constant 0 : i32
    %scan3A_9 = arith.constant 0 : i32
    %scan3A_10 = arith.constant 16 : i32
    %scan3A_11 = arith.addi %scan3A_9, %scan3A_10 : i32
    %scan3A_12 = arith.constant 1 : i32
    scf.for %scan3A_85 = %scan3A_9 to %scan3A_11 step %scan3A_12  : i32 {
      %mul3A_86 = arith.constant 16 : i32
      %mul3A_87 = arith.muli %scan3A_85, %mul3A_86 : i32
      %add3A_88 = arith.constant 0 : i32
      %add3A_89 = arith.addi %add3A_88, %mul3A_87 : i32
      %get3A = arith.index_cast %add3A_89 : i32 to index
      %get3A_90 = tpu.vector_load %arg11[%get3A] {strides = array<i32>} : memref<512xi32, #tpu.memory_space<vmem>>, vector<16xi32>,
      %get3A_91 = vector.shape_cast %get3A_90 : vector<16xi32> to vector<16xi32>
      %slice3A = vector.extract_strided_slice %get3A_91 {offsets = [0], sizes = [1], strides = [1]} : vector<16xi32> to vector<1xi32>
      %squeeze3A = vector.extract %slice3A[0] : i32 from vector<1xi32>
      %mul3A_92 = arith.constant 16 : i32
      %mul3A_93 = arith.muli %scan3A_85, %mul3A_92 : i32
      %add3A_94 = arith.constant 0 : i32
      %add3A_95 = arith.addi %mul3A_93, %add3A_94 : i32
      %dma_start3A = arith.constant 0 : i32
      %dma_start3A_96 = tpu.memref_slice %arg14[%add3A_95, %dma_start3A] : memref<256x64xf32, #tpu.memory_space<vmem>> -> memref<1x64xf32, #tpu.memory_space<vmem>>
      %dma_start3A_97 = tpu.memref_squeeze %dma_start3A_96 : memref<1x64xf32, #tpu.memory_space<vmem>> -> memref<64xf32, #tpu.memory_space<vmem>>
      %dma_start3A_98 = arith.constant 0 : i32
      %dma_start3A_99 = tpu.memref_slice %arg6[%squeeze3A, %dma_start3A_98] : memref<1000000x64xf32, #tpu.memory_space<hbm>> -> memref<1x64xf32, #tpu.memory_space<hbm>>
      %dma_start3A_100 = tpu.memref_squeeze %dma_start3A_99 : memref<1x64xf32, #tpu.memory_space<hbm>> -> memref<64xf32, #tpu.memory_space<hbm>>
      %dma_start3A_101 = arith.constant 0 : i32
      %dma_start3A_102 = tpu.memref_slice %arg14[%add3A_95, %dma_start3A_101] : memref<256x64xf32, #tpu.memory_space<vmem>> -> memref<1x64xf32, #tpu.memory_space<vmem>>
      %dma_start3A_103 = tpu.memref_squeeze %dma_start3A_102 : memref<1x64xf32, #tpu.memory_space<vmem>> -> memref<64xf32, #tpu.memory_space<vmem>>
      %dma_start3A_104 = arith.constant 0 : i32
      %dma_start3A_105 = tpu.memref_slice %arg6[%squeeze3A, %dma_start3A_104] : memref<1000000x64xf32, #tpu.memory_space<hbm>> -> memref<1x64xf32, #tpu.memory_space<hbm>>
      %dma_start3A_106 = tpu.memref_squeeze %dma_start3A_105 : memref<1x64xf32, #tpu.memory_space<hbm>> -> memref<64xf32, #tpu.memory_space<hbm>>
      tpu.enqueue_dma source(%dma_start3A_106 : memref<64xf32, #tpu.memory_space<hbm>>) target(%dma_start3A_103 : memref<64xf32, #tpu.memory_space<vmem>>) target_semaphore(%arg17 : memref<!tpu.dma_semaphore, #tpu.memory_space<semaphore_mem>>)
      %slice3A_107 = vector.extract_strided_slice %get3A_91 {offsets = [1], sizes = [1], strides = [1]} : vector<16xi32> to vector<1xi32>
      %squeeze3A_108 = vector.extract %slice3A_107[0] : i32 from vector<1xi32>
      %mul3A_109 = arith.constant 16 : i32
      %mul3A_110 = arith.muli %scan3A_85, %mul3A_109 : i32
      %add3A_111 = arith.constant 1 : i32
      %add3A_112 = arith.addi %mul3A_110, %add3A_111 : i32
      %dma_start3A_113 = arith.constant 0 : i32
      %dma_start3A_114 = tpu.memref_slice %arg14[%add3A_112, %dma_start3A_113] : memref<256x64xf32, #tpu.memory_space<vmem>> -> memref<1x64xf32, #tpu.memory_space<vmem>>
      %dma_start3A_115 = tpu.memref_squeeze %dma_start3A_114 : memref<1x64xf32, #tpu.memory_space<vmem>> -> memref<64xf32, #tpu.memory_space<vmem>>
      %dma_start3A_116 = arith.constant 0 : i32
      %dma_start3A_117 = tpu.memref_slice %arg6[%squeeze3A_108, %dma_start3A_116] : memref<1000000x64xf32, #tpu.memory_space<hbm>> -> memref<1x64xf32, #tpu.memory_space<hbm>>
      %dma_start3A_118 = tpu.memref_squeeze %dma_start3A_117 : memref<1x64xf32, #tpu.memory_space<hbm>> -> memref<64xf32, #tpu.memory_space<hbm>>
      %dma_start3A_119 = arith.constant 0 : i32
      %dma_start3A_120 = tpu.memref_slice %arg14[%add3A_112, %dma_start3A_119] : memref<256x64xf32, #tpu.memory_space<vmem>> -> memref<1x64xf32, #tpu.memory_space<vmem>>
      %dma_start3A_121 = tpu.memref_squeeze %dma_start3A_120 : memref<1x64xf32, #tpu.memory_space<vmem>> -> memref<64xf32, #tpu.memory_space<vmem>>
      %dma_start3A_122 = arith.constant 0 : i32
      %dma_start3A_123 = tpu.memref_slice %arg6[%squeeze3A_108, %dma_start3A_122] : memref<1000000x64xf32, #tpu.memory_space<hbm>> -> memref<1x64xf32, #tpu.memory_space<hbm>>
      %dma_start3A_124 = tpu.memref_squeeze %dma_start3A_123 : memref<1x64xf32, #tpu.memory_space<hbm>> -> memref<64xf32, #tpu.memory_space<hbm>>
      tpu.enqueue_dma source(%dma_start3A_124 : memref<64xf32, #tpu.memory_space<hbm>>) target(%dma_start3A_121 : memref<64xf32, #tpu.memory_space<vmem>>) target_semaphore(%arg17 : memref<!tpu.dma_semaphore, #tpu.memory_space<semaphore_mem>>)
      %slice3A_125 = vector.extract_strided_slice %get3A_91 {offsets = [2], sizes = [1], strides = [1]} : vector<16xi32> to vector<1xi32>
      %squeeze3A_126 = vector.extract %slice3A_125[0] : i32 from vector<1xi32>
      %mul3A_127 = arith.constant 16 : i32
      %mul3A_128 = arith.muli %scan3A_85, %mul3A_127 : i32
      %add3A_129 = arith.constant 2 : i32
      %add3A_130 = arith.addi %mul3A_128, %add3A_129 : i32
      %dma_start3A_131 = arith.constant 0 : i32
      %dma_start3A_132 = tpu.memref_slice %arg14[%add3A_130, %dma_start3A_131] : memref<256x64xf32, #tpu.memory_space<vmem>> -> memref<1x64xf32, #tpu.memory_space<vmem>>
      %dma_start3A_133 = tpu.memref_squeeze %dma_start3A_132 : memref<1x64xf32, #tpu.memory_space<vmem>> -> memref<64xf32, #tpu.memory_space<vmem>>
      %dma_start3A_134 = arith.constant 0 : i32
      %dma_start3A_135 = tpu.memref_slice %arg6[%squeeze3A_126, %dma_start3A_134] : memref<1000000x64xf32, #tpu.memory_space<hbm>> -> memref<1x64xf32, #tpu.memory_space<hbm>>
      %dma_start3A_136 = tpu.memref_squeeze %dma_start3A_135 : memref<1x64xf32, #tpu.memory_space<hbm>> -> memref<64xf32, #tpu.memory_space<hbm>>
      %dma_start3A_137 = arith.constant 0 : i32
      %dma_start3A_138 = tpu.memref_slice %arg14[%add3A_130, %dma_start3A_137] : memref<256x64xf32, #tpu.memory_space<vmem>> -> memref<1x64xf32, #tpu.memory_space<vmem>>
      %dma_start3A_139 = tpu.memref_squeeze %dma_start3A_138 : memref<1x64xf32, #tpu.memory_space<vmem>> -> memref<64xf32, #tpu.memory_space<vmem>>
      %dma_start3A_140 = arith.constant 0 : i32
      %dma_start3A_141 = tpu.memref_slice %arg6[%squeeze3A_126, %dma_start3A_140] : memref<1000000x64xf32, #tpu.memory_space<hbm>> -> memref<1x64xf32, #tpu.memory_space<hbm>>
      %dma_start3A_142 = tpu.memref_squeeze %dma_start3A_141 : memref<1x64xf32, #tpu.memory_space<hbm>> -> memref<64xf32, #tpu.memory_space<hbm>>
      tpu.enqueue_dma source(%dma_start3A_142 : memref<64xf32, #tpu.memory_space<hbm>>) target(%dma_start3A_139 : memref<64xf32, #tpu.memory_space<vmem>>) target_semaphore(%arg17 : memref<!tpu.dma_semaphore, #tpu.memory_space<semaphore_mem>>)
      %slice3A_143 = vector.extract_strided_slice %get3A_91 {offsets = [3], sizes = [1], strides = [1]} : vector<16xi32> to vector<1xi32>
      %squeeze3A_144 = vector.extract %slice3A_143[0] : i32 from vector<1xi32>
      %mul3A_145 = arith.constant 16 : i32
      %mul3A_146 = arith.muli %scan3A_85, %mul3A_145 : i32
      %add3A_147 = arith.constant 3 : i32
      %add3A_148 = arith.addi %mul3A_146, %add3A_147 : i32
      %dma_start3A_149 = arith.constant 0 : i32
      %dma_start3A_150 = tpu.memref_slice %arg14[%add3A_148, %dma_start3A_149] : memref<256x64xf32, #tpu.memory_space<vmem>> -> memref<1x64xf32, #tpu.memory_space<vmem>>
      %dma_start3A_151 = tpu.memref_squeeze %dma_start3A_150 : memref<1x64xf32, #tpu.memory_space<vmem>> -> memref<64xf32, #tpu.memory_space<vmem>>
      %dma_start3A_152 = arith.constant 0 : i32
      %dma_start3A_153 = tpu.memref_slice %arg6[%squeeze3A_144, %dma_start3A_152] : memref<1000000x64xf32, #tpu.memory_space<hbm>> -> memref<1x64xf32, #tpu.memory_space<hbm>>
      %dma_start3A_154 = tpu.memref_squeeze %dma_start3A_153 : memref<1x64xf32, #tpu.memory_space<hbm>> -> memref<64xf32, #tpu.memory_space<hbm>>
      %dma_start3A_155 = arith.constant 0 : i32
      %dma_start3A_156 = tpu.memref_slice %arg14[%add3A_148, %dma_start3A_155] : memref<256x64xf32, #tpu.memory_space<vmem>> -> memref<1x64xf32, #tpu.memory_space<vmem>>
      %dma_start3A_157 = tpu.memref_squeeze %dma_start3A_156 : memref<1x64xf32, #tpu.memory_space<vmem>> -> memref<64xf32, #tpu.memory_space<vmem>>
      %dma_start3A_158 = arith.constant 0 : i32
      %dma_start3A_159 = tpu.memref_slice %arg6[%squeeze3A_144, %dma_start3A_158] : memref<1000000x64xf32, #tpu.memory_space<hbm>> -> memref<1x64xf32, #tpu.memory_space<hbm>>
      %dma_start3A_160 = tpu.memref_squeeze %dma_start3A_159 : memref<1x64xf32, #tpu.memory_space<hbm>> -> memref<64xf32, #tpu.memory_space<hbm>>
      tpu.enqueue_dma source(%dma_start3A_160 : memref<64xf32, #tpu.memory_space<hbm>>) target(%dma_start3A_157 : memref<64xf32, #tpu.memory_space<vmem>>) target_semaphore(%arg17 : memref<!tpu.dma_semaphore, #tpu.memory_space<semaphore_mem>>)
      %slice3A_161 = vector.extract_strided_slice %get3A_91 {offsets = [4], sizes = [1], strides = [1]} : vector<16xi32> to vector<1xi32>
      %squeeze3A_162 = vector.extract %slice3A_161[0] : i32 from vector<1xi32>
      %mul3A_163 = arith.constant 16 : i32
      %mul3A_164 = arith.muli %scan3A_85, %mul3A_163 : i32
      %add3A_165 = arith.constant 4 : i32
      %add3A_166 = arith.addi %mul3A_164, %add3A_165 : i32
      %dma_start3A_167 = arith.constant 0 : i32
      %dma_start3A_168 = tpu.memref_slice %arg14[%add3A_166, %dma_start3A_167] : memref<256x64xf32, #tpu.memory_space<vmem>> -> memref<1x64xf32, #tpu.memory_space<vmem>>
      %dma_start3A_169 = tpu.memref_squeeze %dma_start3A_168 : memref<1x64xf32, #tpu.memory_space<vmem>> -> memref<64xf32, #tpu.memory_space<vmem>>
      %dma_start3A_170 = arith.constant 0 : i32
      %dma_start3A_171 = tpu.memref_slice %arg6[%squeeze3A_162, %dma_start3A_170] : memref<1000000x64xf32, #tpu.memory_space<hbm>> -> memref<1x64xf32, #tpu.memory_space<hbm>>
      %dma_start3A_172 = tpu.memref_squeeze %dma_start3A_171 : memref<1x64xf32, #tpu.memory_space<hbm>> -> memref<64xf32, #tpu.memory_space<hbm>>
      %dma_start3A_173 = arith.constant 0 : i32
      %dma_start3A_174 = tpu.memref_slice %arg14[%add3A_166, %dma_start3A_173] : memref<256x64xf32, #tpu.memory_space<vmem>> -> memref<1x64xf32, #tpu.memory_space<vmem>>
      %dma_start3A_175 = tpu.memref_squeeze %dma_start3A_174 : memref<1x64xf32, #tpu.memory_space<vmem>> -> memref<64xf32, #tpu.memory_space<vmem>>
      %dma_start3A_176 = arith.constant 0 : i32
      %dma_start3A_177 = tpu.memref_slice %arg6[%squeeze3A_162, %dma_start3A_176] : memref<1000000x64xf32, #tpu.memory_space<hbm>> -> memref<1x64xf32, #tpu.memory_space<hbm>>
      %dma_start3A_178 = tpu.memref_squeeze %dma_start3A_177 : memref<1x64xf32, #tpu.memory_space<hbm>> -> memref<64xf32, #tpu.memory_space<hbm>>
      tpu.enqueue_dma source(%dma_start3A_178 : memref<64xf32, #tpu.memory_space<hbm>>) target(%dma_start3A_175 : memref<64xf32, #tpu.memory_space<vmem>>) target_semaphore(%arg17 : memref<!tpu.dma_semaphore, #tpu.memory_space<semaphore_mem>>)
      %slice3A_179 = vector.extract_strided_slice %get3A_91 {offsets = [5], sizes = [1], strides = [1]} : vector<16xi32> to vector<1xi32>
      %squeeze3A_180 = vector.extract %slice3A_179[0] : i32 from vector<1xi32>
      %mul3A_181 = arith.constant 16 : i32
      %mul3A_182 = arith.muli %scan3A_85, %mul3A_181 : i32
      %add3A_183 = arith.constant 5 : i32
      %add3A_184 = arith.addi %mul3A_182, %add3A_183 : i32
      %dma_start3A_185 = arith.constant 0 : i32
      %dma_start3A_186 = tpu.memref_slice %arg14[%add3A_184, %dma_start3A_185] : memref<256x64xf32, #tpu.memory_space<vmem>> -> memref<1x64xf32, #tpu.memory_space<vmem>>
      %dma_start3A_187 = tpu.memref_squeeze %dma_start3A_186 : memref<1x64xf32, #tpu.memory_space<vmem>> -> memref<64xf32, #tpu.memory_space<vmem>>
      %dma_start3A_188 = arith.constant 0 : i32
      %dma_start3A_189 = tpu.memref_slice %arg6[%squeeze3A_180, %dma_start3A_188] : memref<1000000x64xf32, #tpu.memory_space<hbm>> -> memref<1x64xf32, #tpu.memory_space<hbm>>
      %dma_start3A_190 = tpu.memref_squeeze %dma_start3A_189 : memref<1x64xf32, #tpu.memory_space<hbm>> -> memref<64xf32, #tpu.memory_space<hbm>>
      %dma_start3A_191 = arith.constant 0 : i32
      %dma_start3A_192 = tpu.memref_slice %arg14[%add3A_184, %dma_start3A_191] : memref<256x64xf32, #tpu.memory_space<vmem>> -> memref<1x64xf32, #tpu.memory_space<vmem>>
      %dma_start3A_193 = tpu.memref_squeeze %dma_start3A_192 : memref<1x64xf32, #tpu.memory_space<vmem>> -> memref<64xf32, #tpu.memory_space<vmem>>
      %dma_start3A_194 = arith.constant 0 : i32
      %dma_start3A_195 = tpu.memref_slice %arg6[%squeeze3A_180, %dma_start3A_194] : memref<1000000x64xf32, #tpu.memory_space<hbm>> -> memref<1x64xf32, #tpu.memory_space<hbm>>
      %dma_start3A_196 = tpu.memref_squeeze %dma_start3A_195 : memref<1x64xf32, #tpu.memory_space<hbm>> -> memref<64xf32, #tpu.memory_space<hbm>>
      tpu.enqueue_dma source(%dma_start3A_196 : memref<64xf32, #tpu.memory_space<hbm>>) target(%dma_start3A_193 : memref<64xf32, #tpu.memory_space<vmem>>) target_semaphore(%arg17 : memref<!tpu.dma_semaphore, #tpu.memory_space<semaphore_mem>>)
      %slice3A_197 = vector.extract_strided_slice %get3A_91 {offsets = [6], sizes = [1], strides = [1]} : vector<16xi32> to vector<1xi32>
      %squeeze3A_198 = vector.extract %slice3A_197[0] : i32 from vector<1xi32>
      %mul3A_199 = arith.constant 16 : i32
      %mul3A_200 = arith.muli %scan3A_85, %mul3A_199 : i32
      %add3A_201 = arith.constant 6 : i32
      %add3A_202 = arith.addi %mul3A_200, %add3A_201 : i32
      %dma_start3A_203 = arith.constant 0 : i32
      %dma_start3A_204 = tpu.memref_slice %arg14[%add3A_202, %dma_start3A_203] : memref<256x64xf32, #tpu.memory_space<vmem>> -> memref<1x64xf32, #tpu.memory_space<vmem>>
      %dma_start3A_205 = tpu.memref_squeeze %dma_start3A_204 : memref<1x64xf32, #tpu.memory_space<vmem>> -> memref<64xf32, #tpu.memory_space<vmem>>
      %dma_start3A_206 = arith.constant 0 : i32
      %dma_start3A_207 = tpu.memref_slice %arg6[%squeeze3A_198, %dma_start3A_206] : memref<1000000x64xf32, #tpu.memory_space<hbm>> -> memref<1x64xf32, #tpu.memory_space<hbm>>
      %dma_start3A_208 = tpu.memref_squeeze %dma_start3A_207 : memref<1x64xf32, #tpu.memory_space<hbm>> -> memref<64xf32, #tpu.memory_space<hbm>>
      %dma_start3A_209 = arith.constant 0 : i32
      %dma_start3A_210 = tpu.memref_slice %arg14[%add3A_202, %dma_start3A_209] : memref<256x64xf32, #tpu.memory_space<vmem>> -> memref<1x64xf32, #tpu.memory_space<vmem>>
      %dma_start3A_211 = tpu.memref_squeeze %dma_start3A_210 : memref<1x64xf32, #tpu.memory_space<vmem>> -> memref<64xf32, #tpu.memory_space<vmem>>
      %dma_start3A_212 = arith.constant 0 : i32
      %dma_start3A_213 = tpu.memref_slice %arg6[%squeeze3A_198, %dma_start3A_212] : memref<1000000x64xf32, #tpu.memory_space<hbm>> -> memref<1x64xf32, #tpu.memory_space<hbm>>
      %dma_start3A_214 = tpu.memref_squeeze %dma_start3A_213 : memref<1x64xf32, #tpu.memory_space<hbm>> -> memref<64xf32, #tpu.memory_space<hbm>>
      tpu.enqueue_dma source(%dma_start3A_214 : memref<64xf32, #tpu.memory_space<hbm>>) target(%dma_start3A_211 : memref<64xf32, #tpu.memory_space<vmem>>) target_semaphore(%arg17 : memref<!tpu.dma_semaphore, #tpu.memory_space<semaphore_mem>>)
      %slice3A_215 = vector.extract_strided_slice %get3A_91 {offsets = [7], sizes = [1], strides = [1]} : vector<16xi32> to vector<1xi32>
      %squeeze3A_216 = vector.extract %slice3A_215[0] : i32 from vector<1xi32>
      %mul3A_217 = arith.constant 16 : i32
      %mul3A_218 = arith.muli %scan3A_85, %mul3A_217 : i32
      %add3A_219 = arith.constant 7 : i32
      %add3A_220 = arith.addi %mul3A_218, %add3A_219 : i32
      %dma_start3A_221 = arith.constant 0 : i32
      %dma_start3A_222 = tpu.memref_slice %arg14[%add3A_220, %dma_start3A_221] : memref<256x64xf32, #tpu.memory_space<vmem>> -> memref<1x64xf32, #tpu.memory_space<vmem>>
      %dma_start3A_223 = tpu.memref_squeeze %dma_start3A_222 : memref<1x64xf32, #tpu.memory_space<vmem>> -> memref<64xf32, #tpu.memory_space<vmem>>
      %dma_start3A_224 = arith.constant 0 : i32
      %dma_start3A_225 = tpu.memref_slice %arg6[%squeeze3A_216, %dma_start3A_224] : memref<1000000x64xf32, #tpu.memory_space<hbm>> -> memref<1x64xf32, #tpu.memory_space<hbm>>
      %dma_start3A_226 = tpu.memref_squeeze %dma_start3A_225 : memref<1x64xf32, #tpu.memory_space<hbm>> -> memref<64xf32, #tpu.memory_space<hbm>>
      %dma_start3A_227 = arith.constant 0 : i32
      %dma_start3A_228 = tpu.memref_slice %arg14[%add3A_220, %dma_start3A_227] : memref<256x64xf32, #tpu.memory_space<vmem>> -> memref<1x64xf32, #tpu.memory_space<vmem>>
      %dma_start3A_229 = tpu.memref_squeeze %dma_start3A_228 : memref<1x64xf32, #tpu.memory_space<vmem>> -> memref<64xf32, #tpu.memory_space<vmem>>
      %dma_start3A_230 = arith.constant 0 : i32
      %dma_start3A_231 = tpu.memref_slice %arg6[%squeeze3A_216, %dma_start3A_230] : memref<1000000x64xf32, #tpu.memory_space<hbm>> -> memref<1x64xf32, #tpu.memory_space<hbm>>
      %dma_start3A_232 = tpu.memref_squeeze %dma_start3A_231 : memref<1x64xf32, #tpu.memory_space<hbm>> -> memref<64xf32, #tpu.memory_space<hbm>>
      tpu.enqueue_dma source(%dma_start3A_232 : memref<64xf32, #tpu.memory_space<hbm>>) target(%dma_start3A_229 : memref<64xf32, #tpu.memory_space<vmem>>) target_semaphore(%arg17 : memref<!tpu.dma_semaphore, #tpu.memory_space<semaphore_mem>>)
      %slice3A_233 = vector.extract_strided_slice %get3A_91 {offsets = [8], sizes = [1], strides = [1]} : vector<16xi32> to vector<1xi32>
      %squeeze3A_234 = vector.extract %slice3A_233[0] : i32 from vector<1xi32>
      %mul3A_235 = arith.constant 16 : i32
      %mul3A_236 = arith.muli %scan3A_85, %mul3A_235 : i32
      %add3A_237 = arith.constant 8 : i32
      %add3A_238 = arith.addi %mul3A_236, %add3A_237 : i32
      %dma_start3A_239 = arith.constant 0 : i32
      %dma_start3A_240 = tpu.memref_slice %arg14[%add3A_238, %dma_start3A_239] : memref<256x64xf32, #tpu.memory_space<vmem>> -> memref<1x64xf32, #tpu.memory_space<vmem>>
      %dma_start3A_241 = tpu.memref_squeeze %dma_start3A_240 : memref<1x64xf32, #tpu.memory_space<vmem>> -> memref<64xf32, #tpu.memory_space<vmem>>
      %dma_start3A_242 = arith.constant 0 : i32
      %dma_start3A_243 = tpu.memref_slice %arg6[%squeeze3A_234, %dma_start3A_242] : memref<1000000x64xf32, #tpu.memory_space<hbm>> -> memref<1x64xf32, #tpu.memory_space<hbm>>
      %dma_start3A_244 = tpu.memref_squeeze %dma_start3A_243 : memref<1x64xf32, #tpu.memory_space<hbm>> -> memref<64xf32, #tpu.memory_space<hbm>>
      %dma_start3A_245 = arith.constant 0 : i32
      %dma_start3A_246 = tpu.memref_slice %arg14[%add3A_238, %dma_start3A_245] : memref<256x64xf32, #tpu.memory_space<vmem>> -> memref<1x64xf32, #tpu.memory_space<vmem>>
      %dma_start3A_247 = tpu.memref_squeeze %dma_start3A_246 : memref<1x64xf32, #tpu.memory_space<vmem>> -> memref<64xf32, #tpu.memory_space<vmem>>
      %dma_start3A_248 = arith.constant 0 : i32
      %dma_start3A_249 = tpu.memref_slice %arg6[%squeeze3A_234, %dma_start3A_248] : memref<1000000x64xf32, #tpu.memory_space<hbm>> -> memref<1x64xf32, #tpu.memory_space<hbm>>
      %dma_start3A_250 = tpu.memref_squeeze %dma_start3A_249 : memref<1x64xf32, #tpu.memory_space<hbm>> -> memref<64xf32, #tpu.memory_space<hbm>>
      tpu.enqueue_dma source(%dma_start3A_250 : memref<64xf32, #tpu.memory_space<hbm>>) target(%dma_start3A_247 : memref<64xf32, #tpu.memory_space<vmem>>) target_semaphore(%arg17 : memref<!tpu.dma_semaphore, #tpu.memory_space<semaphore_mem>>)
      %slice3A_251 = vector.extract_strided_slice %get3A_91 {offsets = [9], sizes = [1], strides = [1]} : vector<16xi32> to vector<1xi32>
      %squeeze3A_252 = vector.extract %slice3A_251[0] : i32 from vector<1xi32>
      %mul3A_253 = arith.constant 16 : i32
      %mul3A_254 = arith.muli %scan3A_85, %mul3A_253 : i32
      %add3A_255 = arith.constant 9 : i32
      %add3A_256 = arith.addi %mul3A_254, %add3A_255 : i32
      %dma_start3A_257 = arith.constant 0 : i32
      %dma_start3A_258 = tpu.memref_slice %arg14[%add3A_256, %dma_start3A_257] : memref<256x64xf32, #tpu.memory_space<vmem>> -> memref<1x64xf32, #tpu.memory_space<vmem>>
      %dma_start3A_259 = tpu.memref_squeeze %dma_start3A_258 : memref<1x64xf32, #tpu.memory_space<vmem>> -> memref<64xf32, #tpu.memory_space<vmem>>
      %dma_start3A_260 = arith.constant 0 : i32
      %dma_start3A_261 = tpu.memref_slice %arg6[%squeeze3A_252, %dma_start3A_260] : memref<1000000x64xf32, #tpu.memory_space<hbm>> -> memref<1x64xf32, #tpu.memory_space<hbm>>
      %dma_start3A_262 = tpu.memref_squeeze %dma_start3A_261 : memref<1x64xf32, #tpu.memory_space<hbm>> -> memref<64xf32, #tpu.memory_space<hbm>>
      %dma_start3A_263 = arith.constant 0 : i32
      %dma_start3A_264 = tpu.memref_slice %arg14[%add3A_256, %dma_start3A_263] : memref<256x64xf32, #tpu.memory_space<vmem>> -> memref<1x64xf32, #tpu.memory_space<vmem>>
      %dma_start3A_265 = tpu.memref_squeeze %dma_start3A_264 : memref<1x64xf32, #tpu.memory_space<vmem>> -> memref<64xf32, #tpu.memory_space<vmem>>
      %dma_start3A_266 = arith.constant 0 : i32
      %dma_start3A_267 = tpu.memref_slice %arg6[%squeeze3A_252, %dma_start3A_266] : memref<1000000x64xf32, #tpu.memory_space<hbm>> -> memref<1x64xf32, #tpu.memory_space<hbm>>
      %dma_start3A_268 = tpu.memref_squeeze %dma_start3A_267 : memref<1x64xf32, #tpu.memory_space<hbm>> -> memref<64xf32, #tpu.memory_space<hbm>>
      tpu.enqueue_dma source(%dma_start3A_268 : memref<64xf32, #tpu.memory_space<hbm>>) target(%dma_start3A_265 : memref<64xf32, #tpu.memory_space<vmem>>) target_semaphore(%arg17 : memref<!tpu.dma_semaphore, #tpu.memory_space<semaphore_mem>>)
      %slice3A_269 = vector.extract_strided_slice %get3A_91 {offsets = [10], sizes = [1], strides = [1]} : vector<16xi32> to vector<1xi32>
      %squeeze3A_270 = vector.extract %slice3A_269[0] : i32 from vector<1xi32>
      %mul3A_271 = arith.constant 16 : i32
      %mul3A_272 = arith.muli %scan3A_85, %mul3A_271 : i32
      %add3A_273 = arith.constant 10 : i32
      %add3A_274 = arith.addi %mul3A_272, %add3A_273 : i32
      %dma_start3A_275 = arith.constant 0 : i32
      %dma_start3A_276 = tpu.memref_slice %arg14[%add3A_274, %dma_start3A_275] : memref<256x64xf32, #tpu.memory_space<vmem>> -> memref<1x64xf32, #tpu.memory_space<vmem>>
      %dma_start3A_277 = tpu.memref_squeeze %dma_start3A_276 : memref<1x64xf32, #tpu.memory_space<vmem>> -> memref<64xf32, #tpu.memory_space<vmem>>
      %dma_start3A_278 = arith.constant 0 : i32
      %dma_start3A_279 = tpu.memref_slice %arg6[%squeeze3A_270, %dma_start3A_278] : memref<1000000x64xf32, #tpu.memory_space<hbm>> -> memref<1x64xf32, #tpu.memory_space<hbm>>
      %dma_start3A_280 = tpu.memref_squeeze %dma_start3A_279 : memref<1x64xf32, #tpu.memory_space<hbm>> -> memref<64xf32, #tpu.memory_space<hbm>>
      %dma_start3A_281 = arith.constant 0 : i32
      %dma_start3A_282 = tpu.memref_slice %arg14[%add3A_274, %dma_start3A_281] : memref<256x64xf32, #tpu.memory_space<vmem>> -> memref<1x64xf32, #tpu.memory_space<vmem>>
      %dma_start3A_283 = tpu.memref_squeeze %dma_start3A_282 : memref<1x64xf32, #tpu.memory_space<vmem>> -> memref<64xf32, #tpu.memory_space<vmem>>
      %dma_start3A_284 = arith.constant 0 : i32
      %dma_start3A_285 = tpu.memref_slice %arg6[%squeeze3A_270, %dma_start3A_284] : memref<1000000x64xf32, #tpu.memory_space<hbm>> -> memref<1x64xf32, #tpu.memory_space<hbm>>
      %dma_start3A_286 = tpu.memref_squeeze %dma_start3A_285 : memref<1x64xf32, #tpu.memory_space<hbm>> -> memref<64xf32, #tpu.memory_space<hbm>>
      tpu.enqueue_dma source(%dma_start3A_286 : memref<64xf32, #tpu.memory_space<hbm>>) target(%dma_start3A_283 : memref<64xf32, #tpu.memory_space<vmem>>) target_semaphore(%arg17 : memref<!tpu.dma_semaphore, #tpu.memory_space<semaphore_mem>>)
      %slice3A_287 = vector.extract_strided_slice %get3A_91 {offsets = [11], sizes = [1], strides = [1]} : vector<16xi32> to vector<1xi32>
      %squeeze3A_288 = vector.extract %slice3A_287[0] : i32 from vector<1xi32>
      %mul3A_289 = arith.constant 16 : i32
      %mul3A_290 = arith.muli %scan3A_85, %mul3A_289 : i32
      %add3A_291 = arith.constant 11 : i32
      %add3A_292 = arith.addi %mul3A_290, %add3A_291 : i32
      %dma_start3A_293 = arith.constant 0 : i32
      %dma_start3A_294 = tpu.memref_slice %arg14[%add3A_292, %dma_start3A_293] : memref<256x64xf32, #tpu.memory_space<vmem>> -> memref<1x64xf32, #tpu.memory_space<vmem>>
      %dma_start3A_295 = tpu.memref_squeeze %dma_start3A_294 : memref<1x64xf32, #tpu.memory_space<vmem>> -> memref<64xf32, #tpu.memory_space<vmem>>
      %dma_start3A_296 = arith.constant 0 : i32
      %dma_start3A_297 = tpu.memref_slice %arg6[%squeeze3A_288, %dma_start3A_296] : memref<1000000x64xf32, #tpu.memory_space<hbm>> -> memref<1x64xf32, #tpu.memory_space<hbm>>
      %dma_start3A_298 = tpu.memref_squeeze %dma_start3A_297 : memref<1x64xf32, #tpu.memory_space<hbm>> -> memref<64xf32, #tpu.memory_space<hbm>>
      %dma_start3A_299 = arith.constant 0 : i32
      %dma_start3A_300 = tpu.memref_slice %arg14[%add3A_292, %dma_start3A_299] : memref<256x64xf32, #tpu.memory_space<vmem>> -> memref<1x64xf32, #tpu.memory_space<vmem>>
      %dma_start3A_301 = tpu.memref_squeeze %dma_start3A_300 : memref<1x64xf32, #tpu.memory_space<vmem>> -> memref<64xf32, #tpu.memory_space<vmem>>
      %dma_start3A_302 = arith.constant 0 : i32
      %dma_start3A_303 = tpu.memref_slice %arg6[%squeeze3A_288, %dma_start3A_302] : memref<1000000x64xf32, #tpu.memory_space<hbm>> -> memref<1x64xf32, #tpu.memory_space<hbm>>
      %dma_start3A_304 = tpu.memref_squeeze %dma_start3A_303 : memref<1x64xf32, #tpu.memory_space<hbm>> -> memref<64xf32, #tpu.memory_space<hbm>>
      tpu.enqueue_dma source(%dma_start3A_304 : memref<64xf32, #tpu.memory_space<hbm>>) target(%dma_start3A_301 : memref<64xf32, #tpu.memory_space<vmem>>) target_semaphore(%arg17 : memref<!tpu.dma_semaphore, #tpu.memory_space<semaphore_mem>>)
      %slice3A_305 = vector.extract_strided_slice %get3A_91 {offsets = [12], sizes = [1], strides = [1]} : vector<16xi32> to vector<1xi32>
      %squeeze3A_306 = vector.extract %slice3A_305[0] : i32 from vector<1xi32>
      %mul3A_307 = arith.constant 16 : i32
      %mul3A_308 = arith.muli %scan3A_85, %mul3A_307 : i32
      %add3A_309 = arith.constant 12 : i32
      %add3A_310 = arith.addi %mul3A_308, %add3A_309 : i32
      %dma_start3A_311 = arith.constant 0 : i32
      %dma_start3A_312 = tpu.memref_slice %arg14[%add3A_310, %dma_start3A_311] : memref<256x64xf32, #tpu.memory_space<vmem>> -> memref<1x64xf32, #tpu.memory_space<vmem>>
      %dma_start3A_313 = tpu.memref_squeeze %dma_start3A_312 : memref<1x64xf32, #tpu.memory_space<vmem>> -> memref<64xf32, #tpu.memory_space<vmem>>
      %dma_start3A_314 = arith.constant 0 : i32
      %dma_start3A_315 = tpu.memref_slice %arg6[%squeeze3A_306, %dma_start3A_314] : memref<1000000x64xf32, #tpu.memory_space<hbm>> -> memref<1x64xf32, #tpu.memory_space<hbm>>
      %dma_start3A_316 = tpu.memref_squeeze %dma_start3A_315 : memref<1x64xf32, #tpu.memory_space<hbm>> -> memref<64xf32, #tpu.memory_space<hbm>>
      %dma_start3A_317 = arith.constant 0 : i32
      %dma_start3A_318 = tpu.memref_slice %arg14[%add3A_310, %dma_start3A_317] : memref<256x64xf32, #tpu.memory_space<vmem>> -> memref<1x64xf32, #tpu.memory_space<vmem>>
      %dma_start3A_319 = tpu.memref_squeeze %dma_start3A_318 : memref<1x64xf32, #tpu.memory_space<vmem>> -> memref<64xf32, #tpu.memory_space<vmem>>
      %dma_start3A_320 = arith.constant 0 : i32
      %dma_start3A_321 = tpu.memref_slice %arg6[%squeeze3A_306, %dma_start3A_320] : memref<1000000x64xf32, #tpu.memory_space<hbm>> -> memref<1x64xf32, #tpu.memory_space<hbm>>
      %dma_start3A_322 = tpu.memref_squeeze %dma_start3A_321 : memref<1x64xf32, #tpu.memory_space<hbm>> -> memref<64xf32, #tpu.memory_space<hbm>>
      tpu.enqueue_dma source(%dma_start3A_322 : memref<64xf32, #tpu.memory_space<hbm>>) target(%dma_start3A_319 : memref<64xf32, #tpu.memory_space<vmem>>) target_semaphore(%arg17 : memref<!tpu.dma_semaphore, #tpu.memory_space<semaphore_mem>>)
      %slice3A_323 = vector.extract_strided_slice %get3A_91 {offsets = [13], sizes = [1], strides = [1]} : vector<16xi32> to vector<1xi32>
      %squeeze3A_324 = vector.extract %slice3A_323[0] : i32 from vector<1xi32>
      %mul3A_325 = arith.constant 16 : i32
      %mul3A_326 = arith.muli %scan3A_85, %mul3A_325 : i32
      %add3A_327 = arith.constant 13 : i32
      %add3A_328 = arith.addi %mul3A_326, %add3A_327 : i32
      %dma_start3A_329 = arith.constant 0 : i32
      %dma_start3A_330 = tpu.memref_slice %arg14[%add3A_328, %dma_start3A_329] : memref<256x64xf32, #tpu.memory_space<vmem>> -> memref<1x64xf32, #tpu.memory_space<vmem>>
      %dma_start3A_331 = tpu.memref_squeeze %dma_start3A_330 : memref<1x64xf32, #tpu.memory_space<vmem>> -> memref<64xf32, #tpu.memory_space<vmem>>
      %dma_start3A_332 = arith.constant 0 : i32
      %dma_start3A_333 = tpu.memref_slice %arg6[%squeeze3A_324, %dma_start3A_332] : memref<1000000x64xf32, #tpu.memory_space<hbm>> -> memref<1x64xf32, #tpu.memory_space<hbm>>
      %dma_start3A_334 = tpu.memref_squeeze %dma_start3A_333 : memref<1x64xf32, #tpu.memory_space<hbm>> -> memref<64xf32, #tpu.memory_space<hbm>>
      %dma_start3A_335 = arith.constant 0 : i32
      %dma_start3A_336 = tpu.memref_slice %arg14[%add3A_328, %dma_start3A_335] : memref<256x64xf32, #tpu.memory_space<vmem>> -> memref<1x64xf32, #tpu.memory_space<vmem>>
      %dma_start3A_337 = tpu.memref_squeeze %dma_start3A_336 : memref<1x64xf32, #tpu.memory_space<vmem>> -> memref<64xf32, #tpu.memory_space<vmem>>
      %dma_start3A_338 = arith.constant 0 : i32
      %dma_start3A_339 = tpu.memref_slice %arg6[%squeeze3A_324, %dma_start3A_338] : memref<1000000x64xf32, #tpu.memory_space<hbm>> -> memref<1x64xf32, #tpu.memory_space<hbm>>
      %dma_start3A_340 = tpu.memref_squeeze %dma_start3A_339 : memref<1x64xf32, #tpu.memory_space<hbm>> -> memref<64xf32, #tpu.memory_space<hbm>>
      tpu.enqueue_dma source(%dma_start3A_340 : memref<64xf32, #tpu.memory_space<hbm>>) target(%dma_start3A_337 : memref<64xf32, #tpu.memory_space<vmem>>) target_semaphore(%arg17 : memref<!tpu.dma_semaphore, #tpu.memory_space<semaphore_mem>>)
      %slice3A_341 = vector.extract_strided_slice %get3A_91 {offsets = [14], sizes = [1], strides = [1]} : vector<16xi32> to vector<1xi32>
      %squeeze3A_342 = vector.extract %slice3A_341[0] : i32 from vector<1xi32>
      %mul3A_343 = arith.constant 16 : i32
      %mul3A_344 = arith.muli %scan3A_85, %mul3A_343 : i32
      %add3A_345 = arith.constant 14 : i32
      %add3A_346 = arith.addi %mul3A_344, %add3A_345 : i32
      %dma_start3A_347 = arith.constant 0 : i32
      %dma_start3A_348 = tpu.memref_slice %arg14[%add3A_346, %dma_start3A_347] : memref<256x64xf32, #tpu.memory_space<vmem>> -> memref<1x64xf32, #tpu.memory_space<vmem>>
      %dma_start3A_349 = tpu.memref_squeeze %dma_start3A_348 : memref<1x64xf32, #tpu.memory_space<vmem>> -> memref<64xf32, #tpu.memory_space<vmem>>
      %dma_start3A_350 = arith.constant 0 : i32
      %dma_start3A_351 = tpu.memref_slice %arg6[%squeeze3A_342, %dma_start3A_350] : memref<1000000x64xf32, #tpu.memory_space<hbm>> -> memref<1x64xf32, #tpu.memory_space<hbm>>
      %dma_start3A_352 = tpu.memref_squeeze %dma_start3A_351 : memref<1x64xf32, #tpu.memory_space<hbm>> -> memref<64xf32, #tpu.memory_space<hbm>>
      %dma_start3A_353 = arith.constant 0 : i32
      %dma_start3A_354 = tpu.memref_slice %arg14[%add3A_346, %dma_start3A_353] : memref<256x64xf32, #tpu.memory_space<vmem>> -> memref<1x64xf32, #tpu.memory_space<vmem>>
      %dma_start3A_355 = tpu.memref_squeeze %dma_start3A_354 : memref<1x64xf32, #tpu.memory_space<vmem>> -> memref<64xf32, #tpu.memory_space<vmem>>
      %dma_start3A_356 = arith.constant 0 : i32
      %dma_start3A_357 = tpu.memref_slice %arg6[%squeeze3A_342, %dma_start3A_356] : memref<1000000x64xf32, #tpu.memory_space<hbm>> -> memref<1x64xf32, #tpu.memory_space<hbm>>
      %dma_start3A_358 = tpu.memref_squeeze %dma_start3A_357 : memref<1x64xf32, #tpu.memory_space<hbm>> -> memref<64xf32, #tpu.memory_space<hbm>>
      tpu.enqueue_dma source(%dma_start3A_358 : memref<64xf32, #tpu.memory_space<hbm>>) target(%dma_start3A_355 : memref<64xf32, #tpu.memory_space<vmem>>) target_semaphore(%arg17 : memref<!tpu.dma_semaphore, #tpu.memory_space<semaphore_mem>>)
      %slice3A_359 = vector.extract_strided_slice %get3A_91 {offsets = [15], sizes = [1], strides = [1]} : vector<16xi32> to vector<1xi32>
      %squeeze3A_360 = vector.extract %slice3A_359[0] : i32 from vector<1xi32>
      %mul3A_361 = arith.constant 16 : i32
      %mul3A_362 = arith.muli %scan3A_85, %mul3A_361 : i32
      %add3A_363 = arith.constant 15 : i32
      %add3A_364 = arith.addi %mul3A_362, %add3A_363 : i32
      %dma_start3A_365 = arith.constant 0 : i32
      %dma_start3A_366 = tpu.memref_slice %arg14[%add3A_364, %dma_start3A_365] : memref<256x64xf32, #tpu.memory_space<vmem>> -> memref<1x64xf32, #tpu.memory_space<vmem>>
      %dma_start3A_367 = tpu.memref_squeeze %dma_start3A_366 : memref<1x64xf32, #tpu.memory_space<vmem>> -> memref<64xf32, #tpu.memory_space<vmem>>
      %dma_start3A_368 = arith.constant 0 : i32
      %dma_start3A_369 = tpu.memref_slice %arg6[%squeeze3A_360, %dma_start3A_368] : memref<1000000x64xf32, #tpu.memory_space<hbm>> -> memref<1x64xf32, #tpu.memory_space<hbm>>
      %dma_start3A_370 = tpu.memref_squeeze %dma_start3A_369 : memref<1x64xf32, #tpu.memory_space<hbm>> -> memref<64xf32, #tpu.memory_space<hbm>>
      %dma_start3A_371 = arith.constant 0 : i32
      %dma_start3A_372 = tpu.memref_slice %arg14[%add3A_364, %dma_start3A_371] : memref<256x64xf32, #tpu.memory_space<vmem>> -> memref<1x64xf32, #tpu.memory_space<vmem>>
      %dma_start3A_373 = tpu.memref_squeeze %dma_start3A_372 : memref<1x64xf32, #tpu.memory_space<vmem>> -> memref<64xf32, #tpu.memory_space<vmem>>
      %dma_start3A_374 = arith.constant 0 : i32
      %dma_start3A_375 = tpu.memref_slice %arg6[%squeeze3A_360, %dma_start3A_374] : memref<1000000x64xf32, #tpu.memory_space<hbm>> -> memref<1x64xf32, #tpu.memory_space<hbm>>
      %dma_start3A_376 = tpu.memref_squeeze %dma_start3A_375 : memref<1x64xf32, #tpu.memory_space<hbm>> -> memref<64xf32, #tpu.memory_space<hbm>>
      tpu.enqueue_dma source(%dma_start3A_376 : memref<64xf32, #tpu.memory_space<hbm>>) target(%dma_start3A_373 : memref<64xf32, #tpu.memory_space<vmem>>) target_semaphore(%arg17 : memref<!tpu.dma_semaphore, #tpu.memory_space<semaphore_mem>>)
    }
    %scan3A_13 = arith.constant 16 : i32
    %scan3A_14 = arith.constant 0 : i32
    %scan3A_15 = arith.constant 0 : i32
    %scan3A_16 = arith.constant 16 : i32
    %scan3A_17 = arith.addi %scan3A_15, %scan3A_16 : i32
    %scan3A_18 = arith.constant 1 : i32
    scf.for %scan3A_85 = %scan3A_15 to %scan3A_17 step %scan3A_18  : i32 {
      %mul3A_86 = arith.constant 16 : i32
      %mul3A_87 = arith.muli %scan3A_85, %mul3A_86 : i32
      %add3A_88 = arith.constant 0 : i32
      %add3A_89 = arith.addi %add3A_88, %mul3A_87 : i32
      %get3A = arith.index_cast %add3A_89 : i32 to index
      %get3A_90 = tpu.vector_load %arg12[%get3A] {strides = array<i32>} : memref<512xi32, #tpu.memory_space<vmem>>, vector<16xi32>,
      %get3A_91 = vector.shape_cast %get3A_90 : vector<16xi32> to vector<16xi32>
      %slice3A = vector.extract_strided_slice %get3A_91 {offsets = [0], sizes = [1], strides = [1]} : vector<16xi32> to vector<1xi32>
      %squeeze3A = vector.extract %slice3A[0] : i32 from vector<1xi32>
      %mul3A_92 = arith.constant 16 : i32
      %mul3A_93 = arith.muli %scan3A_85, %mul3A_92 : i32
      %add3A_94 = arith.constant 0 : i32
      %add3A_95 = arith.addi %mul3A_93, %add3A_94 : i32
      %dma_start3A = arith.constant 0 : i32
      %dma_start3A_96 = tpu.memref_slice %arg15[%add3A_95, %dma_start3A] : memref<256x64xf32, #tpu.memory_space<vmem>> -> memref<1x64xf32, #tpu.memory_space<vmem>>
      %dma_start3A_97 = tpu.memref_squeeze %dma_start3A_96 : memref<1x64xf32, #tpu.memory_space<vmem>> -> memref<64xf32, #tpu.memory_space<vmem>>
      %dma_start3A_98 = arith.constant 0 : i32
      %dma_start3A_99 = tpu.memref_slice %arg5[%squeeze3A, %dma_start3A_98] : memref<1000000x64xf32, #tpu.memory_space<hbm>> -> memref<1x64xf32, #tpu.memory_space<hbm>>
      %dma_start3A_100 = tpu.memref_squeeze %dma_start3A_99 : memref<1x64xf32, #tpu.memory_space<hbm>> -> memref<64xf32, #tpu.memory_space<hbm>>
      %dma_start3A_101 = arith.constant 0 : i32
      %dma_start3A_102 = tpu.memref_slice %arg15[%add3A_95, %dma_start3A_101] : memref<256x64xf32, #tpu.memory_space<vmem>> -> memref<1x64xf32, #tpu.memory_space<vmem>>
      %dma_start3A_103 = tpu.memref_squeeze %dma_start3A_102 : memref<1x64xf32, #tpu.memory_space<vmem>> -> memref<64xf32, #tpu.memory_space<vmem>>
      %dma_start3A_104 = arith.constant 0 : i32
      %dma_start3A_105 = tpu.memref_slice %arg5[%squeeze3A, %dma_start3A_104] : memref<1000000x64xf32, #tpu.memory_space<hbm>> -> memref<1x64xf32, #tpu.memory_space<hbm>>
      %dma_start3A_106 = tpu.memref_squeeze %dma_start3A_105 : memref<1x64xf32, #tpu.memory_space<hbm>> -> memref<64xf32, #tpu.memory_space<hbm>>
      tpu.enqueue_dma source(%dma_start3A_106 : memref<64xf32, #tpu.memory_space<hbm>>) target(%dma_start3A_103 : memref<64xf32, #tpu.memory_space<vmem>>) target_semaphore(%arg18 : memref<!tpu.dma_semaphore, #tpu.memory_space<semaphore_mem>>)
      %slice3A_107 = vector.extract_strided_slice %get3A_91 {offsets = [1], sizes = [1], strides = [1]} : vector<16xi32> to vector<1xi32>
      %squeeze3A_108 = vector.extract %slice3A_107[0] : i32 from vector<1xi32>
      %mul3A_109 = arith.constant 16 : i32
      %mul3A_110 = arith.muli %scan3A_85, %mul3A_109 : i32
      %add3A_111 = arith.constant 1 : i32
      %add3A_112 = arith.addi %mul3A_110, %add3A_111 : i32
      %dma_start3A_113 = arith.constant 0 : i32
      %dma_start3A_114 = tpu.memref_slice %arg15[%add3A_112, %dma_start3A_113] : memref<256x64xf32, #tpu.memory_space<vmem>> -> memref<1x64xf32, #tpu.memory_space<vmem>>
      %dma_start3A_115 = tpu.memref_squeeze %dma_start3A_114 : memref<1x64xf32, #tpu.memory_space<vmem>> -> memref<64xf32, #tpu.memory_space<vmem>>
      %dma_start3A_116 = arith.constant 0 : i32
      %dma_start3A_117 = tpu.memref_slice %arg5[%squeeze3A_108, %dma_start3A_116] : memref<1000000x64xf32, #tpu.memory_space<hbm>> -> memref<1x64xf32, #tpu.memory_space<hbm>>
      %dma_start3A_118 = tpu.memref_squeeze %dma_start3A_117 : memref<1x64xf32, #tpu.memory_space<hbm>> -> memref<64xf32, #tpu.memory_space<hbm>>
      %dma_start3A_119 = arith.constant 0 : i32
      %dma_start3A_120 = tpu.memref_slice %arg15[%add3A_112, %dma_start3A_119] : memref<256x64xf32, #tpu.memory_space<vmem>> -> memref<1x64xf32, #tpu.memory_space<vmem>>
      %dma_start3A_121 = tpu.memref_squeeze %dma_start3A_120 : memref<1x64xf32, #tpu.memory_space<vmem>> -> memref<64xf32, #tpu.memory_space<vmem>>
      %dma_start3A_122 = arith.constant 0 : i32
      %dma_start3A_123 = tpu.memref_slice %arg5[%squeeze3A_108, %dma_start3A_122] : memref<1000000x64xf32, #tpu.memory_space<hbm>> -> memref<1x64xf32, #tpu.memory_space<hbm>>
      %dma_start3A_124 = tpu.memref_squeeze %dma_start3A_123 : memref<1x64xf32, #tpu.memory_space<hbm>> -> memref<64xf32, #tpu.memory_space<hbm>>
      tpu.enqueue_dma source(%dma_start3A_124 : memref<64xf32, #tpu.memory_space<hbm>>) target(%dma_start3A_121 : memref<64xf32, #tpu.memory_space<vmem>>) target_semaphore(%arg18 : memref<!tpu.dma_semaphore, #tpu.memory_space<semaphore_mem>>)
      %slice3A_125 = vector.extract_strided_slice %get3A_91 {offsets = [2], sizes = [1], strides = [1]} : vector<16xi32> to vector<1xi32>
      %squeeze3A_126 = vector.extract %slice3A_125[0] : i32 from vector<1xi32>
      %mul3A_127 = arith.constant 16 : i32
      %mul3A_128 = arith.muli %scan3A_85, %mul3A_127 : i32
      %add3A_129 = arith.constant 2 : i32
      %add3A_130 = arith.addi %mul3A_128, %add3A_129 : i32
      %dma_start3A_131 = arith.constant 0 : i32
      %dma_start3A_132 = tpu.memref_slice %arg15[%add3A_130, %dma_start3A_131] : memref<256x64xf32, #tpu.memory_space<vmem>> -> memref<1x64xf32, #tpu.memory_space<vmem>>
      %dma_start3A_133 = tpu.memref_squeeze %dma_start3A_132 : memref<1x64xf32, #tpu.memory_space<vmem>> -> memref<64xf32, #tpu.memory_space<vmem>>
      %dma_start3A_134 = arith.constant 0 : i32
      %dma_start3A_135 = tpu.memref_slice %arg5[%squeeze3A_126, %dma_start3A_134] : memref<1000000x64xf32, #tpu.memory_space<hbm>> -> memref<1x64xf32, #tpu.memory_space<hbm>>
      %dma_start3A_136 = tpu.memref_squeeze %dma_start3A_135 : memref<1x64xf32, #tpu.memory_space<hbm>> -> memref<64xf32, #tpu.memory_space<hbm>>
      %dma_start3A_137 = arith.constant 0 : i32
      %dma_start3A_138 = tpu.memref_slice %arg15[%add3A_130, %dma_start3A_137] : memref<256x64xf32, #tpu.memory_space<vmem>> -> memref<1x64xf32, #tpu.memory_space<vmem>>
      %dma_start3A_139 = tpu.memref_squeeze %dma_start3A_138 : memref<1x64xf32, #tpu.memory_space<vmem>> -> memref<64xf32, #tpu.memory_space<vmem>>
      %dma_start3A_140 = arith.constant 0 : i32
      %dma_start3A_141 = tpu.memref_slice %arg5[%squeeze3A_126, %dma_start3A_140] : memref<1000000x64xf32, #tpu.memory_space<hbm>> -> memref<1x64xf32, #tpu.memory_space<hbm>>
      %dma_start3A_142 = tpu.memref_squeeze %dma_start3A_141 : memref<1x64xf32, #tpu.memory_space<hbm>> -> memref<64xf32, #tpu.memory_space<hbm>>
      tpu.enqueue_dma source(%dma_start3A_142 : memref<64xf32, #tpu.memory_space<hbm>>) target(%dma_start3A_139 : memref<64xf32, #tpu.memory_space<vmem>>) target_semaphore(%arg18 : memref<!tpu.dma_semaphore, #tpu.memory_space<semaphore_mem>>)
      %slice3A_143 = vector.extract_strided_slice %get3A_91 {offsets = [3], sizes = [1], strides = [1]} : vector<16xi32> to vector<1xi32>
      %squeeze3A_144 = vector.extract %slice3A_143[0] : i32 from vector<1xi32>
      %mul3A_145 = arith.constant 16 : i32
      %mul3A_146 = arith.muli %scan3A_85, %mul3A_145 : i32
      %add3A_147 = arith.constant 3 : i32
      %add3A_148 = arith.addi %mul3A_146, %add3A_147 : i32
      %dma_start3A_149 = arith.constant 0 : i32
      %dma_start3A_150 = tpu.memref_slice %arg15[%add3A_148, %dma_start3A_149] : memref<256x64xf32, #tpu.memory_space<vmem>> -> memref<1x64xf32, #tpu.memory_space<vmem>>
      %dma_start3A_151 = tpu.memref_squeeze %dma_start3A_150 : memref<1x64xf32, #tpu.memory_space<vmem>> -> memref<64xf32, #tpu.memory_space<vmem>>
      %dma_start3A_152 = arith.constant 0 : i32
      %dma_start3A_153 = tpu.memref_slice %arg5[%squeeze3A_144, %dma_start3A_152] : memref<1000000x64xf32, #tpu.memory_space<hbm>> -> memref<1x64xf32, #tpu.memory_space<hbm>>
      %dma_start3A_154 = tpu.memref_squeeze %dma_start3A_153 : memref<1x64xf32, #tpu.memory_space<hbm>> -> memref<64xf32, #tpu.memory_space<hbm>>
      %dma_start3A_155 = arith.constant 0 : i32
      %dma_start3A_156 = tpu.memref_slice %arg15[%add3A_148, %dma_start3A_155] : memref<256x64xf32, #tpu.memory_space<vmem>> -> memref<1x64xf32, #tpu.memory_space<vmem>>
      %dma_start3A_157 = tpu.memref_squeeze %dma_start3A_156 : memref<1x64xf32, #tpu.memory_space<vmem>> -> memref<64xf32, #tpu.memory_space<vmem>>
      %dma_start3A_158 = arith.constant 0 : i32
      %dma_start3A_159 = tpu.memref_slice %arg5[%squeeze3A_144, %dma_start3A_158] : memref<1000000x64xf32, #tpu.memory_space<hbm>> -> memref<1x64xf32, #tpu.memory_space<hbm>>
      %dma_start3A_160 = tpu.memref_squeeze %dma_start3A_159 : memref<1x64xf32, #tpu.memory_space<hbm>> -> memref<64xf32, #tpu.memory_space<hbm>>
      tpu.enqueue_dma source(%dma_start3A_160 : memref<64xf32, #tpu.memory_space<hbm>>) target(%dma_start3A_157 : memref<64xf32, #tpu.memory_space<vmem>>) target_semaphore(%arg18 : memref<!tpu.dma_semaphore, #tpu.memory_space<semaphore_mem>>)
      %slice3A_161 = vector.extract_strided_slice %get3A_91 {offsets = [4], sizes = [1], strides = [1]} : vector<16xi32> to vector<1xi32>
      %squeeze3A_162 = vector.extract %slice3A_161[0] : i32 from vector<1xi32>
      %mul3A_163 = arith.constant 16 : i32
      %mul3A_164 = arith.muli %scan3A_85, %mul3A_163 : i32
      %add3A_165 = arith.constant 4 : i32
      %add3A_166 = arith.addi %mul3A_164, %add3A_165 : i32
      %dma_start3A_167 = arith.constant 0 : i32
      %dma_start3A_168 = tpu.memref_slice %arg15[%add3A_166, %dma_start3A_167] : memref<256x64xf32, #tpu.memory_space<vmem>> -> memref<1x64xf32, #tpu.memory_space<vmem>>
      %dma_start3A_169 = tpu.memref_squeeze %dma_start3A_168 : memref<1x64xf32, #tpu.memory_space<vmem>> -> memref<64xf32, #tpu.memory_space<vmem>>
      %dma_start3A_170 = arith.constant 0 : i32
      %dma_start3A_171 = tpu.memref_slice %arg5[%squeeze3A_162, %dma_start3A_170] : memref<1000000x64xf32, #tpu.memory_space<hbm>> -> memref<1x64xf32, #tpu.memory_space<hbm>>
      %dma_start3A_172 = tpu.memref_squeeze %dma_start3A_171 : memref<1x64xf32, #tpu.memory_space<hbm>> -> memref<64xf32, #tpu.memory_space<hbm>>
      %dma_start3A_173 = arith.constant 0 : i32
      %dma_start3A_174 = tpu.memref_slice %arg15[%add3A_166, %dma_start3A_173] : memref<256x64xf32, #tpu.memory_space<vmem>> -> memref<1x64xf32, #tpu.memory_space<vmem>>
      %dma_start3A_175 = tpu.memref_squeeze %dma_start3A_174 : memref<1x64xf32, #tpu.memory_space<vmem>> -> memref<64xf32, #tpu.memory_space<vmem>>
      %dma_start3A_176 = arith.constant 0 : i32
      %dma_start3A_177 = tpu.memref_slice %arg5[%squeeze3A_162, %dma_start3A_176] : memref<1000000x64xf32, #tpu.memory_space<hbm>> -> memref<1x64xf32, #tpu.memory_space<hbm>>
      %dma_start3A_178 = tpu.memref_squeeze %dma_start3A_177 : memref<1x64xf32, #tpu.memory_space<hbm>> -> memref<64xf32, #tpu.memory_space<hbm>>
      tpu.enqueue_dma source(%dma_start3A_178 : memref<64xf32, #tpu.memory_space<hbm>>) target(%dma_start3A_175 : memref<64xf32, #tpu.memory_space<vmem>>) target_semaphore(%arg18 : memref<!tpu.dma_semaphore, #tpu.memory_space<semaphore_mem>>)
      %slice3A_179 = vector.extract_strided_slice %get3A_91 {offsets = [5], sizes = [1], strides = [1]} : vector<16xi32> to vector<1xi32>
      %squeeze3A_180 = vector.extract %slice3A_179[0] : i32 from vector<1xi32>
      %mul3A_181 = arith.constant 16 : i32
      %mul3A_182 = arith.muli %scan3A_85, %mul3A_181 : i32
      %add3A_183 = arith.constant 5 : i32
      %add3A_184 = arith.addi %mul3A_182, %add3A_183 : i32
      %dma_start3A_185 = arith.constant 0 : i32
      %dma_start3A_186 = tpu.memref_slice %arg15[%add3A_184, %dma_start3A_185] : memref<256x64xf32, #tpu.memory_space<vmem>> -> memref<1x64xf32, #tpu.memory_space<vmem>>
      %dma_start3A_187 = tpu.memref_squeeze %dma_start3A_186 : memref<1x64xf32, #tpu.memory_space<vmem>> -> memref<64xf32, #tpu.memory_space<vmem>>
      %dma_start3A_188 = arith.constant 0 : i32
      %dma_start3A_189 = tpu.memref_slice %arg5[%squeeze3A_180, %dma_start3A_188] : memref<1000000x64xf32, #tpu.memory_space<hbm>> -> memref<1x64xf32, #tpu.memory_space<hbm>>
      %dma_start3A_190 = tpu.memref_squeeze %dma_start3A_189 : memref<1x64xf32, #tpu.memory_space<hbm>> -> memref<64xf32, #tpu.memory_space<hbm>>
      %dma_start3A_191 = arith.constant 0 : i32
      %dma_start3A_192 = tpu.memref_slice %arg15[%add3A_184, %dma_start3A_191] : memref<256x64xf32, #tpu.memory_space<vmem>> -> memref<1x64xf32, #tpu.memory_space<vmem>>
      %dma_start3A_193 = tpu.memref_squeeze %dma_start3A_192 : memref<1x64xf32, #tpu.memory_space<vmem>> -> memref<64xf32, #tpu.memory_space<vmem>>
      %dma_start3A_194 = arith.constant 0 : i32
      %dma_start3A_195 = tpu.memref_slice %arg5[%squeeze3A_180, %dma_start3A_194] : memref<1000000x64xf32, #tpu.memory_space<hbm>> -> memref<1x64xf32, #tpu.memory_space<hbm>>
      %dma_start3A_196 = tpu.memref_squeeze %dma_start3A_195 : memref<1x64xf32, #tpu.memory_space<hbm>> -> memref<64xf32, #tpu.memory_space<hbm>>
      tpu.enqueue_dma source(%dma_start3A_196 : memref<64xf32, #tpu.memory_space<hbm>>) target(%dma_start3A_193 : memref<64xf32, #tpu.memory_space<vmem>>) target_semaphore(%arg18 : memref<!tpu.dma_semaphore, #tpu.memory_space<semaphore_mem>>)
      %slice3A_197 = vector.extract_strided_slice %get3A_91 {offsets = [6], sizes = [1], strides = [1]} : vector<16xi32> to vector<1xi32>
      %squeeze3A_198 = vector.extract %slice3A_197[0] : i32 from vector<1xi32>
      %mul3A_199 = arith.constant 16 : i32
      %mul3A_200 = arith.muli %scan3A_85, %mul3A_199 : i32
      %add3A_201 = arith.constant 6 : i32
      %add3A_202 = arith.addi %mul3A_200, %add3A_201 : i32
      %dma_start3A_203 = arith.constant 0 : i32
      %dma_start3A_204 = tpu.memref_slice %arg15[%add3A_202, %dma_start3A_203] : memref<256x64xf32, #tpu.memory_space<vmem>> -> memref<1x64xf32, #tpu.memory_space<vmem>>
      %dma_start3A_205 = tpu.memref_squeeze %dma_start3A_204 : memref<1x64xf32, #tpu.memory_space<vmem>> -> memref<64xf32, #tpu.memory_space<vmem>>
      %dma_start3A_206 = arith.constant 0 : i32
      %dma_start3A_207 = tpu.memref_slice %arg5[%squeeze3A_198, %dma_start3A_206] : memref<1000000x64xf32, #tpu.memory_space<hbm>> -> memref<1x64xf32, #tpu.memory_space<hbm>>
      %dma_start3A_208 = tpu.memref_squeeze %dma_start3A_207 : memref<1x64xf32, #tpu.memory_space<hbm>> -> memref<64xf32, #tpu.memory_space<hbm>>
      %dma_start3A_209 = arith.constant 0 : i32
      %dma_start3A_210 = tpu.memref_slice %arg15[%add3A_202, %dma_start3A_209] : memref<256x64xf32, #tpu.memory_space<vmem>> -> memref<1x64xf32, #tpu.memory_space<vmem>>
      %dma_start3A_211 = tpu.memref_squeeze %dma_start3A_210 : memref<1x64xf32, #tpu.memory_space<vmem>> -> memref<64xf32, #tpu.memory_space<vmem>>
      %dma_start3A_212 = arith.constant 0 : i32
      %dma_start3A_213 = tpu.memref_slice %arg5[%squeeze3A_198, %dma_start3A_212] : memref<1000000x64xf32, #tpu.memory_space<hbm>> -> memref<1x64xf32, #tpu.memory_space<hbm>>
      %dma_start3A_214 = tpu.memref_squeeze %dma_start3A_213 : memref<1x64xf32, #tpu.memory_space<hbm>> -> memref<64xf32, #tpu.memory_space<hbm>>
      tpu.enqueue_dma source(%dma_start3A_214 : memref<64xf32, #tpu.memory_space<hbm>>) target(%dma_start3A_211 : memref<64xf32, #tpu.memory_space<vmem>>) target_semaphore(%arg18 : memref<!tpu.dma_semaphore, #tpu.memory_space<semaphore_mem>>)
      %slice3A_215 = vector.extract_strided_slice %get3A_91 {offsets = [7], sizes = [1], strides = [1]} : vector<16xi32> to vector<1xi32>
      %squeeze3A_216 = vector.extract %slice3A_215[0] : i32 from vector<1xi32>
      %mul3A_217 = arith.constant 16 : i32
      %mul3A_218 = arith.muli %scan3A_85, %mul3A_217 : i32
      %add3A_219 = arith.constant 7 : i32
      %add3A_220 = arith.addi %mul3A_218, %add3A_219 : i32
      %dma_start3A_221 = arith.constant 0 : i32
      %dma_start3A_222 = tpu.memref_slice %arg15[%add3A_220, %dma_start3A_221] : memref<256x64xf32, #tpu.memory_space<vmem>> -> memref<1x64xf32, #tpu.memory_space<vmem>>
      %dma_start3A_223 = tpu.memref_squeeze %dma_start3A_222 : memref<1x64xf32, #tpu.memory_space<vmem>> -> memref<64xf32, #tpu.memory_space<vmem>>
      %dma_start3A_224 = arith.constant 0 : i32
      %dma_start3A_225 = tpu.memref_slice %arg5[%squeeze3A_216, %dma_start3A_224] : memref<1000000x64xf32, #tpu.memory_space<hbm>> -> memref<1x64xf32, #tpu.memory_space<hbm>>
      %dma_start3A_226 = tpu.memref_squeeze %dma_start3A_225 : memref<1x64xf32, #tpu.memory_space<hbm>> -> memref<64xf32, #tpu.memory_space<hbm>>
      %dma_start3A_227 = arith.constant 0 : i32
      %dma_start3A_228 = tpu.memref_slice %arg15[%add3A_220, %dma_start3A_227] : memref<256x64xf32, #tpu.memory_space<vmem>> -> memref<1x64xf32, #tpu.memory_space<vmem>>
      %dma_start3A_229 = tpu.memref_squeeze %dma_start3A_228 : memref<1x64xf32, #tpu.memory_space<vmem>> -> memref<64xf32, #tpu.memory_space<vmem>>
      %dma_start3A_230 = arith.constant 0 : i32
      %dma_start3A_231 = tpu.memref_slice %arg5[%squeeze3A_216, %dma_start3A_230] : memref<1000000x64xf32, #tpu.memory_space<hbm>> -> memref<1x64xf32, #tpu.memory_space<hbm>>
      %dma_start3A_232 = tpu.memref_squeeze %dma_start3A_231 : memref<1x64xf32, #tpu.memory_space<hbm>> -> memref<64xf32, #tpu.memory_space<hbm>>
      tpu.enqueue_dma source(%dma_start3A_232 : memref<64xf32, #tpu.memory_space<hbm>>) target(%dma_start3A_229 : memref<64xf32, #tpu.memory_space<vmem>>) target_semaphore(%arg18 : memref<!tpu.dma_semaphore, #tpu.memory_space<semaphore_mem>>)
      %slice3A_233 = vector.extract_strided_slice %get3A_91 {offsets = [8], sizes = [1], strides = [1]} : vector<16xi32> to vector<1xi32>
      %squeeze3A_234 = vector.extract %slice3A_233[0] : i32 from vector<1xi32>
      %mul3A_235 = arith.constant 16 : i32
      %mul3A_236 = arith.muli %scan3A_85, %mul3A_235 : i32
      %add3A_237 = arith.constant 8 : i32
      %add3A_238 = arith.addi %mul3A_236, %add3A_237 : i32
      %dma_start3A_239 = arith.constant 0 : i32
      %dma_start3A_240 = tpu.memref_slice %arg15[%add3A_238, %dma_start3A_239] : memref<256x64xf32, #tpu.memory_space<vmem>> -> memref<1x64xf32, #tpu.memory_space<vmem>>
      %dma_start3A_241 = tpu.memref_squeeze %dma_start3A_240 : memref<1x64xf32, #tpu.memory_space<vmem>> -> memref<64xf32, #tpu.memory_space<vmem>>
      %dma_start3A_242 = arith.constant 0 : i32
      %dma_start3A_243 = tpu.memref_slice %arg5[%squeeze3A_234, %dma_start3A_242] : memref<1000000x64xf32, #tpu.memory_space<hbm>> -> memref<1x64xf32, #tpu.memory_space<hbm>>
      %dma_start3A_244 = tpu.memref_squeeze %dma_start3A_243 : memref<1x64xf32, #tpu.memory_space<hbm>> -> memref<64xf32, #tpu.memory_space<hbm>>
      %dma_start3A_245 = arith.constant 0 : i32
      %dma_start3A_246 = tpu.memref_slice %arg15[%add3A_238, %dma_start3A_245] : memref<256x64xf32, #tpu.memory_space<vmem>> -> memref<1x64xf32, #tpu.memory_space<vmem>>
      %dma_start3A_247 = tpu.memref_squeeze %dma_start3A_246 : memref<1x64xf32, #tpu.memory_space<vmem>> -> memref<64xf32, #tpu.memory_space<vmem>>
      %dma_start3A_248 = arith.constant 0 : i32
      %dma_start3A_249 = tpu.memref_slice %arg5[%squeeze3A_234, %dma_start3A_248] : memref<1000000x64xf32, #tpu.memory_space<hbm>> -> memref<1x64xf32, #tpu.memory_space<hbm>>
      %dma_start3A_250 = tpu.memref_squeeze %dma_start3A_249 : memref<1x64xf32, #tpu.memory_space<hbm>> -> memref<64xf32, #tpu.memory_space<hbm>>
      tpu.enqueue_dma source(%dma_start3A_250 : memref<64xf32, #tpu.memory_space<hbm>>) target(%dma_start3A_247 : memref<64xf32, #tpu.memory_space<vmem>>) target_semaphore(%arg18 : memref<!tpu.dma_semaphore, #tpu.memory_space<semaphore_mem>>)
      %slice3A_251 = vector.extract_strided_slice %get3A_91 {offsets = [9], sizes = [1], strides = [1]} : vector<16xi32> to vector<1xi32>
      %squeeze3A_252 = vector.extract %slice3A_251[0] : i32 from vector<1xi32>
      %mul3A_253 = arith.constant 16 : i32
      %mul3A_254 = arith.muli %scan3A_85, %mul3A_253 : i32
      %add3A_255 = arith.constant 9 : i32
      %add3A_256 = arith.addi %mul3A_254, %add3A_255 : i32
      %dma_start3A_257 = arith.constant 0 : i32
      %dma_start3A_258 = tpu.memref_slice %arg15[%add3A_256, %dma_start3A_257] : memref<256x64xf32, #tpu.memory_space<vmem>> -> memref<1x64xf32, #tpu.memory_space<vmem>>
      %dma_start3A_259 = tpu.memref_squeeze %dma_start3A_258 : memref<1x64xf32, #tpu.memory_space<vmem>> -> memref<64xf32, #tpu.memory_space<vmem>>
      %dma_start3A_260 = arith.constant 0 : i32
      %dma_start3A_261 = tpu.memref_slice %arg5[%squeeze3A_252, %dma_start3A_260] : memref<1000000x64xf32, #tpu.memory_space<hbm>> -> memref<1x64xf32, #tpu.memory_space<hbm>>
      %dma_start3A_262 = tpu.memref_squeeze %dma_start3A_261 : memref<1x64xf32, #tpu.memory_space<hbm>> -> memref<64xf32, #tpu.memory_space<hbm>>
      %dma_start3A_263 = arith.constant 0 : i32
      %dma_start3A_264 = tpu.memref_slice %arg15[%add3A_256, %dma_start3A_263] : memref<256x64xf32, #tpu.memory_space<vmem>> -> memref<1x64xf32, #tpu.memory_space<vmem>>
      %dma_start3A_265 = tpu.memref_squeeze %dma_start3A_264 : memref<1x64xf32, #tpu.memory_space<vmem>> -> memref<64xf32, #tpu.memory_space<vmem>>
      %dma_start3A_266 = arith.constant 0 : i32
      %dma_start3A_267 = tpu.memref_slice %arg5[%squeeze3A_252, %dma_start3A_266] : memref<1000000x64xf32, #tpu.memory_space<hbm>> -> memref<1x64xf32, #tpu.memory_space<hbm>>
      %dma_start3A_268 = tpu.memref_squeeze %dma_start3A_267 : memref<1x64xf32, #tpu.memory_space<hbm>> -> memref<64xf32, #tpu.memory_space<hbm>>
      tpu.enqueue_dma source(%dma_start3A_268 : memref<64xf32, #tpu.memory_space<hbm>>) target(%dma_start3A_265 : memref<64xf32, #tpu.memory_space<vmem>>) target_semaphore(%arg18 : memref<!tpu.dma_semaphore, #tpu.memory_space<semaphore_mem>>)
      %slice3A_269 = vector.extract_strided_slice %get3A_91 {offsets = [10], sizes = [1], strides = [1]} : vector<16xi32> to vector<1xi32>
      %squeeze3A_270 = vector.extract %slice3A_269[0] : i32 from vector<1xi32>
      %mul3A_271 = arith.constant 16 : i32
      %mul3A_272 = arith.muli %scan3A_85, %mul3A_271 : i32
      %add3A_273 = arith.constant 10 : i32
      %add3A_274 = arith.addi %mul3A_272, %add3A_273 : i32
      %dma_start3A_275 = arith.constant 0 : i32
      %dma_start3A_276 = tpu.memref_slice %arg15[%add3A_274, %dma_start3A_275] : memref<256x64xf32, #tpu.memory_space<vmem>> -> memref<1x64xf32, #tpu.memory_space<vmem>>
      %dma_start3A_277 = tpu.memref_squeeze %dma_start3A_276 : memref<1x64xf32, #tpu.memory_space<vmem>> -> memref<64xf32, #tpu.memory_space<vmem>>
      %dma_start3A_278 = arith.constant 0 : i32
      %dma_start3A_279 = tpu.memref_slice %arg5[%squeeze3A_270, %dma_start3A_278] : memref<1000000x64xf32, #tpu.memory_space<hbm>> -> memref<1x64xf32, #tpu.memory_space<hbm>>
      %dma_start3A_280 = tpu.memref_squeeze %dma_start3A_279 : memref<1x64xf32, #tpu.memory_space<hbm>> -> memref<64xf32, #tpu.memory_space<hbm>>
      %dma_start3A_281 = arith.constant 0 : i32
      %dma_start3A_282 = tpu.memref_slice %arg15[%add3A_274, %dma_start3A_281] : memref<256x64xf32, #tpu.memory_space<vmem>> -> memref<1x64xf32, #tpu.memory_space<vmem>>
      %dma_start3A_283 = tpu.memref_squeeze %dma_start3A_282 : memref<1x64xf32, #tpu.memory_space<vmem>> -> memref<64xf32, #tpu.memory_space<vmem>>
      %dma_start3A_284 = arith.constant 0 : i32
      %dma_start3A_285 = tpu.memref_slice %arg5[%squeeze3A_270, %dma_start3A_284] : memref<1000000x64xf32, #tpu.memory_space<hbm>> -> memref<1x64xf32, #tpu.memory_space<hbm>>
      %dma_start3A_286 = tpu.memref_squeeze %dma_start3A_285 : memref<1x64xf32, #tpu.memory_space<hbm>> -> memref<64xf32, #tpu.memory_space<hbm>>
      tpu.enqueue_dma source(%dma_start3A_286 : memref<64xf32, #tpu.memory_space<hbm>>) target(%dma_start3A_283 : memref<64xf32, #tpu.memory_space<vmem>>) target_semaphore(%arg18 : memref<!tpu.dma_semaphore, #tpu.memory_space<semaphore_mem>>)
      %slice3A_287 = vector.extract_strided_slice %get3A_91 {offsets = [11], sizes = [1], strides = [1]} : vector<16xi32> to vector<1xi32>
      %squeeze3A_288 = vector.extract %slice3A_287[0] : i32 from vector<1xi32>
      %mul3A_289 = arith.constant 16 : i32
      %mul3A_290 = arith.muli %scan3A_85, %mul3A_289 : i32
      %add3A_291 = arith.constant 11 : i32
      %add3A_292 = arith.addi %mul3A_290, %add3A_291 : i32
      %dma_start3A_293 = arith.constant 0 : i32
      %dma_start3A_294 = tpu.memref_slice %arg15[%add3A_292, %dma_start3A_293] : memref<256x64xf32, #tpu.memory_space<vmem>> -> memref<1x64xf32, #tpu.memory_space<vmem>>
      %dma_start3A_295 = tpu.memref_squeeze %dma_start3A_294 : memref<1x64xf32, #tpu.memory_space<vmem>> -> memref<64xf32, #tpu.memory_space<vmem>>
      %dma_start3A_296 = arith.constant 0 : i32
      %dma_start3A_297 = tpu.memref_slice %arg5[%squeeze3A_288, %dma_start3A_296] : memref<1000000x64xf32, #tpu.memory_space<hbm>> -> memref<1x64xf32, #tpu.memory_space<hbm>>
      %dma_start3A_298 = tpu.memref_squeeze %dma_start3A_297 : memref<1x64xf32, #tpu.memory_space<hbm>> -> memref<64xf32, #tpu.memory_space<hbm>>
      %dma_start3A_299 = arith.constant 0 : i32
      %dma_start3A_300 = tpu.memref_slice %arg15[%add3A_292, %dma_start3A_299] : memref<256x64xf32, #tpu.memory_space<vmem>> -> memref<1x64xf32, #tpu.memory_space<vmem>>
      %dma_start3A_301 = tpu.memref_squeeze %dma_start3A_300 : memref<1x64xf32, #tpu.memory_space<vmem>> -> memref<64xf32, #tpu.memory_space<vmem>>
      %dma_start3A_302 = arith.constant 0 : i32
      %dma_start3A_303 = tpu.memref_slice %arg5[%squeeze3A_288, %dma_start3A_302] : memref<1000000x64xf32, #tpu.memory_space<hbm>> -> memref<1x64xf32, #tpu.memory_space<hbm>>
      %dma_start3A_304 = tpu.memref_squeeze %dma_start3A_303 : memref<1x64xf32, #tpu.memory_space<hbm>> -> memref<64xf32, #tpu.memory_space<hbm>>
      tpu.enqueue_dma source(%dma_start3A_304 : memref<64xf32, #tpu.memory_space<hbm>>) target(%dma_start3A_301 : memref<64xf32, #tpu.memory_space<vmem>>) target_semaphore(%arg18 : memref<!tpu.dma_semaphore, #tpu.memory_space<semaphore_mem>>)
      %slice3A_305 = vector.extract_strided_slice %get3A_91 {offsets = [12], sizes = [1], strides = [1]} : vector<16xi32> to vector<1xi32>
      %squeeze3A_306 = vector.extract %slice3A_305[0] : i32 from vector<1xi32>
      %mul3A_307 = arith.constant 16 : i32
      %mul3A_308 = arith.muli %scan3A_85, %mul3A_307 : i32
      %add3A_309 = arith.constant 12 : i32
      %add3A_310 = arith.addi %mul3A_308, %add3A_309 : i32
      %dma_start3A_311 = arith.constant 0 : i32
      %dma_start3A_312 = tpu.memref_slice %arg15[%add3A_310, %dma_start3A_311] : memref<256x64xf32, #tpu.memory_space<vmem>> -> memref<1x64xf32, #tpu.memory_space<vmem>>
      %dma_start3A_313 = tpu.memref_squeeze %dma_start3A_312 : memref<1x64xf32, #tpu.memory_space<vmem>> -> memref<64xf32, #tpu.memory_space<vmem>>
      %dma_start3A_314 = arith.constant 0 : i32
      %dma_start3A_315 = tpu.memref_slice %arg5[%squeeze3A_306, %dma_start3A_314] : memref<1000000x64xf32, #tpu.memory_space<hbm>> -> memref<1x64xf32, #tpu.memory_space<hbm>>
      %dma_start3A_316 = tpu.memref_squeeze %dma_start3A_315 : memref<1x64xf32, #tpu.memory_space<hbm>> -> memref<64xf32, #tpu.memory_space<hbm>>
      %dma_start3A_317 = arith.constant 0 : i32
      %dma_start3A_318 = tpu.memref_slice %arg15[%add3A_310, %dma_start3A_317] : memref<256x64xf32, #tpu.memory_space<vmem>> -> memref<1x64xf32, #tpu.memory_space<vmem>>
      %dma_start3A_319 = tpu.memref_squeeze %dma_start3A_318 : memref<1x64xf32, #tpu.memory_space<vmem>> -> memref<64xf32, #tpu.memory_space<vmem>>
      %dma_start3A_320 = arith.constant 0 : i32
      %dma_start3A_321 = tpu.memref_slice %arg5[%squeeze3A_306, %dma_start3A_320] : memref<1000000x64xf32, #tpu.memory_space<hbm>> -> memref<1x64xf32, #tpu.memory_space<hbm>>
      %dma_start3A_322 = tpu.memref_squeeze %dma_start3A_321 : memref<1x64xf32, #tpu.memory_space<hbm>> -> memref<64xf32, #tpu.memory_space<hbm>>
      tpu.enqueue_dma source(%dma_start3A_322 : memref<64xf32, #tpu.memory_space<hbm>>) target(%dma_start3A_319 : memref<64xf32, #tpu.memory_space<vmem>>) target_semaphore(%arg18 : memref<!tpu.dma_semaphore, #tpu.memory_space<semaphore_mem>>)
      %slice3A_323 = vector.extract_strided_slice %get3A_91 {offsets = [13], sizes = [1], strides = [1]} : vector<16xi32> to vector<1xi32>
      %squeeze3A_324 = vector.extract %slice3A_323[0] : i32 from vector<1xi32>
      %mul3A_325 = arith.constant 16 : i32
      %mul3A_326 = arith.muli %scan3A_85, %mul3A_325 : i32
      %add3A_327 = arith.constant 13 : i32
      %add3A_328 = arith.addi %mul3A_326, %add3A_327 : i32
      %dma_start3A_329 = arith.constant 0 : i32
      %dma_start3A_330 = tpu.memref_slice %arg15[%add3A_328, %dma_start3A_329] : memref<256x64xf32, #tpu.memory_space<vmem>> -> memref<1x64xf32, #tpu.memory_space<vmem>>
      %dma_start3A_331 = tpu.memref_squeeze %dma_start3A_330 : memref<1x64xf32, #tpu.memory_space<vmem>> -> memref<64xf32, #tpu.memory_space<vmem>>
      %dma_start3A_332 = arith.constant 0 : i32
      %dma_start3A_333 = tpu.memref_slice %arg5[%squeeze3A_324, %dma_start3A_332] : memref<1000000x64xf32, #tpu.memory_space<hbm>> -> memref<1x64xf32, #tpu.memory_space<hbm>>
      %dma_start3A_334 = tpu.memref_squeeze %dma_start3A_333 : memref<1x64xf32, #tpu.memory_space<hbm>> -> memref<64xf32, #tpu.memory_space<hbm>>
      %dma_start3A_335 = arith.constant 0 : i32
      %dma_start3A_336 = tpu.memref_slice %arg15[%add3A_328, %dma_start3A_335] : memref<256x64xf32, #tpu.memory_space<vmem>> -> memref<1x64xf32, #tpu.memory_space<vmem>>
      %dma_start3A_337 = tpu.memref_squeeze %dma_start3A_336 : memref<1x64xf32, #tpu.memory_space<vmem>> -> memref<64xf32, #tpu.memory_space<vmem>>
      %dma_start3A_338 = arith.constant 0 : i32
      %dma_start3A_339 = tpu.memref_slice %arg5[%squeeze3A_324, %dma_start3A_338] : memref<1000000x64xf32, #tpu.memory_space<hbm>> -> memref<1x64xf32, #tpu.memory_space<hbm>>
      %dma_start3A_340 = tpu.memref_squeeze %dma_start3A_339 : memref<1x64xf32, #tpu.memory_space<hbm>> -> memref<64xf32, #tpu.memory_space<hbm>>
      tpu.enqueue_dma source(%dma_start3A_340 : memref<64xf32, #tpu.memory_space<hbm>>) target(%dma_start3A_337 : memref<64xf32, #tpu.memory_space<vmem>>) target_semaphore(%arg18 : memref<!tpu.dma_semaphore, #tpu.memory_space<semaphore_mem>>)
      %slice3A_341 = vector.extract_strided_slice %get3A_91 {offsets = [14], sizes = [1], strides = [1]} : vector<16xi32> to vector<1xi32>
      %squeeze3A_342 = vector.extract %slice3A_341[0] : i32 from vector<1xi32>
      %mul3A_343 = arith.constant 16 : i32
      %mul3A_344 = arith.muli %scan3A_85, %mul3A_343 : i32
      %add3A_345 = arith.constant 14 : i32
      %add3A_346 = arith.addi %mul3A_344, %add3A_345 : i32
      %dma_start3A_347 = arith.constant 0 : i32
      %dma_start3A_348 = tpu.memref_slice %arg15[%add3A_346, %dma_start3A_347] : memref<256x64xf32, #tpu.memory_space<vmem>> -> memref<1x64xf32, #tpu.memory_space<vmem>>
      %dma_start3A_349 = tpu.memref_squeeze %dma_start3A_348 : memref<1x64xf32, #tpu.memory_space<vmem>> -> memref<64xf32, #tpu.memory_space<vmem>>
      %dma_start3A_350 = arith.constant 0 : i32
      %dma_start3A_351 = tpu.memref_slice %arg5[%squeeze3A_342, %dma_start3A_350] : memref<1000000x64xf32, #tpu.memory_space<hbm>> -> memref<1x64xf32, #tpu.memory_space<hbm>>
      %dma_start3A_352 = tpu.memref_squeeze %dma_start3A_351 : memref<1x64xf32, #tpu.memory_space<hbm>> -> memref<64xf32, #tpu.memory_space<hbm>>
      %dma_start3A_353 = arith.constant 0 : i32
      %dma_start3A_354 = tpu.memref_slice %arg15[%add3A_346, %dma_start3A_353] : memref<256x64xf32, #tpu.memory_space<vmem>> -> memref<1x64xf32, #tpu.memory_space<vmem>>
      %dma_start3A_355 = tpu.memref_squeeze %dma_start3A_354 : memref<1x64xf32, #tpu.memory_space<vmem>> -> memref<64xf32, #tpu.memory_space<vmem>>
      %dma_start3A_356 = arith.constant 0 : i32
      %dma_start3A_357 = tpu.memref_slice %arg5[%squeeze3A_342, %dma_start3A_356] : memref<1000000x64xf32, #tpu.memory_space<hbm>> -> memref<1x64xf32, #tpu.memory_space<hbm>>
      %dma_start3A_358 = tpu.memref_squeeze %dma_start3A_357 : memref<1x64xf32, #tpu.memory_space<hbm>> -> memref<64xf32, #tpu.memory_space<hbm>>
      tpu.enqueue_dma source(%dma_start3A_358 : memref<64xf32, #tpu.memory_space<hbm>>) target(%dma_start3A_355 : memref<64xf32, #tpu.memory_space<vmem>>) target_semaphore(%arg18 : memref<!tpu.dma_semaphore, #tpu.memory_space<semaphore_mem>>)
      %slice3A_359 = vector.extract_strided_slice %get3A_91 {offsets = [15], sizes = [1], strides = [1]} : vector<16xi32> to vector<1xi32>
      %squeeze3A_360 = vector.extract %slice3A_359[0] : i32 from vector<1xi32>
      %mul3A_361 = arith.constant 16 : i32
      %mul3A_362 = arith.muli %scan3A_85, %mul3A_361 : i32
      %add3A_363 = arith.constant 15 : i32
      %add3A_364 = arith.addi %mul3A_362, %add3A_363 : i32
      %dma_start3A_365 = arith.constant 0 : i32
      %dma_start3A_366 = tpu.memref_slice %arg15[%add3A_364, %dma_start3A_365] : memref<256x64xf32, #tpu.memory_space<vmem>> -> memref<1x64xf32, #tpu.memory_space<vmem>>
      %dma_start3A_367 = tpu.memref_squeeze %dma_start3A_366 : memref<1x64xf32, #tpu.memory_space<vmem>> -> memref<64xf32, #tpu.memory_space<vmem>>
      %dma_start3A_368 = arith.constant 0 : i32
      %dma_start3A_369 = tpu.memref_slice %arg5[%squeeze3A_360, %dma_start3A_368] : memref<1000000x64xf32, #tpu.memory_space<hbm>> -> memref<1x64xf32, #tpu.memory_space<hbm>>
      %dma_start3A_370 = tpu.memref_squeeze %dma_start3A_369 : memref<1x64xf32, #tpu.memory_space<hbm>> -> memref<64xf32, #tpu.memory_space<hbm>>
      %dma_start3A_371 = arith.constant 0 : i32
      %dma_start3A_372 = tpu.memref_slice %arg15[%add3A_364, %dma_start3A_371] : memref<256x64xf32, #tpu.memory_space<vmem>> -> memref<1x64xf32, #tpu.memory_space<vmem>>
      %dma_start3A_373 = tpu.memref_squeeze %dma_start3A_372 : memref<1x64xf32, #tpu.memory_space<vmem>> -> memref<64xf32, #tpu.memory_space<vmem>>
      %dma_start3A_374 = arith.constant 0 : i32
      %dma_start3A_375 = tpu.memref_slice %arg5[%squeeze3A_360, %dma_start3A_374] : memref<1000000x64xf32, #tpu.memory_space<hbm>> -> memref<1x64xf32, #tpu.memory_space<hbm>>
      %dma_start3A_376 = tpu.memref_squeeze %dma_start3A_375 : memref<1x64xf32, #tpu.memory_space<hbm>> -> memref<64xf32, #tpu.memory_space<hbm>>
      tpu.enqueue_dma source(%dma_start3A_376 : memref<64xf32, #tpu.memory_space<hbm>>) target(%dma_start3A_373 : memref<64xf32, #tpu.memory_space<vmem>>) target_semaphore(%arg18 : memref<!tpu.dma_semaphore, #tpu.memory_space<semaphore_mem>>)
    }
    %scan3A_19 = arith.constant 16 : i32
    %dma_wait3A = arith.constant 0 : i32
    %dma_wait3A_20 = arith.constant 0 : i32
    %dma_wait3A_21 = tpu.memref_slice %arg5[%dma_wait3A, %dma_wait3A_20] : memref<1000000x64xf32, #tpu.memory_space<hbm>> -> memref<256x64xf32, #tpu.memory_space<hbm>>
    %dma_wait3A_22 = arith.constant 0 : i32
    %dma_wait3A_23 = arith.constant 0 : i32
    %dma_wait3A_24 = tpu.memref_slice %arg5[%dma_wait3A_22, %dma_wait3A_23] : memref<1000000x64xf32, #tpu.memory_space<hbm>> -> memref<256x64xf32, #tpu.memory_space<hbm>>
    tpu.wait_dma2 semaphore(%arg16 : memref<!tpu.dma_semaphore, #tpu.memory_space<semaphore_mem>>) src(%dma_wait3A_24 : memref<256x64xf32, #tpu.memory_space<hbm>>) dst(%arg13 : memref<256x64xf32, #tpu.memory_space<vmem>>)
    %add3A_25 = arith.constant 0 : i32
    %add3A_26 = arith.addi %mul3A_2, %add3A_25 : i32
    "tpu.region"() ({
      %run_scoped3A = tpu.sem_alloc : memref<!tpu.dma_semaphore, #tpu.memory_space<semaphore_mem>>
      %dma_start3A = arith.constant 0 : i32
      %dma_start3A_85 = tpu.memref_slice %arg7[%add3A_26, %dma_start3A] : memref<16384x64xf32, #tpu.memory_space<hbm>> -> memref<256x64xf32, #tpu.memory_space<hbm>>
      %dma_start3A_86 = arith.constant 0 : i32
      %dma_start3A_87 = tpu.memref_slice %arg7[%add3A_26, %dma_start3A_86] : memref<16384x64xf32, #tpu.memory_space<hbm>> -> memref<256x64xf32, #tpu.memory_space<hbm>>
      tpu.enqueue_dma source(%arg13 : memref<256x64xf32, #tpu.memory_space<vmem>>) target(%dma_start3A_87 : memref<256x64xf32, #tpu.memory_space<hbm>>) target_semaphore(%run_scoped3A : memref<!tpu.dma_semaphore, #tpu.memory_space<semaphore_mem>>)
      %dma_wait3A_88 = arith.constant 0 : i32
      %dma_wait3A_89 = tpu.memref_slice %arg7[%add3A_26, %dma_wait3A_88] : memref<16384x64xf32, #tpu.memory_space<hbm>> -> memref<256x64xf32, #tpu.memory_space<hbm>>
      %dma_wait3A_90 = arith.constant 0 : i32
      %dma_wait3A_91 = tpu.memref_slice %arg7[%add3A_26, %dma_wait3A_90] : memref<16384x64xf32, #tpu.memory_space<hbm>> -> memref<256x64xf32, #tpu.memory_space<hbm>>
      tpu.wait_dma2 semaphore(%run_scoped3A : memref<!tpu.dma_semaphore, #tpu.memory_space<semaphore_mem>>) src(%arg13 : memref<256x64xf32, #tpu.memory_space<vmem>>) dst(%dma_wait3A_91 : memref<256x64xf32, #tpu.memory_space<hbm>>)
      tpu.yield
    }) : () -> ()
    %scan3A_27 = arith.constant 0 : i32
    %scan3A_28 = arith.constant 0 : i32
    %scan3A_29 = arith.constant 16 : i32
    %scan3A_30 = arith.addi %scan3A_28, %scan3A_29 : i32
    %scan3A_31 = arith.constant 1 : i32
    scf.for %scan3A_85 = %scan3A_28 to %scan3A_30 step %scan3A_31  : i32 {
      %mul3A_86 = arith.constant 16 : i32
      %mul3A_87 = arith.muli %scan3A_85, %mul3A_86 : i32
      %add3A_88 = arith.constant 256 : i32
      %add3A_89 = arith.addi %add3A_88, %mul3A_87 : i32
      %get3A = arith.index_cast %add3A_89 : i32 to index
      %get3A_90 = tpu.vector_load %arg10[%get3A] {strides = array<i32>} : memref<512xi32, #tpu.memory_space<vmem>>, vector<16xi32>,
      %get3A_91 = vector.shape_cast %get3A_90 : vector<16xi32> to vector<16xi32>
      %slice3A = vector.extract_strided_slice %get3A_91 {offsets = [0], sizes = [1], strides = [1]} : vector<16xi32> to vector<1xi32>
      %squeeze3A = vector.extract %slice3A[0] : i32 from vector<1xi32>
      %mul3A_92 = arith.constant 16 : i32
      %mul3A_93 = arith.muli %scan3A_85, %mul3A_92 : i32
      %add3A_94 = arith.constant 0 : i32
      %add3A_95 = arith.addi %mul3A_93, %add3A_94 : i32
      %dma_start3A = arith.constant 0 : i32
      %dma_start3A_96 = tpu.memref_slice %arg13[%add3A_95, %dma_start3A] : memref<256x64xf32, #tpu.memory_space<vmem>> -> memref<1x64xf32, #tpu.memory_space<vmem>>
      %dma_start3A_97 = tpu.memref_squeeze %dma_start3A_96 : memref<1x64xf32, #tpu.memory_space<vmem>> -> memref<64xf32, #tpu.memory_space<vmem>>
      %dma_start3A_98 = arith.constant 0 : i32
      %dma_start3A_99 = tpu.memref_slice %arg5[%squeeze3A, %dma_start3A_98] : memref<1000000x64xf32, #tpu.memory_space<hbm>> -> memref<1x64xf32, #tpu.memory_space<hbm>>
      %dma_start3A_100 = tpu.memref_squeeze %dma_start3A_99 : memref<1x64xf32, #tpu.memory_space<hbm>> -> memref<64xf32, #tpu.memory_space<hbm>>
      %dma_start3A_101 = arith.constant 0 : i32
      %dma_start3A_102 = tpu.memref_slice %arg13[%add3A_95, %dma_start3A_101] : memref<256x64xf32, #tpu.memory_space<vmem>> -> memref<1x64xf32, #tpu.memory_space<vmem>>
      %dma_start3A_103 = tpu.memref_squeeze %dma_start3A_102 : memref<1x64xf32, #tpu.memory_space<vmem>> -> memref<64xf32, #tpu.memory_space<vmem>>
      %dma_start3A_104 = arith.constant 0 : i32
      %dma_start3A_105 = tpu.memref_slice %arg5[%squeeze3A, %dma_start3A_104] : memref<1000000x64xf32, #tpu.memory_space<hbm>> -> memref<1x64xf32, #tpu.memory_space<hbm>>
      %dma_start3A_106 = tpu.memref_squeeze %dma_start3A_105 : memref<1x64xf32, #tpu.memory_space<hbm>> -> memref<64xf32, #tpu.memory_space<hbm>>
      tpu.enqueue_dma source(%dma_start3A_106 : memref<64xf32, #tpu.memory_space<hbm>>) target(%dma_start3A_103 : memref<64xf32, #tpu.memory_space<vmem>>) target_semaphore(%arg16 : memref<!tpu.dma_semaphore, #tpu.memory_space<semaphore_mem>>)
      %slice3A_107 = vector.extract_strided_slice %get3A_91 {offsets = [1], sizes = [1], strides = [1]} : vector<16xi32> to vector<1xi32>
      %squeeze3A_108 = vector.extract %slice3A_107[0] : i32 from vector<1xi32>
      %mul3A_109 = arith.constant 16 : i32
      %mul3A_110 = arith.muli %scan3A_85, %mul3A_109 : i32
      %add3A_111 = arith.constant 1 : i32
      %add3A_112 = arith.addi %mul3A_110, %add3A_111 : i32
      %dma_start3A_113 = arith.constant 0 : i32
      %dma_start3A_114 = tpu.memref_slice %arg13[%add3A_112, %dma_start3A_113] : memref<256x64xf32, #tpu.memory_space<vmem>> -> memref<1x64xf32, #tpu.memory_space<vmem>>
      %dma_start3A_115 = tpu.memref_squeeze %dma_start3A_114 : memref<1x64xf32, #tpu.memory_space<vmem>> -> memref<64xf32, #tpu.memory_space<vmem>>
      %dma_start3A_116 = arith.constant 0 : i32
      %dma_start3A_117 = tpu.memref_slice %arg5[%squeeze3A_108, %dma_start3A_116] : memref<1000000x64xf32, #tpu.memory_space<hbm>> -> memref<1x64xf32, #tpu.memory_space<hbm>>
      %dma_start3A_118 = tpu.memref_squeeze %dma_start3A_117 : memref<1x64xf32, #tpu.memory_space<hbm>> -> memref<64xf32, #tpu.memory_space<hbm>>
      %dma_start3A_119 = arith.constant 0 : i32
      %dma_start3A_120 = tpu.memref_slice %arg13[%add3A_112, %dma_start3A_119] : memref<256x64xf32, #tpu.memory_space<vmem>> -> memref<1x64xf32, #tpu.memory_space<vmem>>
      %dma_start3A_121 = tpu.memref_squeeze %dma_start3A_120 : memref<1x64xf32, #tpu.memory_space<vmem>> -> memref<64xf32, #tpu.memory_space<vmem>>
      %dma_start3A_122 = arith.constant 0 : i32
      %dma_start3A_123 = tpu.memref_slice %arg5[%squeeze3A_108, %dma_start3A_122] : memref<1000000x64xf32, #tpu.memory_space<hbm>> -> memref<1x64xf32, #tpu.memory_space<hbm>>
      %dma_start3A_124 = tpu.memref_squeeze %dma_start3A_123 : memref<1x64xf32, #tpu.memory_space<hbm>> -> memref<64xf32, #tpu.memory_space<hbm>>
      tpu.enqueue_dma source(%dma_start3A_124 : memref<64xf32, #tpu.memory_space<hbm>>) target(%dma_start3A_121 : memref<64xf32, #tpu.memory_space<vmem>>) target_semaphore(%arg16 : memref<!tpu.dma_semaphore, #tpu.memory_space<semaphore_mem>>)
      %slice3A_125 = vector.extract_strided_slice %get3A_91 {offsets = [2], sizes = [1], strides = [1]} : vector<16xi32> to vector<1xi32>
      %squeeze3A_126 = vector.extract %slice3A_125[0] : i32 from vector<1xi32>
      %mul3A_127 = arith.constant 16 : i32
      %mul3A_128 = arith.muli %scan3A_85, %mul3A_127 : i32
      %add3A_129 = arith.constant 2 : i32
      %add3A_130 = arith.addi %mul3A_128, %add3A_129 : i32
      %dma_start3A_131 = arith.constant 0 : i32
      %dma_start3A_132 = tpu.memref_slice %arg13[%add3A_130, %dma_start3A_131] : memref<256x64xf32, #tpu.memory_space<vmem>> -> memref<1x64xf32, #tpu.memory_space<vmem>>
      %dma_start3A_133 = tpu.memref_squeeze %dma_start3A_132 : memref<1x64xf32, #tpu.memory_space<vmem>> -> memref<64xf32, #tpu.memory_space<vmem>>
      %dma_start3A_134 = arith.constant 0 : i32
      %dma_start3A_135 = tpu.memref_slice %arg5[%squeeze3A_126, %dma_start3A_134] : memref<1000000x64xf32, #tpu.memory_space<hbm>> -> memref<1x64xf32, #tpu.memory_space<hbm>>
      %dma_start3A_136 = tpu.memref_squeeze %dma_start3A_135 : memref<1x64xf32, #tpu.memory_space<hbm>> -> memref<64xf32, #tpu.memory_space<hbm>>
      %dma_start3A_137 = arith.constant 0 : i32
      %dma_start3A_138 = tpu.memref_slice %arg13[%add3A_130, %dma_start3A_137] : memref<256x64xf32, #tpu.memory_space<vmem>> -> memref<1x64xf32, #tpu.memory_space<vmem>>
      %dma_start3A_139 = tpu.memref_squeeze %dma_start3A_138 : memref<1x64xf32, #tpu.memory_space<vmem>> -> memref<64xf32, #tpu.memory_space<vmem>>
      %dma_start3A_140 = arith.constant 0 : i32
      %dma_start3A_141 = tpu.memref_slice %arg5[%squeeze3A_126, %dma_start3A_140] : memref<1000000x64xf32, #tpu.memory_space<hbm>> -> memref<1x64xf32, #tpu.memory_space<hbm>>
      %dma_start3A_142 = tpu.memref_squeeze %dma_start3A_141 : memref<1x64xf32, #tpu.memory_space<hbm>> -> memref<64xf32, #tpu.memory_space<hbm>>
      tpu.enqueue_dma source(%dma_start3A_142 : memref<64xf32, #tpu.memory_space<hbm>>) target(%dma_start3A_139 : memref<64xf32, #tpu.memory_space<vmem>>) target_semaphore(%arg16 : memref<!tpu.dma_semaphore, #tpu.memory_space<semaphore_mem>>)
      %slice3A_143 = vector.extract_strided_slice %get3A_91 {offsets = [3], sizes = [1], strides = [1]} : vector<16xi32> to vector<1xi32>
      %squeeze3A_144 = vector.extract %slice3A_143[0] : i32 from vector<1xi32>
      %mul3A_145 = arith.constant 16 : i32
      %mul3A_146 = arith.muli %scan3A_85, %mul3A_145 : i32
      %add3A_147 = arith.constant 3 : i32
      %add3A_148 = arith.addi %mul3A_146, %add3A_147 : i32
      %dma_start3A_149 = arith.constant 0 : i32
      %dma_start3A_150 = tpu.memref_slice %arg13[%add3A_148, %dma_start3A_149] : memref<256x64xf32, #tpu.memory_space<vmem>> -> memref<1x64xf32, #tpu.memory_space<vmem>>
      %dma_start3A_151 = tpu.memref_squeeze %dma_start3A_150 : memref<1x64xf32, #tpu.memory_space<vmem>> -> memref<64xf32, #tpu.memory_space<vmem>>
      %dma_start3A_152 = arith.constant 0 : i32
      %dma_start3A_153 = tpu.memref_slice %arg5[%squeeze3A_144, %dma_start3A_152] : memref<1000000x64xf32, #tpu.memory_space<hbm>> -> memref<1x64xf32, #tpu.memory_space<hbm>>
      %dma_start3A_154 = tpu.memref_squeeze %dma_start3A_153 : memref<1x64xf32, #tpu.memory_space<hbm>> -> memref<64xf32, #tpu.memory_space<hbm>>
      %dma_start3A_155 = arith.constant 0 : i32
      %dma_start3A_156 = tpu.memref_slice %arg13[%add3A_148, %dma_start3A_155] : memref<256x64xf32, #tpu.memory_space<vmem>> -> memref<1x64xf32, #tpu.memory_space<vmem>>
      %dma_start3A_157 = tpu.memref_squeeze %dma_start3A_156 : memref<1x64xf32, #tpu.memory_space<vmem>> -> memref<64xf32, #tpu.memory_space<vmem>>
      %dma_start3A_158 = arith.constant 0 : i32
      %dma_start3A_159 = tpu.memref_slice %arg5[%squeeze3A_144, %dma_start3A_158] : memref<1000000x64xf32, #tpu.memory_space<hbm>> -> memref<1x64xf32, #tpu.memory_space<hbm>>
      %dma_start3A_160 = tpu.memref_squeeze %dma_start3A_159 : memref<1x64xf32, #tpu.memory_space<hbm>> -> memref<64xf32, #tpu.memory_space<hbm>>
      tpu.enqueue_dma source(%dma_start3A_160 : memref<64xf32, #tpu.memory_space<hbm>>) target(%dma_start3A_157 : memref<64xf32, #tpu.memory_space<vmem>>) target_semaphore(%arg16 : memref<!tpu.dma_semaphore, #tpu.memory_space<semaphore_mem>>)
      %slice3A_161 = vector.extract_strided_slice %get3A_91 {offsets = [4], sizes = [1], strides = [1]} : vector<16xi32> to vector<1xi32>
      %squeeze3A_162 = vector.extract %slice3A_161[0] : i32 from vector<1xi32>
      %mul3A_163 = arith.constant 16 : i32
      %mul3A_164 = arith.muli %scan3A_85, %mul3A_163 : i32
      %add3A_165 = arith.constant 4 : i32
      %add3A_166 = arith.addi %mul3A_164, %add3A_165 : i32
      %dma_start3A_167 = arith.constant 0 : i32
      %dma_start3A_168 = tpu.memref_slice %arg13[%add3A_166, %dma_start3A_167] : memref<256x64xf32, #tpu.memory_space<vmem>> -> memref<1x64xf32, #tpu.memory_space<vmem>>
      %dma_start3A_169 = tpu.memref_squeeze %dma_start3A_168 : memref<1x64xf32, #tpu.memory_space<vmem>> -> memref<64xf32, #tpu.memory_space<vmem>>
      %dma_start3A_170 = arith.constant 0 : i32
      %dma_start3A_171 = tpu.memref_slice %arg5[%squeeze3A_162, %dma_start3A_170] : memref<1000000x64xf32, #tpu.memory_space<hbm>> -> memref<1x64xf32, #tpu.memory_space<hbm>>
      %dma_start3A_172 = tpu.memref_squeeze %dma_start3A_171 : memref<1x64xf32, #tpu.memory_space<hbm>> -> memref<64xf32, #tpu.memory_space<hbm>>
      %dma_start3A_173 = arith.constant 0 : i32
      %dma_start3A_174 = tpu.memref_slice %arg13[%add3A_166, %dma_start3A_173] : memref<256x64xf32, #tpu.memory_space<vmem>> -> memref<1x64xf32, #tpu.memory_space<vmem>>
      %dma_start3A_175 = tpu.memref_squeeze %dma_start3A_174 : memref<1x64xf32, #tpu.memory_space<vmem>> -> memref<64xf32, #tpu.memory_space<vmem>>
      %dma_start3A_176 = arith.constant 0 : i32
      %dma_start3A_177 = tpu.memref_slice %arg5[%squeeze3A_162, %dma_start3A_176] : memref<1000000x64xf32, #tpu.memory_space<hbm>> -> memref<1x64xf32, #tpu.memory_space<hbm>>
      %dma_start3A_178 = tpu.memref_squeeze %dma_start3A_177 : memref<1x64xf32, #tpu.memory_space<hbm>> -> memref<64xf32, #tpu.memory_space<hbm>>
      tpu.enqueue_dma source(%dma_start3A_178 : memref<64xf32, #tpu.memory_space<hbm>>) target(%dma_start3A_175 : memref<64xf32, #tpu.memory_space<vmem>>) target_semaphore(%arg16 : memref<!tpu.dma_semaphore, #tpu.memory_space<semaphore_mem>>)
      %slice3A_179 = vector.extract_strided_slice %get3A_91 {offsets = [5], sizes = [1], strides = [1]} : vector<16xi32> to vector<1xi32>
      %squeeze3A_180 = vector.extract %slice3A_179[0] : i32 from vector<1xi32>
      %mul3A_181 = arith.constant 16 : i32
      %mul3A_182 = arith.muli %scan3A_85, %mul3A_181 : i32
      %add3A_183 = arith.constant 5 : i32
      %add3A_184 = arith.addi %mul3A_182, %add3A_183 : i32
      %dma_start3A_185 = arith.constant 0 : i32
      %dma_start3A_186 = tpu.memref_slice %arg13[%add3A_184, %dma_start3A_185] : memref<256x64xf32, #tpu.memory_space<vmem>> -> memref<1x64xf32, #tpu.memory_space<vmem>>
      %dma_start3A_187 = tpu.memref_squeeze %dma_start3A_186 : memref<1x64xf32, #tpu.memory_space<vmem>> -> memref<64xf32, #tpu.memory_space<vmem>>
      %dma_start3A_188 = arith.constant 0 : i32
      %dma_start3A_189 = tpu.memref_slice %arg5[%squeeze3A_180, %dma_start3A_188] : memref<1000000x64xf32, #tpu.memory_space<hbm>> -> memref<1x64xf32, #tpu.memory_space<hbm>>
      %dma_start3A_190 = tpu.memref_squeeze %dma_start3A_189 : memref<1x64xf32, #tpu.memory_space<hbm>> -> memref<64xf32, #tpu.memory_space<hbm>>
      %dma_start3A_191 = arith.constant 0 : i32
      %dma_start3A_192 = tpu.memref_slice %arg13[%add3A_184, %dma_start3A_191] : memref<256x64xf32, #tpu.memory_space<vmem>> -> memref<1x64xf32, #tpu.memory_space<vmem>>
      %dma_start3A_193 = tpu.memref_squeeze %dma_start3A_192 : memref<1x64xf32, #tpu.memory_space<vmem>> -> memref<64xf32, #tpu.memory_space<vmem>>
      %dma_start3A_194 = arith.constant 0 : i32
      %dma_start3A_195 = tpu.memref_slice %arg5[%squeeze3A_180, %dma_start3A_194] : memref<1000000x64xf32, #tpu.memory_space<hbm>> -> memref<1x64xf32, #tpu.memory_space<hbm>>
      %dma_start3A_196 = tpu.memref_squeeze %dma_start3A_195 : memref<1x64xf32, #tpu.memory_space<hbm>> -> memref<64xf32, #tpu.memory_space<hbm>>
      tpu.enqueue_dma source(%dma_start3A_196 : memref<64xf32, #tpu.memory_space<hbm>>) target(%dma_start3A_193 : memref<64xf32, #tpu.memory_space<vmem>>) target_semaphore(%arg16 : memref<!tpu.dma_semaphore, #tpu.memory_space<semaphore_mem>>)
      %slice3A_197 = vector.extract_strided_slice %get3A_91 {offsets = [6], sizes = [1], strides = [1]} : vector<16xi32> to vector<1xi32>
      %squeeze3A_198 = vector.extract %slice3A_197[0] : i32 from vector<1xi32>
      %mul3A_199 = arith.constant 16 : i32
      %mul3A_200 = arith.muli %scan3A_85, %mul3A_199 : i32
      %add3A_201 = arith.constant 6 : i32
      %add3A_202 = arith.addi %mul3A_200, %add3A_201 : i32
      %dma_start3A_203 = arith.constant 0 : i32
      %dma_start3A_204 = tpu.memref_slice %arg13[%add3A_202, %dma_start3A_203] : memref<256x64xf32, #tpu.memory_space<vmem>> -> memref<1x64xf32, #tpu.memory_space<vmem>>
      %dma_start3A_205 = tpu.memref_squeeze %dma_start3A_204 : memref<1x64xf32, #tpu.memory_space<vmem>> -> memref<64xf32, #tpu.memory_space<vmem>>
      %dma_start3A_206 = arith.constant 0 : i32
      %dma_start3A_207 = tpu.memref_slice %arg5[%squeeze3A_198, %dma_start3A_206] : memref<1000000x64xf32, #tpu.memory_space<hbm>> -> memref<1x64xf32, #tpu.memory_space<hbm>>
      %dma_start3A_208 = tpu.memref_squeeze %dma_start3A_207 : memref<1x64xf32, #tpu.memory_space<hbm>> -> memref<64xf32, #tpu.memory_space<hbm>>
      %dma_start3A_209 = arith.constant 0 : i32
      %dma_start3A_210 = tpu.memref_slice %arg13[%add3A_202, %dma_start3A_209] : memref<256x64xf32, #tpu.memory_space<vmem>> -> memref<1x64xf32, #tpu.memory_space<vmem>>
      %dma_start3A_211 = tpu.memref_squeeze %dma_start3A_210 : memref<1x64xf32, #tpu.memory_space<vmem>> -> memref<64xf32, #tpu.memory_space<vmem>>
      %dma_start3A_212 = arith.constant 0 : i32
      %dma_start3A_213 = tpu.memref_slice %arg5[%squeeze3A_198, %dma_start3A_212] : memref<1000000x64xf32, #tpu.memory_space<hbm>> -> memref<1x64xf32, #tpu.memory_space<hbm>>
      %dma_start3A_214 = tpu.memref_squeeze %dma_start3A_213 : memref<1x64xf32, #tpu.memory_space<hbm>> -> memref<64xf32, #tpu.memory_space<hbm>>
      tpu.enqueue_dma source(%dma_start3A_214 : memref<64xf32, #tpu.memory_space<hbm>>) target(%dma_start3A_211 : memref<64xf32, #tpu.memory_space<vmem>>) target_semaphore(%arg16 : memref<!tpu.dma_semaphore, #tpu.memory_space<semaphore_mem>>)
      %slice3A_215 = vector.extract_strided_slice %get3A_91 {offsets = [7], sizes = [1], strides = [1]} : vector<16xi32> to vector<1xi32>
      %squeeze3A_216 = vector.extract %slice3A_215[0] : i32 from vector<1xi32>
      %mul3A_217 = arith.constant 16 : i32
      %mul3A_218 = arith.muli %scan3A_85, %mul3A_217 : i32
      %add3A_219 = arith.constant 7 : i32
      %add3A_220 = arith.addi %mul3A_218, %add3A_219 : i32
      %dma_start3A_221 = arith.constant 0 : i32
      %dma_start3A_222 = tpu.memref_slice %arg13[%add3A_220, %dma_start3A_221] : memref<256x64xf32, #tpu.memory_space<vmem>> -> memref<1x64xf32, #tpu.memory_space<vmem>>
      %dma_start3A_223 = tpu.memref_squeeze %dma_start3A_222 : memref<1x64xf32, #tpu.memory_space<vmem>> -> memref<64xf32, #tpu.memory_space<vmem>>
      %dma_start3A_224 = arith.constant 0 : i32
      %dma_start3A_225 = tpu.memref_slice %arg5[%squeeze3A_216, %dma_start3A_224] : memref<1000000x64xf32, #tpu.memory_space<hbm>> -> memref<1x64xf32, #tpu.memory_space<hbm>>
      %dma_start3A_226 = tpu.memref_squeeze %dma_start3A_225 : memref<1x64xf32, #tpu.memory_space<hbm>> -> memref<64xf32, #tpu.memory_space<hbm>>
      %dma_start3A_227 = arith.constant 0 : i32
      %dma_start3A_228 = tpu.memref_slice %arg13[%add3A_220, %dma_start3A_227] : memref<256x64xf32, #tpu.memory_space<vmem>> -> memref<1x64xf32, #tpu.memory_space<vmem>>
      %dma_start3A_229 = tpu.memref_squeeze %dma_start3A_228 : memref<1x64xf32, #tpu.memory_space<vmem>> -> memref<64xf32, #tpu.memory_space<vmem>>
      %dma_start3A_230 = arith.constant 0 : i32
      %dma_start3A_231 = tpu.memref_slice %arg5[%squeeze3A_216, %dma_start3A_230] : memref<1000000x64xf32, #tpu.memory_space<hbm>> -> memref<1x64xf32, #tpu.memory_space<hbm>>
      %dma_start3A_232 = tpu.memref_squeeze %dma_start3A_231 : memref<1x64xf32, #tpu.memory_space<hbm>> -> memref<64xf32, #tpu.memory_space<hbm>>
      tpu.enqueue_dma source(%dma_start3A_232 : memref<64xf32, #tpu.memory_space<hbm>>) target(%dma_start3A_229 : memref<64xf32, #tpu.memory_space<vmem>>) target_semaphore(%arg16 : memref<!tpu.dma_semaphore, #tpu.memory_space<semaphore_mem>>)
      %slice3A_233 = vector.extract_strided_slice %get3A_91 {offsets = [8], sizes = [1], strides = [1]} : vector<16xi32> to vector<1xi32>
      %squeeze3A_234 = vector.extract %slice3A_233[0] : i32 from vector<1xi32>
      %mul3A_235 = arith.constant 16 : i32
      %mul3A_236 = arith.muli %scan3A_85, %mul3A_235 : i32
      %add3A_237 = arith.constant 8 : i32
      %add3A_238 = arith.addi %mul3A_236, %add3A_237 : i32
      %dma_start3A_239 = arith.constant 0 : i32
      %dma_start3A_240 = tpu.memref_slice %arg13[%add3A_238, %dma_start3A_239] : memref<256x64xf32, #tpu.memory_space<vmem>> -> memref<1x64xf32, #tpu.memory_space<vmem>>
      %dma_start3A_241 = tpu.memref_squeeze %dma_start3A_240 : memref<1x64xf32, #tpu.memory_space<vmem>> -> memref<64xf32, #tpu.memory_space<vmem>>
      %dma_start3A_242 = arith.constant 0 : i32
      %dma_start3A_243 = tpu.memref_slice %arg5[%squeeze3A_234, %dma_start3A_242] : memref<1000000x64xf32, #tpu.memory_space<hbm>> -> memref<1x64xf32, #tpu.memory_space<hbm>>
      %dma_start3A_244 = tpu.memref_squeeze %dma_start3A_243 : memref<1x64xf32, #tpu.memory_space<hbm>> -> memref<64xf32, #tpu.memory_space<hbm>>
      %dma_start3A_245 = arith.constant 0 : i32
      %dma_start3A_246 = tpu.memref_slice %arg13[%add3A_238, %dma_start3A_245] : memref<256x64xf32, #tpu.memory_space<vmem>> -> memref<1x64xf32, #tpu.memory_space<vmem>>
      %dma_start3A_247 = tpu.memref_squeeze %dma_start3A_246 : memref<1x64xf32, #tpu.memory_space<vmem>> -> memref<64xf32, #tpu.memory_space<vmem>>
      %dma_start3A_248 = arith.constant 0 : i32
      %dma_start3A_249 = tpu.memref_slice %arg5[%squeeze3A_234, %dma_start3A_248] : memref<1000000x64xf32, #tpu.memory_space<hbm>> -> memref<1x64xf32, #tpu.memory_space<hbm>>
      %dma_start3A_250 = tpu.memref_squeeze %dma_start3A_249 : memref<1x64xf32, #tpu.memory_space<hbm>> -> memref<64xf32, #tpu.memory_space<hbm>>
      tpu.enqueue_dma source(%dma_start3A_250 : memref<64xf32, #tpu.memory_space<hbm>>) target(%dma_start3A_247 : memref<64xf32, #tpu.memory_space<vmem>>) target_semaphore(%arg16 : memref<!tpu.dma_semaphore, #tpu.memory_space<semaphore_mem>>)
      %slice3A_251 = vector.extract_strided_slice %get3A_91 {offsets = [9], sizes = [1], strides = [1]} : vector<16xi32> to vector<1xi32>
      %squeeze3A_252 = vector.extract %slice3A_251[0] : i32 from vector<1xi32>
      %mul3A_253 = arith.constant 16 : i32
      %mul3A_254 = arith.muli %scan3A_85, %mul3A_253 : i32
      %add3A_255 = arith.constant 9 : i32
      %add3A_256 = arith.addi %mul3A_254, %add3A_255 : i32
      %dma_start3A_257 = arith.constant 0 : i32
      %dma_start3A_258 = tpu.memref_slice %arg13[%add3A_256, %dma_start3A_257] : memref<256x64xf32, #tpu.memory_space<vmem>> -> memref<1x64xf32, #tpu.memory_space<vmem>>
      %dma_start3A_259 = tpu.memref_squeeze %dma_start3A_258 : memref<1x64xf32, #tpu.memory_space<vmem>> -> memref<64xf32, #tpu.memory_space<vmem>>
      %dma_start3A_260 = arith.constant 0 : i32
      %dma_start3A_261 = tpu.memref_slice %arg5[%squeeze3A_252, %dma_start3A_260] : memref<1000000x64xf32, #tpu.memory_space<hbm>> -> memref<1x64xf32, #tpu.memory_space<hbm>>
      %dma_start3A_262 = tpu.memref_squeeze %dma_start3A_261 : memref<1x64xf32, #tpu.memory_space<hbm>> -> memref<64xf32, #tpu.memory_space<hbm>>
      %dma_start3A_263 = arith.constant 0 : i32
      %dma_start3A_264 = tpu.memref_slice %arg13[%add3A_256, %dma_start3A_263] : memref<256x64xf32, #tpu.memory_space<vmem>> -> memref<1x64xf32, #tpu.memory_space<vmem>>
      %dma_start3A_265 = tpu.memref_squeeze %dma_start3A_264 : memref<1x64xf32, #tpu.memory_space<vmem>> -> memref<64xf32, #tpu.memory_space<vmem>>
      %dma_start3A_266 = arith.constant 0 : i32
      %dma_start3A_267 = tpu.memref_slice %arg5[%squeeze3A_252, %dma_start3A_266] : memref<1000000x64xf32, #tpu.memory_space<hbm>> -> memref<1x64xf32, #tpu.memory_space<hbm>>
      %dma_start3A_268 = tpu.memref_squeeze %dma_start3A_267 : memref<1x64xf32, #tpu.memory_space<hbm>> -> memref<64xf32, #tpu.memory_space<hbm>>
      tpu.enqueue_dma source(%dma_start3A_268 : memref<64xf32, #tpu.memory_space<hbm>>) target(%dma_start3A_265 : memref<64xf32, #tpu.memory_space<vmem>>) target_semaphore(%arg16 : memref<!tpu.dma_semaphore, #tpu.memory_space<semaphore_mem>>)
      %slice3A_269 = vector.extract_strided_slice %get3A_91 {offsets = [10], sizes = [1], strides = [1]} : vector<16xi32> to vector<1xi32>
      %squeeze3A_270 = vector.extract %slice3A_269[0] : i32 from vector<1xi32>
      %mul3A_271 = arith.constant 16 : i32
      %mul3A_272 = arith.muli %scan3A_85, %mul3A_271 : i32
      %add3A_273 = arith.constant 10 : i32
      %add3A_274 = arith.addi %mul3A_272, %add3A_273 : i32
      %dma_start3A_275 = arith.constant 0 : i32
      %dma_start3A_276 = tpu.memref_slice %arg13[%add3A_274, %dma_start3A_275] : memref<256x64xf32, #tpu.memory_space<vmem>> -> memref<1x64xf32, #tpu.memory_space<vmem>>
      %dma_start3A_277 = tpu.memref_squeeze %dma_start3A_276 : memref<1x64xf32, #tpu.memory_space<vmem>> -> memref<64xf32, #tpu.memory_space<vmem>>
      %dma_start3A_278 = arith.constant 0 : i32
      %dma_start3A_279 = tpu.memref_slice %arg5[%squeeze3A_270, %dma_start3A_278] : memref<1000000x64xf32, #tpu.memory_space<hbm>> -> memref<1x64xf32, #tpu.memory_space<hbm>>
      %dma_start3A_280 = tpu.memref_squeeze %dma_start3A_279 : memref<1x64xf32, #tpu.memory_space<hbm>> -> memref<64xf32, #tpu.memory_space<hbm>>
      %dma_start3A_281 = arith.constant 0 : i32
      %dma_start3A_282 = tpu.memref_slice %arg13[%add3A_274, %dma_start3A_281] : memref<256x64xf32, #tpu.memory_space<vmem>> -> memref<1x64xf32, #tpu.memory_space<vmem>>
      %dma_start3A_283 = tpu.memref_squeeze %dma_start3A_282 : memref<1x64xf32, #tpu.memory_space<vmem>> -> memref<64xf32, #tpu.memory_space<vmem>>
      %dma_start3A_284 = arith.constant 0 : i32
      %dma_start3A_285 = tpu.memref_slice %arg5[%squeeze3A_270, %dma_start3A_284] : memref<1000000x64xf32, #tpu.memory_space<hbm>> -> memref<1x64xf32, #tpu.memory_space<hbm>>
      %dma_start3A_286 = tpu.memref_squeeze %dma_start3A_285 : memref<1x64xf32, #tpu.memory_space<hbm>> -> memref<64xf32, #tpu.memory_space<hbm>>
      tpu.enqueue_dma source(%dma_start3A_286 : memref<64xf32, #tpu.memory_space<hbm>>) target(%dma_start3A_283 : memref<64xf32, #tpu.memory_space<vmem>>) target_semaphore(%arg16 : memref<!tpu.dma_semaphore, #tpu.memory_space<semaphore_mem>>)
      %slice3A_287 = vector.extract_strided_slice %get3A_91 {offsets = [11], sizes = [1], strides = [1]} : vector<16xi32> to vector<1xi32>
      %squeeze3A_288 = vector.extract %slice3A_287[0] : i32 from vector<1xi32>
      %mul3A_289 = arith.constant 16 : i32
      %mul3A_290 = arith.muli %scan3A_85, %mul3A_289 : i32
      %add3A_291 = arith.constant 11 : i32
      %add3A_292 = arith.addi %mul3A_290, %add3A_291 : i32
      %dma_start3A_293 = arith.constant 0 : i32
      %dma_start3A_294 = tpu.memref_slice %arg13[%add3A_292, %dma_start3A_293] : memref<256x64xf32, #tpu.memory_space<vmem>> -> memref<1x64xf32, #tpu.memory_space<vmem>>
      %dma_start3A_295 = tpu.memref_squeeze %dma_start3A_294 : memref<1x64xf32, #tpu.memory_space<vmem>> -> memref<64xf32, #tpu.memory_space<vmem>>
      %dma_start3A_296 = arith.constant 0 : i32
      %dma_start3A_297 = tpu.memref_slice %arg5[%squeeze3A_288, %dma_start3A_296] : memref<1000000x64xf32, #tpu.memory_space<hbm>> -> memref<1x64xf32, #tpu.memory_space<hbm>>
      %dma_start3A_298 = tpu.memref_squeeze %dma_start3A_297 : memref<1x64xf32, #tpu.memory_space<hbm>> -> memref<64xf32, #tpu.memory_space<hbm>>
      %dma_start3A_299 = arith.constant 0 : i32
      %dma_start3A_300 = tpu.memref_slice %arg13[%add3A_292, %dma_start3A_299] : memref<256x64xf32, #tpu.memory_space<vmem>> -> memref<1x64xf32, #tpu.memory_space<vmem>>
      %dma_start3A_301 = tpu.memref_squeeze %dma_start3A_300 : memref<1x64xf32, #tpu.memory_space<vmem>> -> memref<64xf32, #tpu.memory_space<vmem>>
      %dma_start3A_302 = arith.constant 0 : i32
      %dma_start3A_303 = tpu.memref_slice %arg5[%squeeze3A_288, %dma_start3A_302] : memref<1000000x64xf32, #tpu.memory_space<hbm>> -> memref<1x64xf32, #tpu.memory_space<hbm>>
      %dma_start3A_304 = tpu.memref_squeeze %dma_start3A_303 : memref<1x64xf32, #tpu.memory_space<hbm>> -> memref<64xf32, #tpu.memory_space<hbm>>
      tpu.enqueue_dma source(%dma_start3A_304 : memref<64xf32, #tpu.memory_space<hbm>>) target(%dma_start3A_301 : memref<64xf32, #tpu.memory_space<vmem>>) target_semaphore(%arg16 : memref<!tpu.dma_semaphore, #tpu.memory_space<semaphore_mem>>)
      %slice3A_305 = vector.extract_strided_slice %get3A_91 {offsets = [12], sizes = [1], strides = [1]} : vector<16xi32> to vector<1xi32>
      %squeeze3A_306 = vector.extract %slice3A_305[0] : i32 from vector<1xi32>
      %mul3A_307 = arith.constant 16 : i32
      %mul3A_308 = arith.muli %scan3A_85, %mul3A_307 : i32
      %add3A_309 = arith.constant 12 : i32
      %add3A_310 = arith.addi %mul3A_308, %add3A_309 : i32
      %dma_start3A_311 = arith.constant 0 : i32
      %dma_start3A_312 = tpu.memref_slice %arg13[%add3A_310, %dma_start3A_311] : memref<256x64xf32, #tpu.memory_space<vmem>> -> memref<1x64xf32, #tpu.memory_space<vmem>>
      %dma_start3A_313 = tpu.memref_squeeze %dma_start3A_312 : memref<1x64xf32, #tpu.memory_space<vmem>> -> memref<64xf32, #tpu.memory_space<vmem>>
      %dma_start3A_314 = arith.constant 0 : i32
      %dma_start3A_315 = tpu.memref_slice %arg5[%squeeze3A_306, %dma_start3A_314] : memref<1000000x64xf32, #tpu.memory_space<hbm>> -> memref<1x64xf32, #tpu.memory_space<hbm>>
      %dma_start3A_316 = tpu.memref_squeeze %dma_start3A_315 : memref<1x64xf32, #tpu.memory_space<hbm>> -> memref<64xf32, #tpu.memory_space<hbm>>
      %dma_start3A_317 = arith.constant 0 : i32
      %dma_start3A_318 = tpu.memref_slice %arg13[%add3A_310, %dma_start3A_317] : memref<256x64xf32, #tpu.memory_space<vmem>> -> memref<1x64xf32, #tpu.memory_space<vmem>>
      %dma_start3A_319 = tpu.memref_squeeze %dma_start3A_318 : memref<1x64xf32, #tpu.memory_space<vmem>> -> memref<64xf32, #tpu.memory_space<vmem>>
      %dma_start3A_320 = arith.constant 0 : i32
      %dma_start3A_321 = tpu.memref_slice %arg5[%squeeze3A_306, %dma_start3A_320] : memref<1000000x64xf32, #tpu.memory_space<hbm>> -> memref<1x64xf32, #tpu.memory_space<hbm>>
      %dma_start3A_322 = tpu.memref_squeeze %dma_start3A_321 : memref<1x64xf32, #tpu.memory_space<hbm>> -> memref<64xf32, #tpu.memory_space<hbm>>
      tpu.enqueue_dma source(%dma_start3A_322 : memref<64xf32, #tpu.memory_space<hbm>>) target(%dma_start3A_319 : memref<64xf32, #tpu.memory_space<vmem>>) target_semaphore(%arg16 : memref<!tpu.dma_semaphore, #tpu.memory_space<semaphore_mem>>)
      %slice3A_323 = vector.extract_strided_slice %get3A_91 {offsets = [13], sizes = [1], strides = [1]} : vector<16xi32> to vector<1xi32>
      %squeeze3A_324 = vector.extract %slice3A_323[0] : i32 from vector<1xi32>
      %mul3A_325 = arith.constant 16 : i32
      %mul3A_326 = arith.muli %scan3A_85, %mul3A_325 : i32
      %add3A_327 = arith.constant 13 : i32
      %add3A_328 = arith.addi %mul3A_326, %add3A_327 : i32
      %dma_start3A_329 = arith.constant 0 : i32
      %dma_start3A_330 = tpu.memref_slice %arg13[%add3A_328, %dma_start3A_329] : memref<256x64xf32, #tpu.memory_space<vmem>> -> memref<1x64xf32, #tpu.memory_space<vmem>>
      %dma_start3A_331 = tpu.memref_squeeze %dma_start3A_330 : memref<1x64xf32, #tpu.memory_space<vmem>> -> memref<64xf32, #tpu.memory_space<vmem>>
      %dma_start3A_332 = arith.constant 0 : i32
      %dma_start3A_333 = tpu.memref_slice %arg5[%squeeze3A_324, %dma_start3A_332] : memref<1000000x64xf32, #tpu.memory_space<hbm>> -> memref<1x64xf32, #tpu.memory_space<hbm>>
      %dma_start3A_334 = tpu.memref_squeeze %dma_start3A_333 : memref<1x64xf32, #tpu.memory_space<hbm>> -> memref<64xf32, #tpu.memory_space<hbm>>
      %dma_start3A_335 = arith.constant 0 : i32
      %dma_start3A_336 = tpu.memref_slice %arg13[%add3A_328, %dma_start3A_335] : memref<256x64xf32, #tpu.memory_space<vmem>> -> memref<1x64xf32, #tpu.memory_space<vmem>>
      %dma_start3A_337 = tpu.memref_squeeze %dma_start3A_336 : memref<1x64xf32, #tpu.memory_space<vmem>> -> memref<64xf32, #tpu.memory_space<vmem>>
      %dma_start3A_338 = arith.constant 0 : i32
      %dma_start3A_339 = tpu.memref_slice %arg5[%squeeze3A_324, %dma_start3A_338] : memref<1000000x64xf32, #tpu.memory_space<hbm>> -> memref<1x64xf32, #tpu.memory_space<hbm>>
      %dma_start3A_340 = tpu.memref_squeeze %dma_start3A_339 : memref<1x64xf32, #tpu.memory_space<hbm>> -> memref<64xf32, #tpu.memory_space<hbm>>
      tpu.enqueue_dma source(%dma_start3A_340 : memref<64xf32, #tpu.memory_space<hbm>>) target(%dma_start3A_337 : memref<64xf32, #tpu.memory_space<vmem>>) target_semaphore(%arg16 : memref<!tpu.dma_semaphore, #tpu.memory_space<semaphore_mem>>)
      %slice3A_341 = vector.extract_strided_slice %get3A_91 {offsets = [14], sizes = [1], strides = [1]} : vector<16xi32> to vector<1xi32>
      %squeeze3A_342 = vector.extract %slice3A_341[0] : i32 from vector<1xi32>
      %mul3A_343 = arith.constant 16 : i32
      %mul3A_344 = arith.muli %scan3A_85, %mul3A_343 : i32
      %add3A_345 = arith.constant 14 : i32
      %add3A_346 = arith.addi %mul3A_344, %add3A_345 : i32
      %dma_start3A_347 = arith.constant 0 : i32
      %dma_start3A_348 = tpu.memref_slice %arg13[%add3A_346, %dma_start3A_347] : memref<256x64xf32, #tpu.memory_space<vmem>> -> memref<1x64xf32, #tpu.memory_space<vmem>>
      %dma_start3A_349 = tpu.memref_squeeze %dma_start3A_348 : memref<1x64xf32, #tpu.memory_space<vmem>> -> memref<64xf32, #tpu.memory_space<vmem>>
      %dma_start3A_350 = arith.constant 0 : i32
      %dma_start3A_351 = tpu.memref_slice %arg5[%squeeze3A_342, %dma_start3A_350] : memref<1000000x64xf32, #tpu.memory_space<hbm>> -> memref<1x64xf32, #tpu.memory_space<hbm>>
      %dma_start3A_352 = tpu.memref_squeeze %dma_start3A_351 : memref<1x64xf32, #tpu.memory_space<hbm>> -> memref<64xf32, #tpu.memory_space<hbm>>
      %dma_start3A_353 = arith.constant 0 : i32
      %dma_start3A_354 = tpu.memref_slice %arg13[%add3A_346, %dma_start3A_353] : memref<256x64xf32, #tpu.memory_space<vmem>> -> memref<1x64xf32, #tpu.memory_space<vmem>>
      %dma_start3A_355 = tpu.memref_squeeze %dma_start3A_354 : memref<1x64xf32, #tpu.memory_space<vmem>> -> memref<64xf32, #tpu.memory_space<vmem>>
      %dma_start3A_356 = arith.constant 0 : i32
      %dma_start3A_357 = tpu.memref_slice %arg5[%squeeze3A_342, %dma_start3A_356] : memref<1000000x64xf32, #tpu.memory_space<hbm>> -> memref<1x64xf32, #tpu.memory_space<hbm>>
      %dma_start3A_358 = tpu.memref_squeeze %dma_start3A_357 : memref<1x64xf32, #tpu.memory_space<hbm>> -> memref<64xf32, #tpu.memory_space<hbm>>
      tpu.enqueue_dma source(%dma_start3A_358 : memref<64xf32, #tpu.memory_space<hbm>>) target(%dma_start3A_355 : memref<64xf32, #tpu.memory_space<vmem>>) target_semaphore(%arg16 : memref<!tpu.dma_semaphore, #tpu.memory_space<semaphore_mem>>)
      %slice3A_359 = vector.extract_strided_slice %get3A_91 {offsets = [15], sizes = [1], strides = [1]} : vector<16xi32> to vector<1xi32>
      %squeeze3A_360 = vector.extract %slice3A_359[0] : i32 from vector<1xi32>
      %mul3A_361 = arith.constant 16 : i32
      %mul3A_362 = arith.muli %scan3A_85, %mul3A_361 : i32
      %add3A_363 = arith.constant 15 : i32
      %add3A_364 = arith.addi %mul3A_362, %add3A_363 : i32
      %dma_start3A_365 = arith.constant 0 : i32
      %dma_start3A_366 = tpu.memref_slice %arg13[%add3A_364, %dma_start3A_365] : memref<256x64xf32, #tpu.memory_space<vmem>> -> memref<1x64xf32, #tpu.memory_space<vmem>>
      %dma_start3A_367 = tpu.memref_squeeze %dma_start3A_366 : memref<1x64xf32, #tpu.memory_space<vmem>> -> memref<64xf32, #tpu.memory_space<vmem>>
      %dma_start3A_368 = arith.constant 0 : i32
      %dma_start3A_369 = tpu.memref_slice %arg5[%squeeze3A_360, %dma_start3A_368] : memref<1000000x64xf32, #tpu.memory_space<hbm>> -> memref<1x64xf32, #tpu.memory_space<hbm>>
      %dma_start3A_370 = tpu.memref_squeeze %dma_start3A_369 : memref<1x64xf32, #tpu.memory_space<hbm>> -> memref<64xf32, #tpu.memory_space<hbm>>
      %dma_start3A_371 = arith.constant 0 : i32
      %dma_start3A_372 = tpu.memref_slice %arg13[%add3A_364, %dma_start3A_371] : memref<256x64xf32, #tpu.memory_space<vmem>> -> memref<1x64xf32, #tpu.memory_space<vmem>>
      %dma_start3A_373 = tpu.memref_squeeze %dma_start3A_372 : memref<1x64xf32, #tpu.memory_space<vmem>> -> memref<64xf32, #tpu.memory_space<vmem>>
      %dma_start3A_374 = arith.constant 0 : i32
      %dma_start3A_375 = tpu.memref_slice %arg5[%squeeze3A_360, %dma_start3A_374] : memref<1000000x64xf32, #tpu.memory_space<hbm>> -> memref<1x64xf32, #tpu.memory_space<hbm>>
      %dma_start3A_376 = tpu.memref_squeeze %dma_start3A_375 : memref<1x64xf32, #tpu.memory_space<hbm>> -> memref<64xf32, #tpu.memory_space<hbm>>
      tpu.enqueue_dma source(%dma_start3A_376 : memref<64xf32, #tpu.memory_space<hbm>>) target(%dma_start3A_373 : memref<64xf32, #tpu.memory_space<vmem>>) target_semaphore(%arg16 : memref<!tpu.dma_semaphore, #tpu.memory_space<semaphore_mem>>)
    }
    %scan3A_32 = arith.constant 16 : i32
    %dma_wait3A_33 = arith.constant 0 : i32
    %dma_wait3A_34 = arith.constant 0 : i32
    %dma_wait3A_35 = tpu.memref_slice %arg6[%dma_wait3A_33, %dma_wait3A_34] : memref<1000000x64xf32, #tpu.memory_space<hbm>> -> memref<256x64xf32, #tpu.memory_space<hbm>>
    %dma_wait3A_36 = arith.constant 0 : i32
    %dma_wait3A_37 = arith.constant 0 : i32
    %dma_wait3A_38 = tpu.memref_slice %arg6[%dma_wait3A_36, %dma_wait3A_37] : memref<1000000x64xf32, #tpu.memory_space<hbm>> -> memref<256x64xf32, #tpu.memory_space<hbm>>
    tpu.wait_dma2 semaphore(%arg17 : memref<!tpu.dma_semaphore, #tpu.memory_space<semaphore_mem>>) src(%dma_wait3A_38 : memref<256x64xf32, #tpu.memory_space<hbm>>) dst(%arg14 : memref<256x64xf32, #tpu.memory_space<vmem>>)
    %add3A_39 = arith.constant 0 : i32
    %add3A_40 = arith.addi %mul3A_2, %add3A_39 : i32
    "tpu.region"() ({
      %run_scoped3A = tpu.sem_alloc : memref<!tpu.dma_semaphore, #tpu.memory_space<semaphore_mem>>
      %dma_start3A = arith.constant 0 : i32
      %dma_start3A_85 = tpu.memref_slice %arg8[%add3A_40, %dma_start3A] : memref<16384x64xf32, #tpu.memory_space<hbm>> -> memref<256x64xf32, #tpu.memory_space<hbm>>
      %dma_start3A_86 = arith.constant 0 : i32
      %dma_start3A_87 = tpu.memref_slice %arg8[%add3A_40, %dma_start3A_86] : memref<16384x64xf32, #tpu.memory_space<hbm>> -> memref<256x64xf32, #tpu.memory_space<hbm>>
      tpu.enqueue_dma source(%arg14 : memref<256x64xf32, #tpu.memory_space<vmem>>) target(%dma_start3A_87 : memref<256x64xf32, #tpu.memory_space<hbm>>) target_semaphore(%run_scoped3A : memref<!tpu.dma_semaphore, #tpu.memory_space<semaphore_mem>>)
      %dma_wait3A_88 = arith.constant 0 : i32
      %dma_wait3A_89 = tpu.memref_slice %arg8[%add3A_40, %dma_wait3A_88] : memref<16384x64xf32, #tpu.memory_space<hbm>> -> memref<256x64xf32, #tpu.memory_space<hbm>>
      %dma_wait3A_90 = arith.constant 0 : i32
      %dma_wait3A_91 = tpu.memref_slice %arg8[%add3A_40, %dma_wait3A_90] : memref<16384x64xf32, #tpu.memory_space<hbm>> -> memref<256x64xf32, #tpu.memory_space<hbm>>
      tpu.wait_dma2 semaphore(%run_scoped3A : memref<!tpu.dma_semaphore, #tpu.memory_space<semaphore_mem>>) src(%arg14 : memref<256x64xf32, #tpu.memory_space<vmem>>) dst(%dma_wait3A_91 : memref<256x64xf32, #tpu.memory_space<hbm>>)
      tpu.yield
    }) : () -> ()
    %scan3A_41 = arith.constant 0 : i32
    %scan3A_42 = arith.constant 0 : i32
    %scan3A_43 = arith.constant 16 : i32
    %scan3A_44 = arith.addi %scan3A_42, %scan3A_43 : i32
    %scan3A_45 = arith.constant 1 : i32
    scf.for %scan3A_85 = %scan3A_42 to %scan3A_44 step %scan3A_45  : i32 {
      %mul3A_86 = arith.constant 16 : i32
      %mul3A_87 = arith.muli %scan3A_85, %mul3A_86 : i32
      %add3A_88 = arith.constant 256 : i32
      %add3A_89 = arith.addi %add3A_88, %mul3A_87 : i32
      %get3A = arith.index_cast %add3A_89 : i32 to index
      %get3A_90 = tpu.vector_load %arg11[%get3A] {strides = array<i32>} : memref<512xi32, #tpu.memory_space<vmem>>, vector<16xi32>,
      %get3A_91 = vector.shape_cast %get3A_90 : vector<16xi32> to vector<16xi32>
      %slice3A = vector.extract_strided_slice %get3A_91 {offsets = [0], sizes = [1], strides = [1]} : vector<16xi32> to vector<1xi32>
      %squeeze3A = vector.extract %slice3A[0] : i32 from vector<1xi32>
      %mul3A_92 = arith.constant 16 : i32
      %mul3A_93 = arith.muli %scan3A_85, %mul3A_92 : i32
      %add3A_94 = arith.constant 0 : i32
      %add3A_95 = arith.addi %mul3A_93, %add3A_94 : i32
      %dma_start3A = arith.constant 0 : i32
      %dma_start3A_96 = tpu.memref_slice %arg14[%add3A_95, %dma_start3A] : memref<256x64xf32, #tpu.memory_space<vmem>> -> memref<1x64xf32, #tpu.memory_space<vmem>>
      %dma_start3A_97 = tpu.memref_squeeze %dma_start3A_96 : memref<1x64xf32, #tpu.memory_space<vmem>> -> memref<64xf32, #tpu.memory_space<vmem>>
      %dma_start3A_98 = arith.constant 0 : i32
      %dma_start3A_99 = tpu.memref_slice %arg6[%squeeze3A, %dma_start3A_98] : memref<1000000x64xf32, #tpu.memory_space<hbm>> -> memref<1x64xf32, #tpu.memory_space<hbm>>
      %dma_start3A_100 = tpu.memref_squeeze %dma_start3A_99 : memref<1x64xf32, #tpu.memory_space<hbm>> -> memref<64xf32, #tpu.memory_space<hbm>>
      %dma_start3A_101 = arith.constant 0 : i32
      %dma_start3A_102 = tpu.memref_slice %arg14[%add3A_95, %dma_start3A_101] : memref<256x64xf32, #tpu.memory_space<vmem>> -> memref<1x64xf32, #tpu.memory_space<vmem>>
      %dma_start3A_103 = tpu.memref_squeeze %dma_start3A_102 : memref<1x64xf32, #tpu.memory_space<vmem>> -> memref<64xf32, #tpu.memory_space<vmem>>
      %dma_start3A_104 = arith.constant 0 : i32
      %dma_start3A_105 = tpu.memref_slice %arg6[%squeeze3A, %dma_start3A_104] : memref<1000000x64xf32, #tpu.memory_space<hbm>> -> memref<1x64xf32, #tpu.memory_space<hbm>>
      %dma_start3A_106 = tpu.memref_squeeze %dma_start3A_105 : memref<1x64xf32, #tpu.memory_space<hbm>> -> memref<64xf32, #tpu.memory_space<hbm>>
      tpu.enqueue_dma source(%dma_start3A_106 : memref<64xf32, #tpu.memory_space<hbm>>) target(%dma_start3A_103 : memref<64xf32, #tpu.memory_space<vmem>>) target_semaphore(%arg17 : memref<!tpu.dma_semaphore, #tpu.memory_space<semaphore_mem>>)
      %slice3A_107 = vector.extract_strided_slice %get3A_91 {offsets = [1], sizes = [1], strides = [1]} : vector<16xi32> to vector<1xi32>
      %squeeze3A_108 = vector.extract %slice3A_107[0] : i32 from vector<1xi32>
      %mul3A_109 = arith.constant 16 : i32
      %mul3A_110 = arith.muli %scan3A_85, %mul3A_109 : i32
      %add3A_111 = arith.constant 1 : i32
      %add3A_112 = arith.addi %mul3A_110, %add3A_111 : i32
      %dma_start3A_113 = arith.constant 0 : i32
      %dma_start3A_114 = tpu.memref_slice %arg14[%add3A_112, %dma_start3A_113] : memref<256x64xf32, #tpu.memory_space<vmem>> -> memref<1x64xf32, #tpu.memory_space<vmem>>
      %dma_start3A_115 = tpu.memref_squeeze %dma_start3A_114 : memref<1x64xf32, #tpu.memory_space<vmem>> -> memref<64xf32, #tpu.memory_space<vmem>>
      %dma_start3A_116 = arith.constant 0 : i32
      %dma_start3A_117 = tpu.memref_slice %arg6[%squeeze3A_108, %dma_start3A_116] : memref<1000000x64xf32, #tpu.memory_space<hbm>> -> memref<1x64xf32, #tpu.memory_space<hbm>>
      %dma_start3A_118 = tpu.memref_squeeze %dma_start3A_117 : memref<1x64xf32, #tpu.memory_space<hbm>> -> memref<64xf32, #tpu.memory_space<hbm>>
      %dma_start3A_119 = arith.constant 0 : i32
      %dma_start3A_120 = tpu.memref_slice %arg14[%add3A_112, %dma_start3A_119] : memref<256x64xf32, #tpu.memory_space<vmem>> -> memref<1x64xf32, #tpu.memory_space<vmem>>
      %dma_start3A_121 = tpu.memref_squeeze %dma_start3A_120 : memref<1x64xf32, #tpu.memory_space<vmem>> -> memref<64xf32, #tpu.memory_space<vmem>>
      %dma_start3A_122 = arith.constant 0 : i32
      %dma_start3A_123 = tpu.memref_slice %arg6[%squeeze3A_108, %dma_start3A_122] : memref<1000000x64xf32, #tpu.memory_space<hbm>> -> memref<1x64xf32, #tpu.memory_space<hbm>>
      %dma_start3A_124 = tpu.memref_squeeze %dma_start3A_123 : memref<1x64xf32, #tpu.memory_space<hbm>> -> memref<64xf32, #tpu.memory_space<hbm>>
      tpu.enqueue_dma source(%dma_start3A_124 : memref<64xf32, #tpu.memory_space<hbm>>) target(%dma_start3A_121 : memref<64xf32, #tpu.memory_space<vmem>>) target_semaphore(%arg17 : memref<!tpu.dma_semaphore, #tpu.memory_space<semaphore_mem>>)
      %slice3A_125 = vector.extract_strided_slice %get3A_91 {offsets = [2], sizes = [1], strides = [1]} : vector<16xi32> to vector<1xi32>
      %squeeze3A_126 = vector.extract %slice3A_125[0] : i32 from vector<1xi32>
      %mul3A_127 = arith.constant 16 : i32
      %mul3A_128 = arith.muli %scan3A_85, %mul3A_127 : i32
      %add3A_129 = arith.constant 2 : i32
      %add3A_130 = arith.addi %mul3A_128, %add3A_129 : i32
      %dma_start3A_131 = arith.constant 0 : i32
      %dma_start3A_132 = tpu.memref_slice %arg14[%add3A_130, %dma_start3A_131] : memref<256x64xf32, #tpu.memory_space<vmem>> -> memref<1x64xf32, #tpu.memory_space<vmem>>
      %dma_start3A_133 = tpu.memref_squeeze %dma_start3A_132 : memref<1x64xf32, #tpu.memory_space<vmem>> -> memref<64xf32, #tpu.memory_space<vmem>>
      %dma_start3A_134 = arith.constant 0 : i32
      %dma_start3A_135 = tpu.memref_slice %arg6[%squeeze3A_126, %dma_start3A_134] : memref<1000000x64xf32, #tpu.memory_space<hbm>> -> memref<1x64xf32, #tpu.memory_space<hbm>>
      %dma_start3A_136 = tpu.memref_squeeze %dma_start3A_135 : memref<1x64xf32, #tpu.memory_space<hbm>> -> memref<64xf32, #tpu.memory_space<hbm>>
      %dma_start3A_137 = arith.constant 0 : i32
      %dma_start3A_138 = tpu.memref_slice %arg14[%add3A_130, %dma_start3A_137] : memref<256x64xf32, #tpu.memory_space<vmem>> -> memref<1x64xf32, #tpu.memory_space<vmem>>
      %dma_start3A_139 = tpu.memref_squeeze %dma_start3A_138 : memref<1x64xf32, #tpu.memory_space<vmem>> -> memref<64xf32, #tpu.memory_space<vmem>>
      %dma_start3A_140 = arith.constant 0 : i32
      %dma_start3A_141 = tpu.memref_slice %arg6[%squeeze3A_126, %dma_start3A_140] : memref<1000000x64xf32, #tpu.memory_space<hbm>> -> memref<1x64xf32, #tpu.memory_space<hbm>>
      %dma_start3A_142 = tpu.memref_squeeze %dma_start3A_141 : memref<1x64xf32, #tpu.memory_space<hbm>> -> memref<64xf32, #tpu.memory_space<hbm>>
      tpu.enqueue_dma source(%dma_start3A_142 : memref<64xf32, #tpu.memory_space<hbm>>) target(%dma_start3A_139 : memref<64xf32, #tpu.memory_space<vmem>>) target_semaphore(%arg17 : memref<!tpu.dma_semaphore, #tpu.memory_space<semaphore_mem>>)
      %slice3A_143 = vector.extract_strided_slice %get3A_91 {offsets = [3], sizes = [1], strides = [1]} : vector<16xi32> to vector<1xi32>
      %squeeze3A_144 = vector.extract %slice3A_143[0] : i32 from vector<1xi32>
      %mul3A_145 = arith.constant 16 : i32
      %mul3A_146 = arith.muli %scan3A_85, %mul3A_145 : i32
      %add3A_147 = arith.constant 3 : i32
      %add3A_148 = arith.addi %mul3A_146, %add3A_147 : i32
      %dma_start3A_149 = arith.constant 0 : i32
      %dma_start3A_150 = tpu.memref_slice %arg14[%add3A_148, %dma_start3A_149] : memref<256x64xf32, #tpu.memory_space<vmem>> -> memref<1x64xf32, #tpu.memory_space<vmem>>
      %dma_start3A_151 = tpu.memref_squeeze %dma_start3A_150 : memref<1x64xf32, #tpu.memory_space<vmem>> -> memref<64xf32, #tpu.memory_space<vmem>>
      %dma_start3A_152 = arith.constant 0 : i32
      %dma_start3A_153 = tpu.memref_slice %arg6[%squeeze3A_144, %dma_start3A_152] : memref<1000000x64xf32, #tpu.memory_space<hbm>> -> memref<1x64xf32, #tpu.memory_space<hbm>>
      %dma_start3A_154 = tpu.memref_squeeze %dma_start3A_153 : memref<1x64xf32, #tpu.memory_space<hbm>> -> memref<64xf32, #tpu.memory_space<hbm>>
      %dma_start3A_155 = arith.constant 0 : i32
      %dma_start3A_156 = tpu.memref_slice %arg14[%add3A_148, %dma_start3A_155] : memref<256x64xf32, #tpu.memory_space<vmem>> -> memref<1x64xf32, #tpu.memory_space<vmem>>
      %dma_start3A_157 = tpu.memref_squeeze %dma_start3A_156 : memref<1x64xf32, #tpu.memory_space<vmem>> -> memref<64xf32, #tpu.memory_space<vmem>>
      %dma_start3A_158 = arith.constant 0 : i32
      %dma_start3A_159 = tpu.memref_slice %arg6[%squeeze3A_144, %dma_start3A_158] : memref<1000000x64xf32, #tpu.memory_space<hbm>> -> memref<1x64xf32, #tpu.memory_space<hbm>>
      %dma_start3A_160 = tpu.memref_squeeze %dma_start3A_159 : memref<1x64xf32, #tpu.memory_space<hbm>> -> memref<64xf32, #tpu.memory_space<hbm>>
      tpu.enqueue_dma source(%dma_start3A_160 : memref<64xf32, #tpu.memory_space<hbm>>) target(%dma_start3A_157 : memref<64xf32, #tpu.memory_space<vmem>>) target_semaphore(%arg17 : memref<!tpu.dma_semaphore, #tpu.memory_space<semaphore_mem>>)
      %slice3A_161 = vector.extract_strided_slice %get3A_91 {offsets = [4], sizes = [1], strides = [1]} : vector<16xi32> to vector<1xi32>
      %squeeze3A_162 = vector.extract %slice3A_161[0] : i32 from vector<1xi32>
      %mul3A_163 = arith.constant 16 : i32
      %mul3A_164 = arith.muli %scan3A_85, %mul3A_163 : i32
      %add3A_165 = arith.constant 4 : i32
      %add3A_166 = arith.addi %mul3A_164, %add3A_165 : i32
      %dma_start3A_167 = arith.constant 0 : i32
      %dma_start3A_168 = tpu.memref_slice %arg14[%add3A_166, %dma_start3A_167] : memref<256x64xf32, #tpu.memory_space<vmem>> -> memref<1x64xf32, #tpu.memory_space<vmem>>
      %dma_start3A_169 = tpu.memref_squeeze %dma_start3A_168 : memref<1x64xf32, #tpu.memory_space<vmem>> -> memref<64xf32, #tpu.memory_space<vmem>>
      %dma_start3A_170 = arith.constant 0 : i32
      %dma_start3A_171 = tpu.memref_slice %arg6[%squeeze3A_162, %dma_start3A_170] : memref<1000000x64xf32, #tpu.memory_space<hbm>> -> memref<1x64xf32, #tpu.memory_space<hbm>>
      %dma_start3A_172 = tpu.memref_squeeze %dma_start3A_171 : memref<1x64xf32, #tpu.memory_space<hbm>> -> memref<64xf32, #tpu.memory_space<hbm>>
      %dma_start3A_173 = arith.constant 0 : i32
      %dma_start3A_174 = tpu.memref_slice %arg14[%add3A_166, %dma_start3A_173] : memref<256x64xf32, #tpu.memory_space<vmem>> -> memref<1x64xf32, #tpu.memory_space<vmem>>
      %dma_start3A_175 = tpu.memref_squeeze %dma_start3A_174 : memref<1x64xf32, #tpu.memory_space<vmem>> -> memref<64xf32, #tpu.memory_space<vmem>>
      %dma_start3A_176 = arith.constant 0 : i32
      %dma_start3A_177 = tpu.memref_slice %arg6[%squeeze3A_162, %dma_start3A_176] : memref<1000000x64xf32, #tpu.memory_space<hbm>> -> memref<1x64xf32, #tpu.memory_space<hbm>>
      %dma_start3A_178 = tpu.memref_squeeze %dma_start3A_177 : memref<1x64xf32, #tpu.memory_space<hbm>> -> memref<64xf32, #tpu.memory_space<hbm>>
      tpu.enqueue_dma source(%dma_start3A_178 : memref<64xf32, #tpu.memory_space<hbm>>) target(%dma_start3A_175 : memref<64xf32, #tpu.memory_space<vmem>>) target_semaphore(%arg17 : memref<!tpu.dma_semaphore, #tpu.memory_space<semaphore_mem>>)
      %slice3A_179 = vector.extract_strided_slice %get3A_91 {offsets = [5], sizes = [1], strides = [1]} : vector<16xi32> to vector<1xi32>
      %squeeze3A_180 = vector.extract %slice3A_179[0] : i32 from vector<1xi32>
      %mul3A_181 = arith.constant 16 : i32
      %mul3A_182 = arith.muli %scan3A_85, %mul3A_181 : i32
      %add3A_183 = arith.constant 5 : i32
      %add3A_184 = arith.addi %mul3A_182, %add3A_183 : i32
      %dma_start3A_185 = arith.constant 0 : i32
      %dma_start3A_186 = tpu.memref_slice %arg14[%add3A_184, %dma_start3A_185] : memref<256x64xf32, #tpu.memory_space<vmem>> -> memref<1x64xf32, #tpu.memory_space<vmem>>
      %dma_start3A_187 = tpu.memref_squeeze %dma_start3A_186 : memref<1x64xf32, #tpu.memory_space<vmem>> -> memref<64xf32, #tpu.memory_space<vmem>>
      %dma_start3A_188 = arith.constant 0 : i32
      %dma_start3A_189 = tpu.memref_slice %arg6[%squeeze3A_180, %dma_start3A_188] : memref<1000000x64xf32, #tpu.memory_space<hbm>> -> memref<1x64xf32, #tpu.memory_space<hbm>>
      %dma_start3A_190 = tpu.memref_squeeze %dma_start3A_189 : memref<1x64xf32, #tpu.memory_space<hbm>> -> memref<64xf32, #tpu.memory_space<hbm>>
      %dma_start3A_191 = arith.constant 0 : i32
      %dma_start3A_192 = tpu.memref_slice %arg14[%add3A_184, %dma_start3A_191] : memref<256x64xf32, #tpu.memory_space<vmem>> -> memref<1x64xf32, #tpu.memory_space<vmem>>
      %dma_start3A_193 = tpu.memref_squeeze %dma_start3A_192 : memref<1x64xf32, #tpu.memory_space<vmem>> -> memref<64xf32, #tpu.memory_space<vmem>>
      %dma_start3A_194 = arith.constant 0 : i32
      %dma_start3A_195 = tpu.memref_slice %arg6[%squeeze3A_180, %dma_start3A_194] : memref<1000000x64xf32, #tpu.memory_space<hbm>> -> memref<1x64xf32, #tpu.memory_space<hbm>>
      %dma_start3A_196 = tpu.memref_squeeze %dma_start3A_195 : memref<1x64xf32, #tpu.memory_space<hbm>> -> memref<64xf32, #tpu.memory_space<hbm>>
      tpu.enqueue_dma source(%dma_start3A_196 : memref<64xf32, #tpu.memory_space<hbm>>) target(%dma_start3A_193 : memref<64xf32, #tpu.memory_space<vmem>>) target_semaphore(%arg17 : memref<!tpu.dma_semaphore, #tpu.memory_space<semaphore_mem>>)
      %slice3A_197 = vector.extract_strided_slice %get3A_91 {offsets = [6], sizes = [1], strides = [1]} : vector<16xi32> to vector<1xi32>
      %squeeze3A_198 = vector.extract %slice3A_197[0] : i32 from vector<1xi32>
      %mul3A_199 = arith.constant 16 : i32
      %mul3A_200 = arith.muli %scan3A_85, %mul3A_199 : i32
      %add3A_201 = arith.constant 6 : i32
      %add3A_202 = arith.addi %mul3A_200, %add3A_201 : i32
      %dma_start3A_203 = arith.constant 0 : i32
      %dma_start3A_204 = tpu.memref_slice %arg14[%add3A_202, %dma_start3A_203] : memref<256x64xf32, #tpu.memory_space<vmem>> -> memref<1x64xf32, #tpu.memory_space<vmem>>
      %dma_start3A_205 = tpu.memref_squeeze %dma_start3A_204 : memref<1x64xf32, #tpu.memory_space<vmem>> -> memref<64xf32, #tpu.memory_space<vmem>>
      %dma_start3A_206 = arith.constant 0 : i32
      %dma_start3A_207 = tpu.memref_slice %arg6[%squeeze3A_198, %dma_start3A_206] : memref<1000000x64xf32, #tpu.memory_space<hbm>> -> memref<1x64xf32, #tpu.memory_space<hbm>>
      %dma_start3A_208 = tpu.memref_squeeze %dma_start3A_207 : memref<1x64xf32, #tpu.memory_space<hbm>> -> memref<64xf32, #tpu.memory_space<hbm>>
      %dma_start3A_209 = arith.constant 0 : i32
      %dma_start3A_210 = tpu.memref_slice %arg14[%add3A_202, %dma_start3A_209] : memref<256x64xf32, #tpu.memory_space<vmem>> -> memref<1x64xf32, #tpu.memory_space<vmem>>
      %dma_start3A_211 = tpu.memref_squeeze %dma_start3A_210 : memref<1x64xf32, #tpu.memory_space<vmem>> -> memref<64xf32, #tpu.memory_space<vmem>>
      %dma_start3A_212 = arith.constant 0 : i32
      %dma_start3A_213 = tpu.memref_slice %arg6[%squeeze3A_198, %dma_start3A_212] : memref<1000000x64xf32, #tpu.memory_space<hbm>> -> memref<1x64xf32, #tpu.memory_space<hbm>>
      %dma_start3A_214 = tpu.memref_squeeze %dma_start3A_213 : memref<1x64xf32, #tpu.memory_space<hbm>> -> memref<64xf32, #tpu.memory_space<hbm>>
      tpu.enqueue_dma source(%dma_start3A_214 : memref<64xf32, #tpu.memory_space<hbm>>) target(%dma_start3A_211 : memref<64xf32, #tpu.memory_space<vmem>>) target_semaphore(%arg17 : memref<!tpu.dma_semaphore, #tpu.memory_space<semaphore_mem>>)
      %slice3A_215 = vector.extract_strided_slice %get3A_91 {offsets = [7], sizes = [1], strides = [1]} : vector<16xi32> to vector<1xi32>
      %squeeze3A_216 = vector.extract %slice3A_215[0] : i32 from vector<1xi32>
      %mul3A_217 = arith.constant 16 : i32
      %mul3A_218 = arith.muli %scan3A_85, %mul3A_217 : i32
      %add3A_219 = arith.constant 7 : i32
      %add3A_220 = arith.addi %mul3A_218, %add3A_219 : i32
      %dma_start3A_221 = arith.constant 0 : i32
      %dma_start3A_222 = tpu.memref_slice %arg14[%add3A_220, %dma_start3A_221] : memref<256x64xf32, #tpu.memory_space<vmem>> -> memref<1x64xf32, #tpu.memory_space<vmem>>
      %dma_start3A_223 = tpu.memref_squeeze %dma_start3A_222 : memref<1x64xf32, #tpu.memory_space<vmem>> -> memref<64xf32, #tpu.memory_space<vmem>>
      %dma_start3A_224 = arith.constant 0 : i32
      %dma_start3A_225 = tpu.memref_slice %arg6[%squeeze3A_216, %dma_start3A_224] : memref<1000000x64xf32, #tpu.memory_space<hbm>> -> memref<1x64xf32, #tpu.memory_space<hbm>>
      %dma_start3A_226 = tpu.memref_squeeze %dma_start3A_225 : memref<1x64xf32, #tpu.memory_space<hbm>> -> memref<64xf32, #tpu.memory_space<hbm>>
      %dma_start3A_227 = arith.constant 0 : i32
      %dma_start3A_228 = tpu.memref_slice %arg14[%add3A_220, %dma_start3A_227] : memref<256x64xf32, #tpu.memory_space<vmem>> -> memref<1x64xf32, #tpu.memory_space<vmem>>
      %dma_start3A_229 = tpu.memref_squeeze %dma_start3A_228 : memref<1x64xf32, #tpu.memory_space<vmem>> -> memref<64xf32, #tpu.memory_space<vmem>>
      %dma_start3A_230 = arith.constant 0 : i32
      %dma_start3A_231 = tpu.memref_slice %arg6[%squeeze3A_216, %dma_start3A_230] : memref<1000000x64xf32, #tpu.memory_space<hbm>> -> memref<1x64xf32, #tpu.memory_space<hbm>>
      %dma_start3A_232 = tpu.memref_squeeze %dma_start3A_231 : memref<1x64xf32, #tpu.memory_space<hbm>> -> memref<64xf32, #tpu.memory_space<hbm>>
      tpu.enqueue_dma source(%dma_start3A_232 : memref<64xf32, #tpu.memory_space<hbm>>) target(%dma_start3A_229 : memref<64xf32, #tpu.memory_space<vmem>>) target_semaphore(%arg17 : memref<!tpu.dma_semaphore, #tpu.memory_space<semaphore_mem>>)
      %slice3A_233 = vector.extract_strided_slice %get3A_91 {offsets = [8], sizes = [1], strides = [1]} : vector<16xi32> to vector<1xi32>
      %squeeze3A_234 = vector.extract %slice3A_233[0] : i32 from vector<1xi32>
      %mul3A_235 = arith.constant 16 : i32
      %mul3A_236 = arith.muli %scan3A_85, %mul3A_235 : i32
      %add3A_237 = arith.constant 8 : i32
      %add3A_238 = arith.addi %mul3A_236, %add3A_237 : i32
      %dma_start3A_239 = arith.constant 0 : i32
      %dma_start3A_240 = tpu.memref_slice %arg14[%add3A_238, %dma_start3A_239] : memref<256x64xf32, #tpu.memory_space<vmem>> -> memref<1x64xf32, #tpu.memory_space<vmem>>
      %dma_start3A_241 = tpu.memref_squeeze %dma_start3A_240 : memref<1x64xf32, #tpu.memory_space<vmem>> -> memref<64xf32, #tpu.memory_space<vmem>>
      %dma_start3A_242 = arith.constant 0 : i32
      %dma_start3A_243 = tpu.memref_slice %arg6[%squeeze3A_234, %dma_start3A_242] : memref<1000000x64xf32, #tpu.memory_space<hbm>> -> memref<1x64xf32, #tpu.memory_space<hbm>>
      %dma_start3A_244 = tpu.memref_squeeze %dma_start3A_243 : memref<1x64xf32, #tpu.memory_space<hbm>> -> memref<64xf32, #tpu.memory_space<hbm>>
      %dma_start3A_245 = arith.constant 0 : i32
      %dma_start3A_246 = tpu.memref_slice %arg14[%add3A_238, %dma_start3A_245] : memref<256x64xf32, #tpu.memory_space<vmem>> -> memref<1x64xf32, #tpu.memory_space<vmem>>
      %dma_start3A_247 = tpu.memref_squeeze %dma_start3A_246 : memref<1x64xf32, #tpu.memory_space<vmem>> -> memref<64xf32, #tpu.memory_space<vmem>>
      %dma_start3A_248 = arith.constant 0 : i32
      %dma_start3A_249 = tpu.memref_slice %arg6[%squeeze3A_234, %dma_start3A_248] : memref<1000000x64xf32, #tpu.memory_space<hbm>> -> memref<1x64xf32, #tpu.memory_space<hbm>>
      %dma_start3A_250 = tpu.memref_squeeze %dma_start3A_249 : memref<1x64xf32, #tpu.memory_space<hbm>> -> memref<64xf32, #tpu.memory_space<hbm>>
      tpu.enqueue_dma source(%dma_start3A_250 : memref<64xf32, #tpu.memory_space<hbm>>) target(%dma_start3A_247 : memref<64xf32, #tpu.memory_space<vmem>>) target_semaphore(%arg17 : memref<!tpu.dma_semaphore, #tpu.memory_space<semaphore_mem>>)
      %slice3A_251 = vector.extract_strided_slice %get3A_91 {offsets = [9], sizes = [1], strides = [1]} : vector<16xi32> to vector<1xi32>
      %squeeze3A_252 = vector.extract %slice3A_251[0] : i32 from vector<1xi32>
      %mul3A_253 = arith.constant 16 : i32
      %mul3A_254 = arith.muli %scan3A_85, %mul3A_253 : i32
      %add3A_255 = arith.constant 9 : i32
      %add3A_256 = arith.addi %mul3A_254, %add3A_255 : i32
      %dma_start3A_257 = arith.constant 0 : i32
      %dma_start3A_258 = tpu.memref_slice %arg14[%add3A_256, %dma_start3A_257] : memref<256x64xf32, #tpu.memory_space<vmem>> -> memref<1x64xf32, #tpu.memory_space<vmem>>
      %dma_start3A_259 = tpu.memref_squeeze %dma_start3A_258 : memref<1x64xf32, #tpu.memory_space<vmem>> -> memref<64xf32, #tpu.memory_space<vmem>>
      %dma_start3A_260 = arith.constant 0 : i32
      %dma_start3A_261 = tpu.memref_slice %arg6[%squeeze3A_252, %dma_start3A_260] : memref<1000000x64xf32, #tpu.memory_space<hbm>> -> memref<1x64xf32, #tpu.memory_space<hbm>>
      %dma_start3A_262 = tpu.memref_squeeze %dma_start3A_261 : memref<1x64xf32, #tpu.memory_space<hbm>> -> memref<64xf32, #tpu.memory_space<hbm>>
      %dma_start3A_263 = arith.constant 0 : i32
      %dma_start3A_264 = tpu.memref_slice %arg14[%add3A_256, %dma_start3A_263] : memref<256x64xf32, #tpu.memory_space<vmem>> -> memref<1x64xf32, #tpu.memory_space<vmem>>
      %dma_start3A_265 = tpu.memref_squeeze %dma_start3A_264 : memref<1x64xf32, #tpu.memory_space<vmem>> -> memref<64xf32, #tpu.memory_space<vmem>>
      %dma_start3A_266 = arith.constant 0 : i32
      %dma_start3A_267 = tpu.memref_slice %arg6[%squeeze3A_252, %dma_start3A_266] : memref<1000000x64xf32, #tpu.memory_space<hbm>> -> memref<1x64xf32, #tpu.memory_space<hbm>>
      %dma_start3A_268 = tpu.memref_squeeze %dma_start3A_267 : memref<1x64xf32, #tpu.memory_space<hbm>> -> memref<64xf32, #tpu.memory_space<hbm>>
      tpu.enqueue_dma source(%dma_start3A_268 : memref<64xf32, #tpu.memory_space<hbm>>) target(%dma_start3A_265 : memref<64xf32, #tpu.memory_space<vmem>>) target_semaphore(%arg17 : memref<!tpu.dma_semaphore, #tpu.memory_space<semaphore_mem>>)
      %slice3A_269 = vector.extract_strided_slice %get3A_91 {offsets = [10], sizes = [1], strides = [1]} : vector<16xi32> to vector<1xi32>
      %squeeze3A_270 = vector.extract %slice3A_269[0] : i32 from vector<1xi32>
      %mul3A_271 = arith.constant 16 : i32
      %mul3A_272 = arith.muli %scan3A_85, %mul3A_271 : i32
      %add3A_273 = arith.constant 10 : i32
      %add3A_274 = arith.addi %mul3A_272, %add3A_273 : i32
      %dma_start3A_275 = arith.constant 0 : i32
      %dma_start3A_276 = tpu.memref_slice %arg14[%add3A_274, %dma_start3A_275] : memref<256x64xf32, #tpu.memory_space<vmem>> -> memref<1x64xf32, #tpu.memory_space<vmem>>
      %dma_start3A_277 = tpu.memref_squeeze %dma_start3A_276 : memref<1x64xf32, #tpu.memory_space<vmem>> -> memref<64xf32, #tpu.memory_space<vmem>>
      %dma_start3A_278 = arith.constant 0 : i32
      %dma_start3A_279 = tpu.memref_slice %arg6[%squeeze3A_270, %dma_start3A_278] : memref<1000000x64xf32, #tpu.memory_space<hbm>> -> memref<1x64xf32, #tpu.memory_space<hbm>>
      %dma_start3A_280 = tpu.memref_squeeze %dma_start3A_279 : memref<1x64xf32, #tpu.memory_space<hbm>> -> memref<64xf32, #tpu.memory_space<hbm>>
      %dma_start3A_281 = arith.constant 0 : i32
      %dma_start3A_282 = tpu.memref_slice %arg14[%add3A_274, %dma_start3A_281] : memref<256x64xf32, #tpu.memory_space<vmem>> -> memref<1x64xf32, #tpu.memory_space<vmem>>
      %dma_start3A_283 = tpu.memref_squeeze %dma_start3A_282 : memref<1x64xf32, #tpu.memory_space<vmem>> -> memref<64xf32, #tpu.memory_space<vmem>>
      %dma_start3A_284 = arith.constant 0 : i32
      %dma_start3A_285 = tpu.memref_slice %arg6[%squeeze3A_270, %dma_start3A_284] : memref<1000000x64xf32, #tpu.memory_space<hbm>> -> memref<1x64xf32, #tpu.memory_space<hbm>>
      %dma_start3A_286 = tpu.memref_squeeze %dma_start3A_285 : memref<1x64xf32, #tpu.memory_space<hbm>> -> memref<64xf32, #tpu.memory_space<hbm>>
      tpu.enqueue_dma source(%dma_start3A_286 : memref<64xf32, #tpu.memory_space<hbm>>) target(%dma_start3A_283 : memref<64xf32, #tpu.memory_space<vmem>>) target_semaphore(%arg17 : memref<!tpu.dma_semaphore, #tpu.memory_space<semaphore_mem>>)
      %slice3A_287 = vector.extract_strided_slice %get3A_91 {offsets = [11], sizes = [1], strides = [1]} : vector<16xi32> to vector<1xi32>
      %squeeze3A_288 = vector.extract %slice3A_287[0] : i32 from vector<1xi32>
      %mul3A_289 = arith.constant 16 : i32
      %mul3A_290 = arith.muli %scan3A_85, %mul3A_289 : i32
      %add3A_291 = arith.constant 11 : i32
      %add3A_292 = arith.addi %mul3A_290, %add3A_291 : i32
      %dma_start3A_293 = arith.constant 0 : i32
      %dma_start3A_294 = tpu.memref_slice %arg14[%add3A_292, %dma_start3A_293] : memref<256x64xf32, #tpu.memory_space<vmem>> -> memref<1x64xf32, #tpu.memory_space<vmem>>
      %dma_start3A_295 = tpu.memref_squeeze %dma_start3A_294 : memref<1x64xf32, #tpu.memory_space<vmem>> -> memref<64xf32, #tpu.memory_space<vmem>>
      %dma_start3A_296 = arith.constant 0 : i32
      %dma_start3A_297 = tpu.memref_slice %arg6[%squeeze3A_288, %dma_start3A_296] : memref<1000000x64xf32, #tpu.memory_space<hbm>> -> memref<1x64xf32, #tpu.memory_space<hbm>>
      %dma_start3A_298 = tpu.memref_squeeze %dma_start3A_297 : memref<1x64xf32, #tpu.memory_space<hbm>> -> memref<64xf32, #tpu.memory_space<hbm>>
      %dma_start3A_299 = arith.constant 0 : i32
      %dma_start3A_300 = tpu.memref_slice %arg14[%add3A_292, %dma_start3A_299] : memref<256x64xf32, #tpu.memory_space<vmem>> -> memref<1x64xf32, #tpu.memory_space<vmem>>
      %dma_start3A_301 = tpu.memref_squeeze %dma_start3A_300 : memref<1x64xf32, #tpu.memory_space<vmem>> -> memref<64xf32, #tpu.memory_space<vmem>>
      %dma_start3A_302 = arith.constant 0 : i32
      %dma_start3A_303 = tpu.memref_slice %arg6[%squeeze3A_288, %dma_start3A_302] : memref<1000000x64xf32, #tpu.memory_space<hbm>> -> memref<1x64xf32, #tpu.memory_space<hbm>>
      %dma_start3A_304 = tpu.memref_squeeze %dma_start3A_303 : memref<1x64xf32, #tpu.memory_space<hbm>> -> memref<64xf32, #tpu.memory_space<hbm>>
      tpu.enqueue_dma source(%dma_start3A_304 : memref<64xf32, #tpu.memory_space<hbm>>) target(%dma_start3A_301 : memref<64xf32, #tpu.memory_space<vmem>>) target_semaphore(%arg17 : memref<!tpu.dma_semaphore, #tpu.memory_space<semaphore_mem>>)
      %slice3A_305 = vector.extract_strided_slice %get3A_91 {offsets = [12], sizes = [1], strides = [1]} : vector<16xi32> to vector<1xi32>
      %squeeze3A_306 = vector.extract %slice3A_305[0] : i32 from vector<1xi32>
      %mul3A_307 = arith.constant 16 : i32
      %mul3A_308 = arith.muli %scan3A_85, %mul3A_307 : i32
      %add3A_309 = arith.constant 12 : i32
      %add3A_310 = arith.addi %mul3A_308, %add3A_309 : i32
      %dma_start3A_311 = arith.constant 0 : i32
      %dma_start3A_312 = tpu.memref_slice %arg14[%add3A_310, %dma_start3A_311] : memref<256x64xf32, #tpu.memory_space<vmem>> -> memref<1x64xf32, #tpu.memory_space<vmem>>
      %dma_start3A_313 = tpu.memref_squeeze %dma_start3A_312 : memref<1x64xf32, #tpu.memory_space<vmem>> -> memref<64xf32, #tpu.memory_space<vmem>>
      %dma_start3A_314 = arith.constant 0 : i32
      %dma_start3A_315 = tpu.memref_slice %arg6[%squeeze3A_306, %dma_start3A_314] : memref<1000000x64xf32, #tpu.memory_space<hbm>> -> memref<1x64xf32, #tpu.memory_space<hbm>>
      %dma_start3A_316 = tpu.memref_squeeze %dma_start3A_315 : memref<1x64xf32, #tpu.memory_space<hbm>> -> memref<64xf32, #tpu.memory_space<hbm>>
      %dma_start3A_317 = arith.constant 0 : i32
      %dma_start3A_318 = tpu.memref_slice %arg14[%add3A_310, %dma_start3A_317] : memref<256x64xf32, #tpu.memory_space<vmem>> -> memref<1x64xf32, #tpu.memory_space<vmem>>
      %dma_start3A_319 = tpu.memref_squeeze %dma_start3A_318 : memref<1x64xf32, #tpu.memory_space<vmem>> -> memref<64xf32, #tpu.memory_space<vmem>>
      %dma_start3A_320 = arith.constant 0 : i32
      %dma_start3A_321 = tpu.memref_slice %arg6[%squeeze3A_306, %dma_start3A_320] : memref<1000000x64xf32, #tpu.memory_space<hbm>> -> memref<1x64xf32, #tpu.memory_space<hbm>>
      %dma_start3A_322 = tpu.memref_squeeze %dma_start3A_321 : memref<1x64xf32, #tpu.memory_space<hbm>> -> memref<64xf32, #tpu.memory_space<hbm>>
      tpu.enqueue_dma source(%dma_start3A_322 : memref<64xf32, #tpu.memory_space<hbm>>) target(%dma_start3A_319 : memref<64xf32, #tpu.memory_space<vmem>>) target_semaphore(%arg17 : memref<!tpu.dma_semaphore, #tpu.memory_space<semaphore_mem>>)
      %slice3A_323 = vector.extract_strided_slice %get3A_91 {offsets = [13], sizes = [1], strides = [1]} : vector<16xi32> to vector<1xi32>
      %squeeze3A_324 = vector.extract %slice3A_323[0] : i32 from vector<1xi32>
      %mul3A_325 = arith.constant 16 : i32
      %mul3A_326 = arith.muli %scan3A_85, %mul3A_325 : i32
      %add3A_327 = arith.constant 13 : i32
      %add3A_328 = arith.addi %mul3A_326, %add3A_327 : i32
      %dma_start3A_329 = arith.constant 0 : i32
      %dma_start3A_330 = tpu.memref_slice %arg14[%add3A_328, %dma_start3A_329] : memref<256x64xf32, #tpu.memory_space<vmem>> -> memref<1x64xf32, #tpu.memory_space<vmem>>
      %dma_start3A_331 = tpu.memref_squeeze %dma_start3A_330 : memref<1x64xf32, #tpu.memory_space<vmem>> -> memref<64xf32, #tpu.memory_space<vmem>>
      %dma_start3A_332 = arith.constant 0 : i32
      %dma_start3A_333 = tpu.memref_slice %arg6[%squeeze3A_324, %dma_start3A_332] : memref<1000000x64xf32, #tpu.memory_space<hbm>> -> memref<1x64xf32, #tpu.memory_space<hbm>>
      %dma_start3A_334 = tpu.memref_squeeze %dma_start3A_333 : memref<1x64xf32, #tpu.memory_space<hbm>> -> memref<64xf32, #tpu.memory_space<hbm>>
      %dma_start3A_335 = arith.constant 0 : i32
      %dma_start3A_336 = tpu.memref_slice %arg14[%add3A_328, %dma_start3A_335] : memref<256x64xf32, #tpu.memory_space<vmem>> -> memref<1x64xf32, #tpu.memory_space<vmem>>
      %dma_start3A_337 = tpu.memref_squeeze %dma_start3A_336 : memref<1x64xf32, #tpu.memory_space<vmem>> -> memref<64xf32, #tpu.memory_space<vmem>>
      %dma_start3A_338 = arith.constant 0 : i32
      %dma_start3A_339 = tpu.memref_slice %arg6[%squeeze3A_324, %dma_start3A_338] : memref<1000000x64xf32, #tpu.memory_space<hbm>> -> memref<1x64xf32, #tpu.memory_space<hbm>>
      %dma_start3A_340 = tpu.memref_squeeze %dma_start3A_339 : memref<1x64xf32, #tpu.memory_space<hbm>> -> memref<64xf32, #tpu.memory_space<hbm>>
      tpu.enqueue_dma source(%dma_start3A_340 : memref<64xf32, #tpu.memory_space<hbm>>) target(%dma_start3A_337 : memref<64xf32, #tpu.memory_space<vmem>>) target_semaphore(%arg17 : memref<!tpu.dma_semaphore, #tpu.memory_space<semaphore_mem>>)
      %slice3A_341 = vector.extract_strided_slice %get3A_91 {offsets = [14], sizes = [1], strides = [1]} : vector<16xi32> to vector<1xi32>
      %squeeze3A_342 = vector.extract %slice3A_341[0] : i32 from vector<1xi32>
      %mul3A_343 = arith.constant 16 : i32
      %mul3A_344 = arith.muli %scan3A_85, %mul3A_343 : i32
      %add3A_345 = arith.constant 14 : i32
      %add3A_346 = arith.addi %mul3A_344, %add3A_345 : i32
      %dma_start3A_347 = arith.constant 0 : i32
      %dma_start3A_348 = tpu.memref_slice %arg14[%add3A_346, %dma_start3A_347] : memref<256x64xf32, #tpu.memory_space<vmem>> -> memref<1x64xf32, #tpu.memory_space<vmem>>
      %dma_start3A_349 = tpu.memref_squeeze %dma_start3A_348 : memref<1x64xf32, #tpu.memory_space<vmem>> -> memref<64xf32, #tpu.memory_space<vmem>>
      %dma_start3A_350 = arith.constant 0 : i32
      %dma_start3A_351 = tpu.memref_slice %arg6[%squeeze3A_342, %dma_start3A_350] : memref<1000000x64xf32, #tpu.memory_space<hbm>> -> memref<1x64xf32, #tpu.memory_space<hbm>>
      %dma_start3A_352 = tpu.memref_squeeze %dma_start3A_351 : memref<1x64xf32, #tpu.memory_space<hbm>> -> memref<64xf32, #tpu.memory_space<hbm>>
      %dma_start3A_353 = arith.constant 0 : i32
      %dma_start3A_354 = tpu.memref_slice %arg14[%add3A_346, %dma_start3A_353] : memref<256x64xf32, #tpu.memory_space<vmem>> -> memref<1x64xf32, #tpu.memory_space<vmem>>
      %dma_start3A_355 = tpu.memref_squeeze %dma_start3A_354 : memref<1x64xf32, #tpu.memory_space<vmem>> -> memref<64xf32, #tpu.memory_space<vmem>>
      %dma_start3A_356 = arith.constant 0 : i32
      %dma_start3A_357 = tpu.memref_slice %arg6[%squeeze3A_342, %dma_start3A_356] : memref<1000000x64xf32, #tpu.memory_space<hbm>> -> memref<1x64xf32, #tpu.memory_space<hbm>>
      %dma_start3A_358 = tpu.memref_squeeze %dma_start3A_357 : memref<1x64xf32, #tpu.memory_space<hbm>> -> memref<64xf32, #tpu.memory_space<hbm>>
      tpu.enqueue_dma source(%dma_start3A_358 : memref<64xf32, #tpu.memory_space<hbm>>) target(%dma_start3A_355 : memref<64xf32, #tpu.memory_space<vmem>>) target_semaphore(%arg17 : memref<!tpu.dma_semaphore, #tpu.memory_space<semaphore_mem>>)
      %slice3A_359 = vector.extract_strided_slice %get3A_91 {offsets = [15], sizes = [1], strides = [1]} : vector<16xi32> to vector<1xi32>
      %squeeze3A_360 = vector.extract %slice3A_359[0] : i32 from vector<1xi32>
      %mul3A_361 = arith.constant 16 : i32
      %mul3A_362 = arith.muli %scan3A_85, %mul3A_361 : i32
      %add3A_363 = arith.constant 15 : i32
      %add3A_364 = arith.addi %mul3A_362, %add3A_363 : i32
      %dma_start3A_365 = arith.constant 0 : i32
      %dma_start3A_366 = tpu.memref_slice %arg14[%add3A_364, %dma_start3A_365] : memref<256x64xf32, #tpu.memory_space<vmem>> -> memref<1x64xf32, #tpu.memory_space<vmem>>
      %dma_start3A_367 = tpu.memref_squeeze %dma_start3A_366 : memref<1x64xf32, #tpu.memory_space<vmem>> -> memref<64xf32, #tpu.memory_space<vmem>>
      %dma_start3A_368 = arith.constant 0 : i32
      %dma_start3A_369 = tpu.memref_slice %arg6[%squeeze3A_360, %dma_start3A_368] : memref<1000000x64xf32, #tpu.memory_space<hbm>> -> memref<1x64xf32, #tpu.memory_space<hbm>>
      %dma_start3A_370 = tpu.memref_squeeze %dma_start3A_369 : memref<1x64xf32, #tpu.memory_space<hbm>> -> memref<64xf32, #tpu.memory_space<hbm>>
      %dma_start3A_371 = arith.constant 0 : i32
      %dma_start3A_372 = tpu.memref_slice %arg14[%add3A_364, %dma_start3A_371] : memref<256x64xf32, #tpu.memory_space<vmem>> -> memref<1x64xf32, #tpu.memory_space<vmem>>
      %dma_start3A_373 = tpu.memref_squeeze %dma_start3A_372 : memref<1x64xf32, #tpu.memory_space<vmem>> -> memref<64xf32, #tpu.memory_space<vmem>>
      %dma_start3A_374 = arith.constant 0 : i32
      %dma_start3A_375 = tpu.memref_slice %arg6[%squeeze3A_360, %dma_start3A_374] : memref<1000000x64xf32, #tpu.memory_space<hbm>> -> memref<1x64xf32, #tpu.memory_space<hbm>>
      %dma_start3A_376 = tpu.memref_squeeze %dma_start3A_375 : memref<1x64xf32, #tpu.memory_space<hbm>> -> memref<64xf32, #tpu.memory_space<hbm>>
      tpu.enqueue_dma source(%dma_start3A_376 : memref<64xf32, #tpu.memory_space<hbm>>) target(%dma_start3A_373 : memref<64xf32, #tpu.memory_space<vmem>>) target_semaphore(%arg17 : memref<!tpu.dma_semaphore, #tpu.memory_space<semaphore_mem>>)
    }
    %scan3A_46 = arith.constant 16 : i32
    %dma_wait3A_47 = arith.constant 0 : i32
    %dma_wait3A_48 = arith.constant 0 : i32
    %dma_wait3A_49 = tpu.memref_slice %arg5[%dma_wait3A_47, %dma_wait3A_48] : memref<1000000x64xf32, #tpu.memory_space<hbm>> -> memref<256x64xf32, #tpu.memory_space<hbm>>
    %dma_wait3A_50 = arith.constant 0 : i32
    %dma_wait3A_51 = arith.constant 0 : i32
    %dma_wait3A_52 = tpu.memref_slice %arg5[%dma_wait3A_50, %dma_wait3A_51] : memref<1000000x64xf32, #tpu.memory_space<hbm>> -> memref<256x64xf32, #tpu.memory_space<hbm>>
    tpu.wait_dma2 semaphore(%arg18 : memref<!tpu.dma_semaphore, #tpu.memory_space<semaphore_mem>>) src(%dma_wait3A_52 : memref<256x64xf32, #tpu.memory_space<hbm>>) dst(%arg15 : memref<256x64xf32, #tpu.memory_space<vmem>>)
    %add3A_53 = arith.constant 0 : i32
    %add3A_54 = arith.addi %mul3A_2, %add3A_53 : i32
    "tpu.region"() ({
      %run_scoped3A = tpu.sem_alloc : memref<!tpu.dma_semaphore, #tpu.memory_space<semaphore_mem>>
      %dma_start3A = arith.constant 0 : i32
      %dma_start3A_85 = tpu.memref_slice %arg9[%add3A_54, %dma_start3A] : memref<16384x64xf32, #tpu.memory_space<hbm>> -> memref<256x64xf32, #tpu.memory_space<hbm>>
      %dma_start3A_86 = arith.constant 0 : i32
      %dma_start3A_87 = tpu.memref_slice %arg9[%add3A_54, %dma_start3A_86] : memref<16384x64xf32, #tpu.memory_space<hbm>> -> memref<256x64xf32, #tpu.memory_space<hbm>>
      tpu.enqueue_dma source(%arg15 : memref<256x64xf32, #tpu.memory_space<vmem>>) target(%dma_start3A_87 : memref<256x64xf32, #tpu.memory_space<hbm>>) target_semaphore(%run_scoped3A : memref<!tpu.dma_semaphore, #tpu.memory_space<semaphore_mem>>)
      %dma_wait3A_88 = arith.constant 0 : i32
      %dma_wait3A_89 = tpu.memref_slice %arg9[%add3A_54, %dma_wait3A_88] : memref<16384x64xf32, #tpu.memory_space<hbm>> -> memref<256x64xf32, #tpu.memory_space<hbm>>
      %dma_wait3A_90 = arith.constant 0 : i32
      %dma_wait3A_91 = tpu.memref_slice %arg9[%add3A_54, %dma_wait3A_90] : memref<16384x64xf32, #tpu.memory_space<hbm>> -> memref<256x64xf32, #tpu.memory_space<hbm>>
      tpu.wait_dma2 semaphore(%run_scoped3A : memref<!tpu.dma_semaphore, #tpu.memory_space<semaphore_mem>>) src(%arg15 : memref<256x64xf32, #tpu.memory_space<vmem>>) dst(%dma_wait3A_91 : memref<256x64xf32, #tpu.memory_space<hbm>>)
      tpu.yield
    }) : () -> ()
    %scan3A_55 = arith.constant 0 : i32
    %scan3A_56 = arith.constant 0 : i32
    %scan3A_57 = arith.constant 16 : i32
    %scan3A_58 = arith.addi %scan3A_56, %scan3A_57 : i32
    %scan3A_59 = arith.constant 1 : i32
    scf.for %scan3A_85 = %scan3A_56 to %scan3A_58 step %scan3A_59  : i32 {
      %mul3A_86 = arith.constant 16 : i32
      %mul3A_87 = arith.muli %scan3A_85, %mul3A_86 : i32
      %add3A_88 = arith.constant 256 : i32
      %add3A_89 = arith.addi %add3A_88, %mul3A_87 : i32
      %get3A = arith.index_cast %add3A_89 : i32 to index
      %get3A_90 = tpu.vector_load %arg12[%get3A] {strides = array<i32>} : memref<512xi32, #tpu.memory_space<vmem>>, vector<16xi32>,
      %get3A_91 = vector.shape_cast %get3A_90 : vector<16xi32> to vector<16xi32>
      %slice3A = vector.extract_strided_slice %get3A_91 {offsets = [0], sizes = [1], strides = [1]} : vector<16xi32> to vector<1xi32>
      %squeeze3A = vector.extract %slice3A[0] : i32 from vector<1xi32>
      %mul3A_92 = arith.constant 16 : i32
      %mul3A_93 = arith.muli %scan3A_85, %mul3A_92 : i32
      %add3A_94 = arith.constant 0 : i32
      %add3A_95 = arith.addi %mul3A_93, %add3A_94 : i32
      %dma_start3A = arith.constant 0 : i32
      %dma_start3A_96 = tpu.memref_slice %arg15[%add3A_95, %dma_start3A] : memref<256x64xf32, #tpu.memory_space<vmem>> -> memref<1x64xf32, #tpu.memory_space<vmem>>
      %dma_start3A_97 = tpu.memref_squeeze %dma_start3A_96 : memref<1x64xf32, #tpu.memory_space<vmem>> -> memref<64xf32, #tpu.memory_space<vmem>>
      %dma_start3A_98 = arith.constant 0 : i32
      %dma_start3A_99 = tpu.memref_slice %arg5[%squeeze3A, %dma_start3A_98] : memref<1000000x64xf32, #tpu.memory_space<hbm>> -> memref<1x64xf32, #tpu.memory_space<hbm>>
      %dma_start3A_100 = tpu.memref_squeeze %dma_start3A_99 : memref<1x64xf32, #tpu.memory_space<hbm>> -> memref<64xf32, #tpu.memory_space<hbm>>
      %dma_start3A_101 = arith.constant 0 : i32
      %dma_start3A_102 = tpu.memref_slice %arg15[%add3A_95, %dma_start3A_101] : memref<256x64xf32, #tpu.memory_space<vmem>> -> memref<1x64xf32, #tpu.memory_space<vmem>>
      %dma_start3A_103 = tpu.memref_squeeze %dma_start3A_102 : memref<1x64xf32, #tpu.memory_space<vmem>> -> memref<64xf32, #tpu.memory_space<vmem>>
      %dma_start3A_104 = arith.constant 0 : i32
      %dma_start3A_105 = tpu.memref_slice %arg5[%squeeze3A, %dma_start3A_104] : memref<1000000x64xf32, #tpu.memory_space<hbm>> -> memref<1x64xf32, #tpu.memory_space<hbm>>
      %dma_start3A_106 = tpu.memref_squeeze %dma_start3A_105 : memref<1x64xf32, #tpu.memory_space<hbm>> -> memref<64xf32, #tpu.memory_space<hbm>>
      tpu.enqueue_dma source(%dma_start3A_106 : memref<64xf32, #tpu.memory_space<hbm>>) target(%dma_start3A_103 : memref<64xf32, #tpu.memory_space<vmem>>) target_semaphore(%arg18 : memref<!tpu.dma_semaphore, #tpu.memory_space<semaphore_mem>>)
      %slice3A_107 = vector.extract_strided_slice %get3A_91 {offsets = [1], sizes = [1], strides = [1]} : vector<16xi32> to vector<1xi32>
      %squeeze3A_108 = vector.extract %slice3A_107[0] : i32 from vector<1xi32>
      %mul3A_109 = arith.constant 16 : i32
      %mul3A_110 = arith.muli %scan3A_85, %mul3A_109 : i32
      %add3A_111 = arith.constant 1 : i32
      %add3A_112 = arith.addi %mul3A_110, %add3A_111 : i32
      %dma_start3A_113 = arith.constant 0 : i32
      %dma_start3A_114 = tpu.memref_slice %arg15[%add3A_112, %dma_start3A_113] : memref<256x64xf32, #tpu.memory_space<vmem>> -> memref<1x64xf32, #tpu.memory_space<vmem>>
      %dma_start3A_115 = tpu.memref_squeeze %dma_start3A_114 : memref<1x64xf32, #tpu.memory_space<vmem>> -> memref<64xf32, #tpu.memory_space<vmem>>
      %dma_start3A_116 = arith.constant 0 : i32
      %dma_start3A_117 = tpu.memref_slice %arg5[%squeeze3A_108, %dma_start3A_116] : memref<1000000x64xf32, #tpu.memory_space<hbm>> -> memref<1x64xf32, #tpu.memory_space<hbm>>
      %dma_start3A_118 = tpu.memref_squeeze %dma_start3A_117 : memref<1x64xf32, #tpu.memory_space<hbm>> -> memref<64xf32, #tpu.memory_space<hbm>>
      %dma_start3A_119 = arith.constant 0 : i32
      %dma_start3A_120 = tpu.memref_slice %arg15[%add3A_112, %dma_start3A_119] : memref<256x64xf32, #tpu.memory_space<vmem>> -> memref<1x64xf32, #tpu.memory_space<vmem>>
      %dma_start3A_121 = tpu.memref_squeeze %dma_start3A_120 : memref<1x64xf32, #tpu.memory_space<vmem>> -> memref<64xf32, #tpu.memory_space<vmem>>
      %dma_start3A_122 = arith.constant 0 : i32
      %dma_start3A_123 = tpu.memref_slice %arg5[%squeeze3A_108, %dma_start3A_122] : memref<1000000x64xf32, #tpu.memory_space<hbm>> -> memref<1x64xf32, #tpu.memory_space<hbm>>
      %dma_start3A_124 = tpu.memref_squeeze %dma_start3A_123 : memref<1x64xf32, #tpu.memory_space<hbm>> -> memref<64xf32, #tpu.memory_space<hbm>>
      tpu.enqueue_dma source(%dma_start3A_124 : memref<64xf32, #tpu.memory_space<hbm>>) target(%dma_start3A_121 : memref<64xf32, #tpu.memory_space<vmem>>) target_semaphore(%arg18 : memref<!tpu.dma_semaphore, #tpu.memory_space<semaphore_mem>>)
      %slice3A_125 = vector.extract_strided_slice %get3A_91 {offsets = [2], sizes = [1], strides = [1]} : vector<16xi32> to vector<1xi32>
      %squeeze3A_126 = vector.extract %slice3A_125[0] : i32 from vector<1xi32>
      %mul3A_127 = arith.constant 16 : i32
      %mul3A_128 = arith.muli %scan3A_85, %mul3A_127 : i32
      %add3A_129 = arith.constant 2 : i32
      %add3A_130 = arith.addi %mul3A_128, %add3A_129 : i32
      %dma_start3A_131 = arith.constant 0 : i32
      %dma_start3A_132 = tpu.memref_slice %arg15[%add3A_130, %dma_start3A_131] : memref<256x64xf32, #tpu.memory_space<vmem>> -> memref<1x64xf32, #tpu.memory_space<vmem>>
      %dma_start3A_133 = tpu.memref_squeeze %dma_start3A_132 : memref<1x64xf32, #tpu.memory_space<vmem>> -> memref<64xf32, #tpu.memory_space<vmem>>
      %dma_start3A_134 = arith.constant 0 : i32
      %dma_start3A_135 = tpu.memref_slice %arg5[%squeeze3A_126, %dma_start3A_134] : memref<1000000x64xf32, #tpu.memory_space<hbm>> -> memref<1x64xf32, #tpu.memory_space<hbm>>
      %dma_start3A_136 = tpu.memref_squeeze %dma_start3A_135 : memref<1x64xf32, #tpu.memory_space<hbm>> -> memref<64xf32, #tpu.memory_space<hbm>>
      %dma_start3A_137 = arith.constant 0 : i32
      %dma_start3A_138 = tpu.memref_slice %arg15[%add3A_130, %dma_start3A_137] : memref<256x64xf32, #tpu.memory_space<vmem>> -> memref<1x64xf32, #tpu.memory_space<vmem>>
      %dma_start3A_139 = tpu.memref_squeeze %dma_start3A_138 : memref<1x64xf32, #tpu.memory_space<vmem>> -> memref<64xf32, #tpu.memory_space<vmem>>
      %dma_start3A_140 = arith.constant 0 : i32
      %dma_start3A_141 = tpu.memref_slice %arg5[%squeeze3A_126, %dma_start3A_140] : memref<1000000x64xf32, #tpu.memory_space<hbm>> -> memref<1x64xf32, #tpu.memory_space<hbm>>
      %dma_start3A_142 = tpu.memref_squeeze %dma_start3A_141 : memref<1x64xf32, #tpu.memory_space<hbm>> -> memref<64xf32, #tpu.memory_space<hbm>>
      tpu.enqueue_dma source(%dma_start3A_142 : memref<64xf32, #tpu.memory_space<hbm>>) target(%dma_start3A_139 : memref<64xf32, #tpu.memory_space<vmem>>) target_semaphore(%arg18 : memref<!tpu.dma_semaphore, #tpu.memory_space<semaphore_mem>>)
      %slice3A_143 = vector.extract_strided_slice %get3A_91 {offsets = [3], sizes = [1], strides = [1]} : vector<16xi32> to vector<1xi32>
      %squeeze3A_144 = vector.extract %slice3A_143[0] : i32 from vector<1xi32>
      %mul3A_145 = arith.constant 16 : i32
      %mul3A_146 = arith.muli %scan3A_85, %mul3A_145 : i32
      %add3A_147 = arith.constant 3 : i32
      %add3A_148 = arith.addi %mul3A_146, %add3A_147 : i32
      %dma_start3A_149 = arith.constant 0 : i32
      %dma_start3A_150 = tpu.memref_slice %arg15[%add3A_148, %dma_start3A_149] : memref<256x64xf32, #tpu.memory_space<vmem>> -> memref<1x64xf32, #tpu.memory_space<vmem>>
      %dma_start3A_151 = tpu.memref_squeeze %dma_start3A_150 : memref<1x64xf32, #tpu.memory_space<vmem>> -> memref<64xf32, #tpu.memory_space<vmem>>
      %dma_start3A_152 = arith.constant 0 : i32
      %dma_start3A_153 = tpu.memref_slice %arg5[%squeeze3A_144, %dma_start3A_152] : memref<1000000x64xf32, #tpu.memory_space<hbm>> -> memref<1x64xf32, #tpu.memory_space<hbm>>
      %dma_start3A_154 = tpu.memref_squeeze %dma_start3A_153 : memref<1x64xf32, #tpu.memory_space<hbm>> -> memref<64xf32, #tpu.memory_space<hbm>>
      %dma_start3A_155 = arith.constant 0 : i32
      %dma_start3A_156 = tpu.memref_slice %arg15[%add3A_148, %dma_start3A_155] : memref<256x64xf32, #tpu.memory_space<vmem>> -> memref<1x64xf32, #tpu.memory_space<vmem>>
      %dma_start3A_157 = tpu.memref_squeeze %dma_start3A_156 : memref<1x64xf32, #tpu.memory_space<vmem>> -> memref<64xf32, #tpu.memory_space<vmem>>
      %dma_start3A_158 = arith.constant 0 : i32
      %dma_start3A_159 = tpu.memref_slice %arg5[%squeeze3A_144, %dma_start3A_158] : memref<1000000x64xf32, #tpu.memory_space<hbm>> -> memref<1x64xf32, #tpu.memory_space<hbm>>
      %dma_start3A_160 = tpu.memref_squeeze %dma_start3A_159 : memref<1x64xf32, #tpu.memory_space<hbm>> -> memref<64xf32, #tpu.memory_space<hbm>>
      tpu.enqueue_dma source(%dma_start3A_160 : memref<64xf32, #tpu.memory_space<hbm>>) target(%dma_start3A_157 : memref<64xf32, #tpu.memory_space<vmem>>) target_semaphore(%arg18 : memref<!tpu.dma_semaphore, #tpu.memory_space<semaphore_mem>>)
      %slice3A_161 = vector.extract_strided_slice %get3A_91 {offsets = [4], sizes = [1], strides = [1]} : vector<16xi32> to vector<1xi32>
      %squeeze3A_162 = vector.extract %slice3A_161[0] : i32 from vector<1xi32>
      %mul3A_163 = arith.constant 16 : i32
      %mul3A_164 = arith.muli %scan3A_85, %mul3A_163 : i32
      %add3A_165 = arith.constant 4 : i32
      %add3A_166 = arith.addi %mul3A_164, %add3A_165 : i32
      %dma_start3A_167 = arith.constant 0 : i32
      %dma_start3A_168 = tpu.memref_slice %arg15[%add3A_166, %dma_start3A_167] : memref<256x64xf32, #tpu.memory_space<vmem>> -> memref<1x64xf32, #tpu.memory_space<vmem>>
      %dma_start3A_169 = tpu.memref_squeeze %dma_start3A_168 : memref<1x64xf32, #tpu.memory_space<vmem>> -> memref<64xf32, #tpu.memory_space<vmem>>
      %dma_start3A_170 = arith.constant 0 : i32
      %dma_start3A_171 = tpu.memref_slice %arg5[%squeeze3A_162, %dma_start3A_170] : memref<1000000x64xf32, #tpu.memory_space<hbm>> -> memref<1x64xf32, #tpu.memory_space<hbm>>
      %dma_start3A_172 = tpu.memref_squeeze %dma_start3A_171 : memref<1x64xf32, #tpu.memory_space<hbm>> -> memref<64xf32, #tpu.memory_space<hbm>>
      %dma_start3A_173 = arith.constant 0 : i32
      %dma_start3A_174 = tpu.memref_slice %arg15[%add3A_166, %dma_start3A_173] : memref<256x64xf32, #tpu.memory_space<vmem>> -> memref<1x64xf32, #tpu.memory_space<vmem>>
      %dma_start3A_175 = tpu.memref_squeeze %dma_start3A_174 : memref<1x64xf32, #tpu.memory_space<vmem>> -> memref<64xf32, #tpu.memory_space<vmem>>
      %dma_start3A_176 = arith.constant 0 : i32
      %dma_start3A_177 = tpu.memref_slice %arg5[%squeeze3A_162, %dma_start3A_176] : memref<1000000x64xf32, #tpu.memory_space<hbm>> -> memref<1x64xf32, #tpu.memory_space<hbm>>
      %dma_start3A_178 = tpu.memref_squeeze %dma_start3A_177 : memref<1x64xf32, #tpu.memory_space<hbm>> -> memref<64xf32, #tpu.memory_space<hbm>>
      tpu.enqueue_dma source(%dma_start3A_178 : memref<64xf32, #tpu.memory_space<hbm>>) target(%dma_start3A_175 : memref<64xf32, #tpu.memory_space<vmem>>) target_semaphore(%arg18 : memref<!tpu.dma_semaphore, #tpu.memory_space<semaphore_mem>>)
      %slice3A_179 = vector.extract_strided_slice %get3A_91 {offsets = [5], sizes = [1], strides = [1]} : vector<16xi32> to vector<1xi32>
      %squeeze3A_180 = vector.extract %slice3A_179[0] : i32 from vector<1xi32>
      %mul3A_181 = arith.constant 16 : i32
      %mul3A_182 = arith.muli %scan3A_85, %mul3A_181 : i32
      %add3A_183 = arith.constant 5 : i32
      %add3A_184 = arith.addi %mul3A_182, %add3A_183 : i32
      %dma_start3A_185 = arith.constant 0 : i32
      %dma_start3A_186 = tpu.memref_slice %arg15[%add3A_184, %dma_start3A_185] : memref<256x64xf32, #tpu.memory_space<vmem>> -> memref<1x64xf32, #tpu.memory_space<vmem>>
      %dma_start3A_187 = tpu.memref_squeeze %dma_start3A_186 : memref<1x64xf32, #tpu.memory_space<vmem>> -> memref<64xf32, #tpu.memory_space<vmem>>
      %dma_start3A_188 = arith.constant 0 : i32
      %dma_start3A_189 = tpu.memref_slice %arg5[%squeeze3A_180, %dma_start3A_188] : memref<1000000x64xf32, #tpu.memory_space<hbm>> -> memref<1x64xf32, #tpu.memory_space<hbm>>
      %dma_start3A_190 = tpu.memref_squeeze %dma_start3A_189 : memref<1x64xf32, #tpu.memory_space<hbm>> -> memref<64xf32, #tpu.memory_space<hbm>>
      %dma_start3A_191 = arith.constant 0 : i32
      %dma_start3A_192 = tpu.memref_slice %arg15[%add3A_184, %dma_start3A_191] : memref<256x64xf32, #tpu.memory_space<vmem>> -> memref<1x64xf32, #tpu.memory_space<vmem>>
      %dma_start3A_193 = tpu.memref_squeeze %dma_start3A_192 : memref<1x64xf32, #tpu.memory_space<vmem>> -> memref<64xf32, #tpu.memory_space<vmem>>
      %dma_start3A_194 = arith.constant 0 : i32
      %dma_start3A_195 = tpu.memref_slice %arg5[%squeeze3A_180, %dma_start3A_194] : memref<1000000x64xf32, #tpu.memory_space<hbm>> -> memref<1x64xf32, #tpu.memory_space<hbm>>
      %dma_start3A_196 = tpu.memref_squeeze %dma_start3A_195 : memref<1x64xf32, #tpu.memory_space<hbm>> -> memref<64xf32, #tpu.memory_space<hbm>>
      tpu.enqueue_dma source(%dma_start3A_196 : memref<64xf32, #tpu.memory_space<hbm>>) target(%dma_start3A_193 : memref<64xf32, #tpu.memory_space<vmem>>) target_semaphore(%arg18 : memref<!tpu.dma_semaphore, #tpu.memory_space<semaphore_mem>>)
      %slice3A_197 = vector.extract_strided_slice %get3A_91 {offsets = [6], sizes = [1], strides = [1]} : vector<16xi32> to vector<1xi32>
      %squeeze3A_198 = vector.extract %slice3A_197[0] : i32 from vector<1xi32>
      %mul3A_199 = arith.constant 16 : i32
      %mul3A_200 = arith.muli %scan3A_85, %mul3A_199 : i32
      %add3A_201 = arith.constant 6 : i32
      %add3A_202 = arith.addi %mul3A_200, %add3A_201 : i32
      %dma_start3A_203 = arith.constant 0 : i32
      %dma_start3A_204 = tpu.memref_slice %arg15[%add3A_202, %dma_start3A_203] : memref<256x64xf32, #tpu.memory_space<vmem>> -> memref<1x64xf32, #tpu.memory_space<vmem>>
      %dma_start3A_205 = tpu.memref_squeeze %dma_start3A_204 : memref<1x64xf32, #tpu.memory_space<vmem>> -> memref<64xf32, #tpu.memory_space<vmem>>
      %dma_start3A_206 = arith.constant 0 : i32
      %dma_start3A_207 = tpu.memref_slice %arg5[%squeeze3A_198, %dma_start3A_206] : memref<1000000x64xf32, #tpu.memory_space<hbm>> -> memref<1x64xf32, #tpu.memory_space<hbm>>
      %dma_start3A_208 = tpu.memref_squeeze %dma_start3A_207 : memref<1x64xf32, #tpu.memory_space<hbm>> -> memref<64xf32, #tpu.memory_space<hbm>>
      %dma_start3A_209 = arith.constant 0 : i32
      %dma_start3A_210 = tpu.memref_slice %arg15[%add3A_202, %dma_start3A_209] : memref<256x64xf32, #tpu.memory_space<vmem>> -> memref<1x64xf32, #tpu.memory_space<vmem>>
      %dma_start3A_211 = tpu.memref_squeeze %dma_start3A_210 : memref<1x64xf32, #tpu.memory_space<vmem>> -> memref<64xf32, #tpu.memory_space<vmem>>
      %dma_start3A_212 = arith.constant 0 : i32
      %dma_start3A_213 = tpu.memref_slice %arg5[%squeeze3A_198, %dma_start3A_212] : memref<1000000x64xf32, #tpu.memory_space<hbm>> -> memref<1x64xf32, #tpu.memory_space<hbm>>
      %dma_start3A_214 = tpu.memref_squeeze %dma_start3A_213 : memref<1x64xf32, #tpu.memory_space<hbm>> -> memref<64xf32, #tpu.memory_space<hbm>>
      tpu.enqueue_dma source(%dma_start3A_214 : memref<64xf32, #tpu.memory_space<hbm>>) target(%dma_start3A_211 : memref<64xf32, #tpu.memory_space<vmem>>) target_semaphore(%arg18 : memref<!tpu.dma_semaphore, #tpu.memory_space<semaphore_mem>>)
      %slice3A_215 = vector.extract_strided_slice %get3A_91 {offsets = [7], sizes = [1], strides = [1]} : vector<16xi32> to vector<1xi32>
      %squeeze3A_216 = vector.extract %slice3A_215[0] : i32 from vector<1xi32>
      %mul3A_217 = arith.constant 16 : i32
      %mul3A_218 = arith.muli %scan3A_85, %mul3A_217 : i32
      %add3A_219 = arith.constant 7 : i32
      %add3A_220 = arith.addi %mul3A_218, %add3A_219 : i32
      %dma_start3A_221 = arith.constant 0 : i32
      %dma_start3A_222 = tpu.memref_slice %arg15[%add3A_220, %dma_start3A_221] : memref<256x64xf32, #tpu.memory_space<vmem>> -> memref<1x64xf32, #tpu.memory_space<vmem>>
      %dma_start3A_223 = tpu.memref_squeeze %dma_start3A_222 : memref<1x64xf32, #tpu.memory_space<vmem>> -> memref<64xf32, #tpu.memory_space<vmem>>
      %dma_start3A_224 = arith.constant 0 : i32
      %dma_start3A_225 = tpu.memref_slice %arg5[%squeeze3A_216, %dma_start3A_224] : memref<1000000x64xf32, #tpu.memory_space<hbm>> -> memref<1x64xf32, #tpu.memory_space<hbm>>
      %dma_start3A_226 = tpu.memref_squeeze %dma_start3A_225 : memref<1x64xf32, #tpu.memory_space<hbm>> -> memref<64xf32, #tpu.memory_space<hbm>>
      %dma_start3A_227 = arith.constant 0 : i32
      %dma_start3A_228 = tpu.memref_slice %arg15[%add3A_220, %dma_start3A_227] : memref<256x64xf32, #tpu.memory_space<vmem>> -> memref<1x64xf32, #tpu.memory_space<vmem>>
      %dma_start3A_229 = tpu.memref_squeeze %dma_start3A_228 : memref<1x64xf32, #tpu.memory_space<vmem>> -> memref<64xf32, #tpu.memory_space<vmem>>
      %dma_start3A_230 = arith.constant 0 : i32
      %dma_start3A_231 = tpu.memref_slice %arg5[%squeeze3A_216, %dma_start3A_230] : memref<1000000x64xf32, #tpu.memory_space<hbm>> -> memref<1x64xf32, #tpu.memory_space<hbm>>
      %dma_start3A_232 = tpu.memref_squeeze %dma_start3A_231 : memref<1x64xf32, #tpu.memory_space<hbm>> -> memref<64xf32, #tpu.memory_space<hbm>>
      tpu.enqueue_dma source(%dma_start3A_232 : memref<64xf32, #tpu.memory_space<hbm>>) target(%dma_start3A_229 : memref<64xf32, #tpu.memory_space<vmem>>) target_semaphore(%arg18 : memref<!tpu.dma_semaphore, #tpu.memory_space<semaphore_mem>>)
      %slice3A_233 = vector.extract_strided_slice %get3A_91 {offsets = [8], sizes = [1], strides = [1]} : vector<16xi32> to vector<1xi32>
      %squeeze3A_234 = vector.extract %slice3A_233[0] : i32 from vector<1xi32>
      %mul3A_235 = arith.constant 16 : i32
      %mul3A_236 = arith.muli %scan3A_85, %mul3A_235 : i32
      %add3A_237 = arith.constant 8 : i32
      %add3A_238 = arith.addi %mul3A_236, %add3A_237 : i32
      %dma_start3A_239 = arith.constant 0 : i32
      %dma_start3A_240 = tpu.memref_slice %arg15[%add3A_238, %dma_start3A_239] : memref<256x64xf32, #tpu.memory_space<vmem>> -> memref<1x64xf32, #tpu.memory_space<vmem>>
      %dma_start3A_241 = tpu.memref_squeeze %dma_start3A_240 : memref<1x64xf32, #tpu.memory_space<vmem>> -> memref<64xf32, #tpu.memory_space<vmem>>
      %dma_start3A_242 = arith.constant 0 : i32
      %dma_start3A_243 = tpu.memref_slice %arg5[%squeeze3A_234, %dma_start3A_242] : memref<1000000x64xf32, #tpu.memory_space<hbm>> -> memref<1x64xf32, #tpu.memory_space<hbm>>
      %dma_start3A_244 = tpu.memref_squeeze %dma_start3A_243 : memref<1x64xf32, #tpu.memory_space<hbm>> -> memref<64xf32, #tpu.memory_space<hbm>>
      %dma_start3A_245 = arith.constant 0 : i32
      %dma_start3A_246 = tpu.memref_slice %arg15[%add3A_238, %dma_start3A_245] : memref<256x64xf32, #tpu.memory_space<vmem>> -> memref<1x64xf32, #tpu.memory_space<vmem>>
      %dma_start3A_247 = tpu.memref_squeeze %dma_start3A_246 : memref<1x64xf32, #tpu.memory_space<vmem>> -> memref<64xf32, #tpu.memory_space<vmem>>
      %dma_start3A_248 = arith.constant 0 : i32
      %dma_start3A_249 = tpu.memref_slice %arg5[%squeeze3A_234, %dma_start3A_248] : memref<1000000x64xf32, #tpu.memory_space<hbm>> -> memref<1x64xf32, #tpu.memory_space<hbm>>
      %dma_start3A_250 = tpu.memref_squeeze %dma_start3A_249 : memref<1x64xf32, #tpu.memory_space<hbm>> -> memref<64xf32, #tpu.memory_space<hbm>>
      tpu.enqueue_dma source(%dma_start3A_250 : memref<64xf32, #tpu.memory_space<hbm>>) target(%dma_start3A_247 : memref<64xf32, #tpu.memory_space<vmem>>) target_semaphore(%arg18 : memref<!tpu.dma_semaphore, #tpu.memory_space<semaphore_mem>>)
      %slice3A_251 = vector.extract_strided_slice %get3A_91 {offsets = [9], sizes = [1], strides = [1]} : vector<16xi32> to vector<1xi32>
      %squeeze3A_252 = vector.extract %slice3A_251[0] : i32 from vector<1xi32>
      %mul3A_253 = arith.constant 16 : i32
      %mul3A_254 = arith.muli %scan3A_85, %mul3A_253 : i32
      %add3A_255 = arith.constant 9 : i32
      %add3A_256 = arith.addi %mul3A_254, %add3A_255 : i32
      %dma_start3A_257 = arith.constant 0 : i32
      %dma_start3A_258 = tpu.memref_slice %arg15[%add3A_256, %dma_start3A_257] : memref<256x64xf32, #tpu.memory_space<vmem>> -> memref<1x64xf32, #tpu.memory_space<vmem>>
      %dma_start3A_259 = tpu.memref_squeeze %dma_start3A_258 : memref<1x64xf32, #tpu.memory_space<vmem>> -> memref<64xf32, #tpu.memory_space<vmem>>
      %dma_start3A_260 = arith.constant 0 : i32
      %dma_start3A_261 = tpu.memref_slice %arg5[%squeeze3A_252, %dma_start3A_260] : memref<1000000x64xf32, #tpu.memory_space<hbm>> -> memref<1x64xf32, #tpu.memory_space<hbm>>
      %dma_start3A_262 = tpu.memref_squeeze %dma_start3A_261 : memref<1x64xf32, #tpu.memory_space<hbm>> -> memref<64xf32, #tpu.memory_space<hbm>>
      %dma_start3A_263 = arith.constant 0 : i32
      %dma_start3A_264 = tpu.memref_slice %arg15[%add3A_256, %dma_start3A_263] : memref<256x64xf32, #tpu.memory_space<vmem>> -> memref<1x64xf32, #tpu.memory_space<vmem>>
      %dma_start3A_265 = tpu.memref_squeeze %dma_start3A_264 : memref<1x64xf32, #tpu.memory_space<vmem>> -> memref<64xf32, #tpu.memory_space<vmem>>
      %dma_start3A_266 = arith.constant 0 : i32
      %dma_start3A_267 = tpu.memref_slice %arg5[%squeeze3A_252, %dma_start3A_266] : memref<1000000x64xf32, #tpu.memory_space<hbm>> -> memref<1x64xf32, #tpu.memory_space<hbm>>
      %dma_start3A_268 = tpu.memref_squeeze %dma_start3A_267 : memref<1x64xf32, #tpu.memory_space<hbm>> -> memref<64xf32, #tpu.memory_space<hbm>>
      tpu.enqueue_dma source(%dma_start3A_268 : memref<64xf32, #tpu.memory_space<hbm>>) target(%dma_start3A_265 : memref<64xf32, #tpu.memory_space<vmem>>) target_semaphore(%arg18 : memref<!tpu.dma_semaphore, #tpu.memory_space<semaphore_mem>>)
      %slice3A_269 = vector.extract_strided_slice %get3A_91 {offsets = [10], sizes = [1], strides = [1]} : vector<16xi32> to vector<1xi32>
      %squeeze3A_270 = vector.extract %slice3A_269[0] : i32 from vector<1xi32>
      %mul3A_271 = arith.constant 16 : i32
      %mul3A_272 = arith.muli %scan3A_85, %mul3A_271 : i32
      %add3A_273 = arith.constant 10 : i32
      %add3A_274 = arith.addi %mul3A_272, %add3A_273 : i32
      %dma_start3A_275 = arith.constant 0 : i32
      %dma_start3A_276 = tpu.memref_slice %arg15[%add3A_274, %dma_start3A_275] : memref<256x64xf32, #tpu.memory_space<vmem>> -> memref<1x64xf32, #tpu.memory_space<vmem>>
      %dma_start3A_277 = tpu.memref_squeeze %dma_start3A_276 : memref<1x64xf32, #tpu.memory_space<vmem>> -> memref<64xf32, #tpu.memory_space<vmem>>
      %dma_start3A_278 = arith.constant 0 : i32
      %dma_start3A_279 = tpu.memref_slice %arg5[%squeeze3A_270, %dma_start3A_278] : memref<1000000x64xf32, #tpu.memory_space<hbm>> -> memref<1x64xf32, #tpu.memory_space<hbm>>
      %dma_start3A_280 = tpu.memref_squeeze %dma_start3A_279 : memref<1x64xf32, #tpu.memory_space<hbm>> -> memref<64xf32, #tpu.memory_space<hbm>>
      %dma_start3A_281 = arith.constant 0 : i32
      %dma_start3A_282 = tpu.memref_slice %arg15[%add3A_274, %dma_start3A_281] : memref<256x64xf32, #tpu.memory_space<vmem>> -> memref<1x64xf32, #tpu.memory_space<vmem>>
      %dma_start3A_283 = tpu.memref_squeeze %dma_start3A_282 : memref<1x64xf32, #tpu.memory_space<vmem>> -> memref<64xf32, #tpu.memory_space<vmem>>
      %dma_start3A_284 = arith.constant 0 : i32
      %dma_start3A_285 = tpu.memref_slice %arg5[%squeeze3A_270, %dma_start3A_284] : memref<1000000x64xf32, #tpu.memory_space<hbm>> -> memref<1x64xf32, #tpu.memory_space<hbm>>
      %dma_start3A_286 = tpu.memref_squeeze %dma_start3A_285 : memref<1x64xf32, #tpu.memory_space<hbm>> -> memref<64xf32, #tpu.memory_space<hbm>>
      tpu.enqueue_dma source(%dma_start3A_286 : memref<64xf32, #tpu.memory_space<hbm>>) target(%dma_start3A_283 : memref<64xf32, #tpu.memory_space<vmem>>) target_semaphore(%arg18 : memref<!tpu.dma_semaphore, #tpu.memory_space<semaphore_mem>>)
      %slice3A_287 = vector.extract_strided_slice %get3A_91 {offsets = [11], sizes = [1], strides = [1]} : vector<16xi32> to vector<1xi32>
      %squeeze3A_288 = vector.extract %slice3A_287[0] : i32 from vector<1xi32>
      %mul3A_289 = arith.constant 16 : i32
      %mul3A_290 = arith.muli %scan3A_85, %mul3A_289 : i32
      %add3A_291 = arith.constant 11 : i32
      %add3A_292 = arith.addi %mul3A_290, %add3A_291 : i32
      %dma_start3A_293 = arith.constant 0 : i32
      %dma_start3A_294 = tpu.memref_slice %arg15[%add3A_292, %dma_start3A_293] : memref<256x64xf32, #tpu.memory_space<vmem>> -> memref<1x64xf32, #tpu.memory_space<vmem>>
      %dma_start3A_295 = tpu.memref_squeeze %dma_start3A_294 : memref<1x64xf32, #tpu.memory_space<vmem>> -> memref<64xf32, #tpu.memory_space<vmem>>
      %dma_start3A_296 = arith.constant 0 : i32
      %dma_start3A_297 = tpu.memref_slice %arg5[%squeeze3A_288, %dma_start3A_296] : memref<1000000x64xf32, #tpu.memory_space<hbm>> -> memref<1x64xf32, #tpu.memory_space<hbm>>
      %dma_start3A_298 = tpu.memref_squeeze %dma_start3A_297 : memref<1x64xf32, #tpu.memory_space<hbm>> -> memref<64xf32, #tpu.memory_space<hbm>>
      %dma_start3A_299 = arith.constant 0 : i32
      %dma_start3A_300 = tpu.memref_slice %arg15[%add3A_292, %dma_start3A_299] : memref<256x64xf32, #tpu.memory_space<vmem>> -> memref<1x64xf32, #tpu.memory_space<vmem>>
      %dma_start3A_301 = tpu.memref_squeeze %dma_start3A_300 : memref<1x64xf32, #tpu.memory_space<vmem>> -> memref<64xf32, #tpu.memory_space<vmem>>
      %dma_start3A_302 = arith.constant 0 : i32
      %dma_start3A_303 = tpu.memref_slice %arg5[%squeeze3A_288, %dma_start3A_302] : memref<1000000x64xf32, #tpu.memory_space<hbm>> -> memref<1x64xf32, #tpu.memory_space<hbm>>
      %dma_start3A_304 = tpu.memref_squeeze %dma_start3A_303 : memref<1x64xf32, #tpu.memory_space<hbm>> -> memref<64xf32, #tpu.memory_space<hbm>>
      tpu.enqueue_dma source(%dma_start3A_304 : memref<64xf32, #tpu.memory_space<hbm>>) target(%dma_start3A_301 : memref<64xf32, #tpu.memory_space<vmem>>) target_semaphore(%arg18 : memref<!tpu.dma_semaphore, #tpu.memory_space<semaphore_mem>>)
      %slice3A_305 = vector.extract_strided_slice %get3A_91 {offsets = [12], sizes = [1], strides = [1]} : vector<16xi32> to vector<1xi32>
      %squeeze3A_306 = vector.extract %slice3A_305[0] : i32 from vector<1xi32>
      %mul3A_307 = arith.constant 16 : i32
      %mul3A_308 = arith.muli %scan3A_85, %mul3A_307 : i32
      %add3A_309 = arith.constant 12 : i32
      %add3A_310 = arith.addi %mul3A_308, %add3A_309 : i32
      %dma_start3A_311 = arith.constant 0 : i32
      %dma_start3A_312 = tpu.memref_slice %arg15[%add3A_310, %dma_start3A_311] : memref<256x64xf32, #tpu.memory_space<vmem>> -> memref<1x64xf32, #tpu.memory_space<vmem>>
      %dma_start3A_313 = tpu.memref_squeeze %dma_start3A_312 : memref<1x64xf32, #tpu.memory_space<vmem>> -> memref<64xf32, #tpu.memory_space<vmem>>
      %dma_start3A_314 = arith.constant 0 : i32
      %dma_start3A_315 = tpu.memref_slice %arg5[%squeeze3A_306, %dma_start3A_314] : memref<1000000x64xf32, #tpu.memory_space<hbm>> -> memref<1x64xf32, #tpu.memory_space<hbm>>
      %dma_start3A_316 = tpu.memref_squeeze %dma_start3A_315 : memref<1x64xf32, #tpu.memory_space<hbm>> -> memref<64xf32, #tpu.memory_space<hbm>>
      %dma_start3A_317 = arith.constant 0 : i32
      %dma_start3A_318 = tpu.memref_slice %arg15[%add3A_310, %dma_start3A_317] : memref<256x64xf32, #tpu.memory_space<vmem>> -> memref<1x64xf32, #tpu.memory_space<vmem>>
      %dma_start3A_319 = tpu.memref_squeeze %dma_start3A_318 : memref<1x64xf32, #tpu.memory_space<vmem>> -> memref<64xf32, #tpu.memory_space<vmem>>
      %dma_start3A_320 = arith.constant 0 : i32
      %dma_start3A_321 = tpu.memref_slice %arg5[%squeeze3A_306, %dma_start3A_320] : memref<1000000x64xf32, #tpu.memory_space<hbm>> -> memref<1x64xf32, #tpu.memory_space<hbm>>
      %dma_start3A_322 = tpu.memref_squeeze %dma_start3A_321 : memref<1x64xf32, #tpu.memory_space<hbm>> -> memref<64xf32, #tpu.memory_space<hbm>>
      tpu.enqueue_dma source(%dma_start3A_322 : memref<64xf32, #tpu.memory_space<hbm>>) target(%dma_start3A_319 : memref<64xf32, #tpu.memory_space<vmem>>) target_semaphore(%arg18 : memref<!tpu.dma_semaphore, #tpu.memory_space<semaphore_mem>>)
      %slice3A_323 = vector.extract_strided_slice %get3A_91 {offsets = [13], sizes = [1], strides = [1]} : vector<16xi32> to vector<1xi32>
      %squeeze3A_324 = vector.extract %slice3A_323[0] : i32 from vector<1xi32>
      %mul3A_325 = arith.constant 16 : i32
      %mul3A_326 = arith.muli %scan3A_85, %mul3A_325 : i32
      %add3A_327 = arith.constant 13 : i32
      %add3A_328 = arith.addi %mul3A_326, %add3A_327 : i32
      %dma_start3A_329 = arith.constant 0 : i32
      %dma_start3A_330 = tpu.memref_slice %arg15[%add3A_328, %dma_start3A_329] : memref<256x64xf32, #tpu.memory_space<vmem>> -> memref<1x64xf32, #tpu.memory_space<vmem>>
      %dma_start3A_331 = tpu.memref_squeeze %dma_start3A_330 : memref<1x64xf32, #tpu.memory_space<vmem>> -> memref<64xf32, #tpu.memory_space<vmem>>
      %dma_start3A_332 = arith.constant 0 : i32
      %dma_start3A_333 = tpu.memref_slice %arg5[%squeeze3A_324, %dma_start3A_332] : memref<1000000x64xf32, #tpu.memory_space<hbm>> -> memref<1x64xf32, #tpu.memory_space<hbm>>
      %dma_start3A_334 = tpu.memref_squeeze %dma_start3A_333 : memref<1x64xf32, #tpu.memory_space<hbm>> -> memref<64xf32, #tpu.memory_space<hbm>>
      %dma_start3A_335 = arith.constant 0 : i32
      %dma_start3A_336 = tpu.memref_slice %arg15[%add3A_328, %dma_start3A_335] : memref<256x64xf32, #tpu.memory_space<vmem>> -> memref<1x64xf32, #tpu.memory_space<vmem>>
      %dma_start3A_337 = tpu.memref_squeeze %dma_start3A_336 : memref<1x64xf32, #tpu.memory_space<vmem>> -> memref<64xf32, #tpu.memory_space<vmem>>
      %dma_start3A_338 = arith.constant 0 : i32
      %dma_start3A_339 = tpu.memref_slice %arg5[%squeeze3A_324, %dma_start3A_338] : memref<1000000x64xf32, #tpu.memory_space<hbm>> -> memref<1x64xf32, #tpu.memory_space<hbm>>
      %dma_start3A_340 = tpu.memref_squeeze %dma_start3A_339 : memref<1x64xf32, #tpu.memory_space<hbm>> -> memref<64xf32, #tpu.memory_space<hbm>>
      tpu.enqueue_dma source(%dma_start3A_340 : memref<64xf32, #tpu.memory_space<hbm>>) target(%dma_start3A_337 : memref<64xf32, #tpu.memory_space<vmem>>) target_semaphore(%arg18 : memref<!tpu.dma_semaphore, #tpu.memory_space<semaphore_mem>>)
      %slice3A_341 = vector.extract_strided_slice %get3A_91 {offsets = [14], sizes = [1], strides = [1]} : vector<16xi32> to vector<1xi32>
      %squeeze3A_342 = vector.extract %slice3A_341[0] : i32 from vector<1xi32>
      %mul3A_343 = arith.constant 16 : i32
      %mul3A_344 = arith.muli %scan3A_85, %mul3A_343 : i32
      %add3A_345 = arith.constant 14 : i32
      %add3A_346 = arith.addi %mul3A_344, %add3A_345 : i32
      %dma_start3A_347 = arith.constant 0 : i32
      %dma_start3A_348 = tpu.memref_slice %arg15[%add3A_346, %dma_start3A_347] : memref<256x64xf32, #tpu.memory_space<vmem>> -> memref<1x64xf32, #tpu.memory_space<vmem>>
      %dma_start3A_349 = tpu.memref_squeeze %dma_start3A_348 : memref<1x64xf32, #tpu.memory_space<vmem>> -> memref<64xf32, #tpu.memory_space<vmem>>
      %dma_start3A_350 = arith.constant 0 : i32
      %dma_start3A_351 = tpu.memref_slice %arg5[%squeeze3A_342, %dma_start3A_350] : memref<1000000x64xf32, #tpu.memory_space<hbm>> -> memref<1x64xf32, #tpu.memory_space<hbm>>
      %dma_start3A_352 = tpu.memref_squeeze %dma_start3A_351 : memref<1x64xf32, #tpu.memory_space<hbm>> -> memref<64xf32, #tpu.memory_space<hbm>>
      %dma_start3A_353 = arith.constant 0 : i32
      %dma_start3A_354 = tpu.memref_slice %arg15[%add3A_346, %dma_start3A_353] : memref<256x64xf32, #tpu.memory_space<vmem>> -> memref<1x64xf32, #tpu.memory_space<vmem>>
      %dma_start3A_355 = tpu.memref_squeeze %dma_start3A_354 : memref<1x64xf32, #tpu.memory_space<vmem>> -> memref<64xf32, #tpu.memory_space<vmem>>
      %dma_start3A_356 = arith.constant 0 : i32
      %dma_start3A_357 = tpu.memref_slice %arg5[%squeeze3A_342, %dma_start3A_356] : memref<1000000x64xf32, #tpu.memory_space<hbm>> -> memref<1x64xf32, #tpu.memory_space<hbm>>
      %dma_start3A_358 = tpu.memref_squeeze %dma_start3A_357 : memref<1x64xf32, #tpu.memory_space<hbm>> -> memref<64xf32, #tpu.memory_space<hbm>>
      tpu.enqueue_dma source(%dma_start3A_358 : memref<64xf32, #tpu.memory_space<hbm>>) target(%dma_start3A_355 : memref<64xf32, #tpu.memory_space<vmem>>) target_semaphore(%arg18 : memref<!tpu.dma_semaphore, #tpu.memory_space<semaphore_mem>>)
      %slice3A_359 = vector.extract_strided_slice %get3A_91 {offsets = [15], sizes = [1], strides = [1]} : vector<16xi32> to vector<1xi32>
      %squeeze3A_360 = vector.extract %slice3A_359[0] : i32 from vector<1xi32>
      %mul3A_361 = arith.constant 16 : i32
      %mul3A_362 = arith.muli %scan3A_85, %mul3A_361 : i32
      %add3A_363 = arith.constant 15 : i32
      %add3A_364 = arith.addi %mul3A_362, %add3A_363 : i32
      %dma_start3A_365 = arith.constant 0 : i32
      %dma_start3A_366 = tpu.memref_slice %arg15[%add3A_364, %dma_start3A_365] : memref<256x64xf32, #tpu.memory_space<vmem>> -> memref<1x64xf32, #tpu.memory_space<vmem>>
      %dma_start3A_367 = tpu.memref_squeeze %dma_start3A_366 : memref<1x64xf32, #tpu.memory_space<vmem>> -> memref<64xf32, #tpu.memory_space<vmem>>
      %dma_start3A_368 = arith.constant 0 : i32
      %dma_start3A_369 = tpu.memref_slice %arg5[%squeeze3A_360, %dma_start3A_368] : memref<1000000x64xf32, #tpu.memory_space<hbm>> -> memref<1x64xf32, #tpu.memory_space<hbm>>
      %dma_start3A_370 = tpu.memref_squeeze %dma_start3A_369 : memref<1x64xf32, #tpu.memory_space<hbm>> -> memref<64xf32, #tpu.memory_space<hbm>>
      %dma_start3A_371 = arith.constant 0 : i32
      %dma_start3A_372 = tpu.memref_slice %arg15[%add3A_364, %dma_start3A_371] : memref<256x64xf32, #tpu.memory_space<vmem>> -> memref<1x64xf32, #tpu.memory_space<vmem>>
      %dma_start3A_373 = tpu.memref_squeeze %dma_start3A_372 : memref<1x64xf32, #tpu.memory_space<vmem>> -> memref<64xf32, #tpu.memory_space<vmem>>
      %dma_start3A_374 = arith.constant 0 : i32
      %dma_start3A_375 = tpu.memref_slice %arg5[%squeeze3A_360, %dma_start3A_374] : memref<1000000x64xf32, #tpu.memory_space<hbm>> -> memref<1x64xf32, #tpu.memory_space<hbm>>
      %dma_start3A_376 = tpu.memref_squeeze %dma_start3A_375 : memref<1x64xf32, #tpu.memory_space<hbm>> -> memref<64xf32, #tpu.memory_space<hbm>>
      tpu.enqueue_dma source(%dma_start3A_376 : memref<64xf32, #tpu.memory_space<hbm>>) target(%dma_start3A_373 : memref<64xf32, #tpu.memory_space<vmem>>) target_semaphore(%arg18 : memref<!tpu.dma_semaphore, #tpu.memory_space<semaphore_mem>>)
    }
    %scan3A_60 = arith.constant 16 : i32
    %dma_wait3A_61 = arith.constant 0 : i32
    %dma_wait3A_62 = arith.constant 0 : i32
    %dma_wait3A_63 = tpu.memref_slice %arg5[%dma_wait3A_61, %dma_wait3A_62] : memref<1000000x64xf32, #tpu.memory_space<hbm>> -> memref<256x64xf32, #tpu.memory_space<hbm>>
    %dma_wait3A_64 = arith.constant 0 : i32
    %dma_wait3A_65 = arith.constant 0 : i32
    %dma_wait3A_66 = tpu.memref_slice %arg5[%dma_wait3A_64, %dma_wait3A_65] : memref<1000000x64xf32, #tpu.memory_space<hbm>> -> memref<256x64xf32, #tpu.memory_space<hbm>>
    tpu.wait_dma2 semaphore(%arg16 : memref<!tpu.dma_semaphore, #tpu.memory_space<semaphore_mem>>) src(%dma_wait3A_66 : memref<256x64xf32, #tpu.memory_space<hbm>>) dst(%arg13 : memref<256x64xf32, #tpu.memory_space<vmem>>)
    %add3A_67 = arith.constant 256 : i32
    %add3A_68 = arith.addi %mul3A_2, %add3A_67 : i32
    "tpu.region"() ({
      %run_scoped3A = tpu.sem_alloc : memref<!tpu.dma_semaphore, #tpu.memory_space<semaphore_mem>>
      %dma_start3A = arith.constant 0 : i32
      %dma_start3A_85 = tpu.memref_slice %arg7[%add3A_68, %dma_start3A] : memref<16384x64xf32, #tpu.memory_space<hbm>> -> memref<256x64xf32, #tpu.memory_space<hbm>>
      %dma_start3A_86 = arith.constant 0 : i32
      %dma_start3A_87 = tpu.memref_slice %arg7[%add3A_68, %dma_start3A_86] : memref<16384x64xf32, #tpu.memory_space<hbm>> -> memref<256x64xf32, #tpu.memory_space<hbm>>
      tpu.enqueue_dma source(%arg13 : memref<256x64xf32, #tpu.memory_space<vmem>>) target(%dma_start3A_87 : memref<256x64xf32, #tpu.memory_space<hbm>>) target_semaphore(%run_scoped3A : memref<!tpu.dma_semaphore, #tpu.memory_space<semaphore_mem>>)
      %dma_wait3A_88 = arith.constant 0 : i32
      %dma_wait3A_89 = tpu.memref_slice %arg7[%add3A_68, %dma_wait3A_88] : memref<16384x64xf32, #tpu.memory_space<hbm>> -> memref<256x64xf32, #tpu.memory_space<hbm>>
      %dma_wait3A_90 = arith.constant 0 : i32
      %dma_wait3A_91 = tpu.memref_slice %arg7[%add3A_68, %dma_wait3A_90] : memref<16384x64xf32, #tpu.memory_space<hbm>> -> memref<256x64xf32, #tpu.memory_space<hbm>>
      tpu.wait_dma2 semaphore(%run_scoped3A : memref<!tpu.dma_semaphore, #tpu.memory_space<semaphore_mem>>) src(%arg13 : memref<256x64xf32, #tpu.memory_space<vmem>>) dst(%dma_wait3A_91 : memref<256x64xf32, #tpu.memory_space<hbm>>)
      tpu.yield
    }) : () -> ()
    %dma_wait3A_69 = arith.constant 0 : i32
    %dma_wait3A_70 = arith.constant 0 : i32
    %dma_wait3A_71 = tpu.memref_slice %arg6[%dma_wait3A_69, %dma_wait3A_70] : memref<1000000x64xf32, #tpu.memory_space<hbm>> -> memref<256x64xf32, #tpu.memory_space<hbm>>
    %dma_wait3A_72 = arith.constant 0 : i32
    %dma_wait3A_73 = arith.constant 0 : i32
    %dma_wait3A_74 = tpu.memref_slice %arg6[%dma_wait3A_72, %dma_wait3A_73] : memref<1000000x64xf32, #tpu.memory_space<hbm>> -> memref<256x64xf32, #tpu.memory_space<hbm>>
    tpu.wait_dma2 semaphore(%arg17 : memref<!tpu.dma_semaphore, #tpu.memory_space<semaphore_mem>>) src(%dma_wait3A_74 : memref<256x64xf32, #tpu.memory_space<hbm>>) dst(%arg14 : memref<256x64xf32, #tpu.memory_space<vmem>>)
    %add3A_75 = arith.constant 256 : i32
    %add3A_76 = arith.addi %mul3A_2, %add3A_75 : i32
    "tpu.region"() ({
      %run_scoped3A = tpu.sem_alloc : memref<!tpu.dma_semaphore, #tpu.memory_space<semaphore_mem>>
      %dma_start3A = arith.constant 0 : i32
      %dma_start3A_85 = tpu.memref_slice %arg8[%add3A_76, %dma_start3A] : memref<16384x64xf32, #tpu.memory_space<hbm>> -> memref<256x64xf32, #tpu.memory_space<hbm>>
      %dma_start3A_86 = arith.constant 0 : i32
      %dma_start3A_87 = tpu.memref_slice %arg8[%add3A_76, %dma_start3A_86] : memref<16384x64xf32, #tpu.memory_space<hbm>> -> memref<256x64xf32, #tpu.memory_space<hbm>>
      tpu.enqueue_dma source(%arg14 : memref<256x64xf32, #tpu.memory_space<vmem>>) target(%dma_start3A_87 : memref<256x64xf32, #tpu.memory_space<hbm>>) target_semaphore(%run_scoped3A : memref<!tpu.dma_semaphore, #tpu.memory_space<semaphore_mem>>)
      %dma_wait3A_88 = arith.constant 0 : i32
      %dma_wait3A_89 = tpu.memref_slice %arg8[%add3A_76, %dma_wait3A_88] : memref<16384x64xf32, #tpu.memory_space<hbm>> -> memref<256x64xf32, #tpu.memory_space<hbm>>
      %dma_wait3A_90 = arith.constant 0 : i32
      %dma_wait3A_91 = tpu.memref_slice %arg8[%add3A_76, %dma_wait3A_90] : memref<16384x64xf32, #tpu.memory_space<hbm>> -> memref<256x64xf32, #tpu.memory_space<hbm>>
      tpu.wait_dma2 semaphore(%run_scoped3A : memref<!tpu.dma_semaphore, #tpu.memory_space<semaphore_mem>>) src(%arg14 : memref<256x64xf32, #tpu.memory_space<vmem>>) dst(%dma_wait3A_91 : memref<256x64xf32, #tpu.memory_space<hbm>>)
      tpu.yield
    }) : () -> ()
    %dma_wait3A_77 = arith.constant 0 : i32
    %dma_wait3A_78 = arith.constant 0 : i32
    %dma_wait3A_79 = tpu.memref_slice %arg5[%dma_wait3A_77, %dma_wait3A_78] : memref<1000000x64xf32, #tpu.memory_space<hbm>> -> memref<256x64xf32, #tpu.memory_space<hbm>>
    %dma_wait3A_80 = arith.constant 0 : i32
    %dma_wait3A_81 = arith.constant 0 : i32
    %dma_wait3A_82 = tpu.memref_slice %arg5[%dma_wait3A_80, %dma_wait3A_81] : memref<1000000x64xf32, #tpu.memory_space<hbm>> -> memref<256x64xf32, #tpu.memory_space<hbm>>
    tpu.wait_dma2 semaphore(%arg18 : memref<!tpu.dma_semaphore, #tpu.memory_space<semaphore_mem>>) src(%dma_wait3A_82 : memref<256x64xf32, #tpu.memory_space<hbm>>) dst(%arg15 : memref<256x64xf32, #tpu.memory_space<vmem>>)
    %add3A_83 = arith.constant 256 : i32
    %add3A_84 = arith.addi %mul3A_2, %add3A_83 : i32
    "tpu.region"() ({
      %run_scoped3A = tpu.sem_alloc : memref<!tpu.dma_semaphore, #tpu.memory_space<semaphore_mem>>
      %dma_start3A = arith.constant 0 : i32
      %dma_start3A_85 = tpu.memref_slice %arg9[%add3A_84, %dma_start3A] : memref<16384x64xf32, #tpu.memory_space<hbm>> -> memref<256x64xf32, #tpu.memory_space<hbm>>
      %dma_start3A_86 = arith.constant 0 : i32
      %dma_start3A_87 = tpu.memref_slice %arg9[%add3A_84, %dma_start3A_86] : memref<16384x64xf32, #tpu.memory_space<hbm>> -> memref<256x64xf32, #tpu.memory_space<hbm>>
      tpu.enqueue_dma source(%arg15 : memref<256x64xf32, #tpu.memory_space<vmem>>) target(%dma_start3A_87 : memref<256x64xf32, #tpu.memory_space<hbm>>) target_semaphore(%run_scoped3A : memref<!tpu.dma_semaphore, #tpu.memory_space<semaphore_mem>>)
      %dma_wait3A_88 = arith.constant 0 : i32
      %dma_wait3A_89 = tpu.memref_slice %arg9[%add3A_84, %dma_wait3A_88] : memref<16384x64xf32, #tpu.memory_space<hbm>> -> memref<256x64xf32, #tpu.memory_space<hbm>>
      %dma_wait3A_90 = arith.constant 0 : i32
      %dma_wait3A_91 = tpu.memref_slice %arg9[%add3A_84, %dma_wait3A_90] : memref<16384x64xf32, #tpu.memory_space<hbm>> -> memref<256x64xf32, #tpu.memory_space<hbm>>
      tpu.wait_dma2 semaphore(%run_scoped3A : memref<!tpu.dma_semaphore, #tpu.memory_space<semaphore_mem>>) src(%arg15 : memref<256x64xf32, #tpu.memory_space<vmem>>) dst(%dma_wait3A_91 : memref<256x64xf32, #tpu.memory_space<hbm>>)
      tpu.yield
    }) : () -> ()
    return
  }
}

</mosaic_0001>

<sc_bundles>
// kernel: kernel.3.cloned.1.call-start
scs
__scs_entry_jumppad:
0x0: {  	(pc) =	sbr.rel $0x88, $3  }
0x1: {  	(tag) =	ssettag $0x0;
	lr =	simm.s32 $0x1  }
0x2: {  	[smem:$0x3F9C] =	sst lr;
	_ =	strace $0xD0000000  }
0x3: {  	_ = 	snop  }
0x4: {  	_ = 	snop  }
0x5: {  	_ = 	snop  }
0x6: {  	_ = 	snop  }
0x7: {  	_ = 	snop  }
__scs_overlays_trampoline_lowered:
0x8: {  	[smem:$0x3FAB] =	sst s0  }
0x9: {  	[smem:$0x3FAC] =	sst s1  }
0xa: {  	[smem:$0x3FAD] =	sst s2  }
0xb: {  	[smem:$0x3FAE] =	sst s3  }
0xc: {  	[smem:$0x3FAF] =	sst s4  }
0xd: {  	[smem:$0x3FB0] =	sst s5  }
0xe: {  	[smem:$0x3FB1] =	sst s6  }
0xf: {  	[smem:$0x3FB2] =	sst s7  }
0x10: {  	[smem:$0x3FB3] =	sst s8  }
0x11: {  	[smem:$0x3FB4] =	sst s9;
	s0 =	simm.s32 @!p0 $0x0  }
0x12: {  	s1 =	sld [smem:$0x3F9A];
	s0 =	simm.s32 @p0 $0x1  }
0x13: {  	[smem:$0x3FB5] =	sst s0;
	s0 =	simm.s32 @!p1 $0x0  }
0x14: {  	s2 =	sld [smem:$0x3F99];
	s0 =	simm.s32 @p1 $0x1  }
0x15: {  	[smem:$0x3FB6] =	sst s0;
	s0 =	simm.s32 @!p2 $0x0  }
0x16: {  	s3 =	sld [smem:$0x3FDB];
	s0 =	simm.s32 @p2 $0x1  }
0x17: {  	s4 =	simm.s32 $0x1BF5;
	[smem:$0x3FB8] =	sst s0  }
0x18: {  	s0 =	sld [smem:$0x3F9B];
	_ =	swait.ge [sflag:s4], $0x0  }
0x19: {  	s7 =	sld [smem:$0x3F9C]  }
0x1a: {  	s8 =	sadd.s32 $0xFFFFE003, lr  }
0x1b: {  	s9 =	sadd.s32 $0xFFFFFEF7, lr;
	s5 =	simm.s32 $0xFFFFFFFF;
	p2 =	slt.u32 s8, $0xFFFFF086  }
0x1c: {  	p1 =	slt.u32 s9, $0xF7A;
	s5 =	simm.s32 @!p2 $0x0  }
0x1d: {  	s5 =	simm.s32 @p1 $0x1;
	p0 =	seq.s32 s7, s2  }
0x1e: {  	s7 =	smul.u32 @!p0 $0xF7A, s2;
	p2 =	seq.s32 @!p0 s5, $0x0  }
0x1f: {  	s9 =	smul.u32 $0xF7A, s1;
	s8 =	simm.s32 @!p0 $0x1BF5;
	p2 =	por !p2, p0  }
0x20: {  	[sflag:s8] =	ssyncset.s32 @!p0 $0xFFFFF086;
	s6 =	sadd.s32 @!p0 s3, s7;
	s7 =	simm.s32 @!p0 $0x108  }
0x21: {  	s3 =	sadd.s32 s3, s9;
	s6 =	sadd.s32 @!p0 $0x88, s6;
	s7 =	simm.s32 @p2 $0x1082  }
0x22: {  	[simem:s7], [sflag:s8] =	dma.local @!p0 [hbm:s6], $0xF7A  }
0x23: {  	s9 =	sor.u32 $0xD0000000, s2;
	s6 =	simm.s32 $0x108;
	_ =	swait.ge @!p0 [sflag:s8], $0x0  }
0x24: {  	s3 =	sadd.s32 $0x88, s3;
	s6 =	simm.s32 @!p1 $0x1082;
	[sflag:s4] =	ssyncset.s32 $0xFFFFF086  }
0x25: {  	[simem:s6], [sflag:s4] =	dma.local [hbm:s3], $0xF7A  }
0x26: {  	[smem:$0x3F9C] =	sst s1;
	(tag) =	ssettag s2;
	_ =	strace s9  }
0x27: {  	s1 =	sld [smem:$0x3FAC]  }
0x28: {  	s2 =	sld [smem:$0x3FAD]  }
0x29: {  	s4 =	sld [smem:$0x3FAF]  }
0x2a: {  	p0 =	seq.s32 s5, $0x0;
	s5 =	sld [smem:$0x3FB0]  }
0x2b: {  	s6 =	sld [smem:$0x3FB1]  }
0x2c: {  	s7 =	sld [smem:$0x3FB2]  }
0x2d: {  	s3 =	simm.s32 $0x108;
	s8 =	sld [smem:$0x3FB3]  }
0x2e: {  	s3 =	simm.s32 @!p0 $0x1082;
	s9 =	sld [smem:$0x3FB4]  }
0x2f: {  	lr =	sadd.s32 s0, s3;
	s0 =	sld [smem:$0x3FAB]  }
0x30: {  	s3 =	sld [smem:$0x3FAE]  }
0x31: {  	[smem:$0x3FB7] =	sst s10  }
0x32: {  	s10 =	sld [smem:$0x3FB5];
	_ =	sdelay $0x3  }
0x33: {  	p0 =	seq.s32 s10, $0x1;
	s10 =	sld [smem:$0x3FB7];
	_ =	sdelay $0x3  }
0x34: {  	[smem:$0x3FB7] =	sst s10  }
0x35: {  	s10 =	sld [smem:$0x3FB6];
	_ =	sdelay $0x3  }
0x36: {  	p1 =	seq.s32 s10, $0x1;
	s10 =	sld [smem:$0x3FB7];
	_ =	sdelay $0x3  }
0x37: {  	[smem:$0x3FB7] =	sst s10  }
0x38: {  	s10 =	sld [smem:$0x3FB8]  }
0x39: {  	_ = 	snop;
	(pc) =	sbr.ind lr, $3  }
0x3a: {  	_ = 	snop  }
0x3b: {  	_ = 	snop  }
0x3c: {  	p2 =	seq.s32 s10, $0x1;
	s10 =	sld [smem:$0x3FB7]  }
0x3d: {  	_ =	shalt  }
0x3e: {  	_ =	shalt  }
0x3f: {  	_ =	shalt  }
0x40: {  	_ =	shalt  }
0x41: {  	_ =	shalt  }
0x42: {  	_ =	shalt  }
0x43: {  	_ =	shalt  }
0x44: {  	_ =	shalt  }
0x45: {  	_ =	shalt  }
0x46: {  	_ =	shalt  }
0x47: {  	_ =	shalt  }
0x48: {  	_ =	shalt  }
0x49: {  	_ =	shalt  }
0x4a: {  	_ =	shalt  }
0x4b: {  	_ =	shalt  }
0x4c: {  	_ =	shalt  }
0x4d: {  	_ =	shalt  }
0x4e: {  	_ =	shalt  }
0x4f: {  	_ =	shalt  }
0x50: {  	_ =	shalt  }
0x51: {  	_ =	shalt  }
0x52: {  	_ =	shalt  }
0x53: {  	_ =	shalt  }
0x54: {  	_ =	shalt  }
0x55: {  	_ =	shalt  }
0x56: {  	_ =	shalt  }
0x57: {  	_ =	shalt  }
0x58: {  	_ =	shalt  }
0x59: {  	_ =	shalt  }
0x5a: {  	_ =	shalt  }
0x5b: {  	_ =	shalt  }
0x5c: {  	_ =	shalt  }
0x5d: {  	_ =	shalt  }
0x5e: {  	_ =	shalt  }
0x5f: {  	_ =	shalt  }
0x60: {  	_ =	shalt  }
0x61: {  	_ =	shalt  }
0x62: {  	_ =	shalt  }
0x63: {  	_ =	shalt  }
0x64: {  	_ =	shalt  }
0x65: {  	_ =	shalt  }
0x66: {  	_ =	shalt  }
0x67: {  	_ =	shalt  }
0x68: {  	_ =	shalt  }
0x69: {  	_ =	shalt  }
0x6a: {  	_ =	shalt  }
0x6b: {  	_ =	shalt  }
0x6c: {  	_ =	shalt  }
0x6d: {  	_ =	shalt  }
0x6e: {  	_ =	shalt  }
0x6f: {  	_ =	shalt  }
0x70: {  	_ =	shalt  }
0x71: {  	_ =	shalt  }
0x72: {  	_ =	shalt  }
0x73: {  	_ =	shalt  }
0x74: {  	_ =	shalt  }
0x75: {  	_ =	shalt  }
0x76: {  	_ =	shalt  }
0x77: {  	_ =	shalt  }
0x78: {  	_ =	shalt  }
0x79: {  	_ =	shalt  }
0x7a: {  	_ =	shalt  }
0x7b: {  	_ =	shalt  }
0x7c: {  	_ =	shalt  }
0x7d: {  	_ =	shalt  }
0x7e: {  	_ =	shalt  }
0x7f: {  	_ =	shalt  }
0x80: {  	_ =	shalt  }
0x81: {  	_ =	shalt  }
0x82: {  	_ =	shalt  }
0x83: {  	_ =	shalt  }
0x84: {  	_ =	shalt  }
0x85: {  	_ =	shalt  }
0x86: {  	_ =	shalt  }
0x87: {  	_ =	shalt  }
.Lfunc_end0:
.L_simem_size_0:
called_computation_lowered:
.L_overlay_start_0:
0x88: {  	s2 =	sld [smem:$0x3FD9]  }
0x89: {  	s3 =	sld [smem:$0x3FFE];
	_ =	sdelay $0x1  }
0x8a: {  	s1 =	srdreg.scid  }
0x8b: {  	s0 =	sand.u32 $0x1, s1  }
0x8c: {  	s17 =	sshll.u32 s0, $0xA;
	s2 =	sadd.s32 s3, s2  }
0x8d: {  	s2 =	sadd.s32 s2, s17  }
0x8e: {  	[smem:$0x3FC3] =	sst s2  }
0x8f: {  	_ = 	snop  }
0x90: {  	s2 =	sld [smem:$0x3FC9]  }
0x91: {  	s18 =	sld [smem:$0x3FC8]  }
0x92: {  	s4 =	sld [smem:$0x3FC7];
	(tm) =	ssettm $0x1  }
0x93: {  	s5 =	sld [smem:$0x3FFB];
	_ =	sdelay $0x3  }
0x94: {  	_ =	strace s5  }
0x95: {  	s5 =	sld [smem:$0x3FFC];
	_ =	sdelay $0x3  }
0x96: {  	_ =	strace s5  }
0x97: {  	s5 =	sld [smem:$0x3FFD];
	_ =	sdelay $0x3  }
0x98: {  	_ =	strace s5  }
0x99: {  	_ =	strace $0x8FFFFFFF  }
0x9a: {  	s19 =	sld [smem:$0x3FDB];
	_ =	sdelay $0x1  }
0x9b: {  	s6 =	simm.s32 $_scs_section_size  }
0x9c: {  	s7 =	simm.s32 $_size__tile_overlayer_lowered;
	s8 =	simm.s32 $_tile_overlayer_lowered  }
0x9d: {  	s22 =	simm.s32 $0x1BFF;
	s21 =	sshll.u32 s8, $0x1;
	s5 =	sadd.s32 s6, s19  }
0x9e: {  	s9 =	simm.s32 $0x0;
	s20 =	sshll.u32 s7, $0x1;
	s7 =	sadd.s32 s21, s5  }
0x9f: {  	[timem:s9], [sflag:s22] =	dma.local [hbm:s7], s20  }
0xa0: {  	_ =	swait.ge [sflag:s22], s20  }
0xa1: {  	s6 =	ssub.s32 $0x0, s20;
	[sflag:s22] =	ssyncset.done $0x0  }
0xa2: {  	[sflag:s22] =	ssyncadd.s32 s6;
	_ =	sdelay $0x1  }
0xa3: {  	s23 =	simm.s32 $0x1B8B  }
0xa4: {  	_ =	swait.ge [sflag:s23], $0x1  }
0xa5: {  	[sflag:s23] =	ssyncset.done $0x0  }
0xa6: {  	s25 =	simm.s32 $0x1B8E;
	s24 =	sld [smem:$0x3FFE];
	[sflag:s23] =	ssyncadd.s32 $0xFFFFFFFF  }
0xa7: {  	s26 =	simm.s32 $execute0_lowered;
	[smem:$0x3FD2] =	sst s25  }
0xa8: {  	s7 =	sshll.u32 s26, $0x1;
	_ =	strace $0x80000046;
	[dreg:$0x1] =	wrdreg $0xFFFFFFFF  }
0xa9: {  	s28 =	simm.s32 $_size_execute0_lowered;
	s5 =	sadd.s32 s5, s7;
	[dreg:$0x0] =	wrdreg $0x0  }
0xaa: {  	s7 =	sshll.u32 s28, $0x1;
	[dreg:$0x2] =	wrdreg s5  }
0xab: {  	[dreg:$0x3] =	wrdreg s7  }
0xac: {  	[dreg:$0x4] =	wrdreg $0xC0  }
0xad: {  	_ =	task [dreg:s9], $0x5FFFF  }
0xae: {  	[dreg:$0x1] =	wrdreg $0xFFFFFFFF  }
0xaf: {  	[dreg:$0x0] =	wrdreg $0x60  }
0xb0: {  	[dreg:$0x2] =	wrdreg s2  }
0xb1: {  	[dreg:$0x3] =	wrdreg s18  }
0xb2: {  	[dreg:$0x4] =	wrdreg s4  }
0xb3: {  	[dreg:$0x5] =	wrdreg s24  }
0xb4: {  	[dreg:$0x6] =	wrdreg $0x9  }
0xb5: {  	_ =	task.clear_ibuf [dreg:s9], $0x7FFFF;
	_ =	strace $0x90000046  }
0xb6: {  	s29 =	simm.s32 $0x9;
	_ =	strace $0x80000048  }
0xb7: {  	_ =	swait.ge [sflag:s29], $0x1  }
0xb8: {  	[sflag:s29] =	ssyncadd.s32 $0xFFFFFFFF  }
0xb9: {  	_ =	strace $0x90000048  }
0xba: {  	_ =	sfence  }
0xbb: {  	s30 =	sld [smem:$0x0];
	_ =	sdelay $0x2  }
0xbc: {  	s31 =	sshll.u32 s1, $0xD;
	s1 =	sshrl.u32 s1, $0x2  }
0xbd: {  	s3 =	sand.u32 $0x4000, s31;
	s1 =	sadd.s32 s1, s30  }
0xbe: {  	s0 =	sor.u32 s3, s0;
	s1 =	sshll.u32 s1, $0x11  }
0xbf: {  	s0 =	sor.u32 s1, s0  }
0xc0: {  	s0 =	sadd.s32 $0x8F2B, s0  }
0xc1: {  	[sflag:s0] =	ssyncadd.remote.s32 $0x1  }
0xc2: {  	_ =	sfence.sel $0xFFFF  }
0xc3: {  	[dreg:$0x0] =	wrdreg $0xFFFFFFFF;
	(pc) =	sbr.abs _section_cstart, $3  }
0xc4: {  	[dreg:$0x1] =	wrdreg $0xFFFFFFFF  }
0xc5: {  	_ =	task.clear_ibuf [dreg:s9], $0x2FFFF;
	_ =	strace $0x9FFFFFFF  }
0xc6: {  	(tm) =	ssettm $0x7FFFFFFF  }
0xc7: {  	_ =	shalt  }
tec
execute0_lowered:
.L_overlay_start_1:
0x0: {  	(tag) =	ssettag $0x1  }
0x1: {  	s0 =	rddreg [dreg:$0x0]  }
0x2: {  	s2 =	rddreg [dreg:$0x1]  }
0x3: {  	s7 =	rddreg [dreg:$0x2]  }
0x4: {  	s5 =	rddreg [dreg:$0x3];
	s1 =	simm.s32 $0x0  }
0x5: {  	s4 =	srdreg.scid;
	s8 =	stileid.u32;
	s15 =	simm.s32 $0x4  }
0x6: {  	s18 =	simm.s32 $0x1;
	s20 =	simm.s32 $0x2;
	s6 =	sand.u32 $0x1, s4  }
0x7: {  	[smem:$0x7FF] =	sst s1;
	s8 =	sshll.u32 s8, $0xA;
	s9 =	sshll.u32 s6, $0x9  }
0x8: {  	s3 =	sadd.s32 $0x1200, s5;
	s4 =	sadd.s32 $0xF43600, s5;
	s8 =	sor.u32 s9, s8  }
0x9: {  	s11 =	sadd.s32 $0x1E85A00, s5;
	s12 =	sadd.s32 $0x1EC5A00, s5;
	s10 =	sshrl.u32 s8, $0x3  }
0xa: {  	s13 =	sadd.s32 $0x1F05A00, s5;
	_ =	strace $0x80000047;
	s0 =	sadd.s32 s0, s10  }
0xb: {  	s6 =	ssub.s32 $0x2, s6;
	s23 =	sadd.s32 s2, s10;
	[dreg:$0x5] =	wrdreg s0  }
0xc: {  	s25 =	sshll.u32 s8, $0x4;
	s24 =	sadd.s32 s7, s10;
	[dreg:$0x6] =	wrdreg s23  }
0xd: {  	s22 =	sshrl.u32 s6, $0x1;
	s26 =	sadd.s32 s11, s25;
	[dreg:$0x7] =	wrdreg s24  }
0xe: {  	s14 =	ssub.s32 s6, s22;
	s28 =	sadd.s32 s12, s25;
	[dreg:$0x8] =	wrdreg s26  }
0xf: {  	s29 =	sor.u32 $0x1000, s25;
	[dreg:$0x9] =	wrdreg s28;
	s0 =	sadd.s32 s13, s25  }
0x10: {  	s22 =	simm.s32 $0x3;
	s30 =	sadd.s32 s11, s29;
	[dreg:$0xa] =	wrdreg s0  }
0x11: {  	s14 =	smax.u32 s14, $0x1;
	s31 =	sadd.s32 s12, s29;
	[dreg:$0xb] =	wrdreg s30  }
0x12: {  	s13 =	sadd.s32 s13, s29;
	s24 =	simm.s32 $0x0;
	[dreg:$0xc] =	wrdreg s31  }
.LBB2_1:
0x13: {  	s0 =	rddreg [dreg:$0x5]  }
0x14: {  	[tilespmem:s1], [sflag:$0x4] =	stream.linear.gather [hbm4b:s0+s1], $0x200, $0x38;
	[tilespmem:$0x18600] =	vst v63  }
0x15: {  	_ =	swait.ge [sflag:s15], $0x200  }
0x16: {  	[sflag:s15] =	ssyncset.done $0x0  }
0x17: {  	s2 =	simm.s32 $0x200;
	s26 =	rddreg [dreg:$0x6];
	[sflag:s15] =	ssyncadd.s32 $0xFFFFFE00  }
0x18: {  	[tilespmem:s2], [sflag:$0x4] =	stream.linear.gather [hbm4b:s26+s1], $0x200, $0x38;
	[tilespmem:$0x18600] =	vst v63  }
0x19: {  	_ =	swait.ge [sflag:s15], $0x200  }
0x1a: {  	[sflag:s15] =	ssyncset.done $0x0  }
0x1b: {  	s31 =	simm.s32 $0x400;
	s30 =	rddreg [dreg:$0x7];
	[sflag:s15] =	ssyncadd.s32 $0xFFFFFE00  }
0x1c: {  	[tilespmem:s31], [sflag:$0x4] =	stream.linear.gather [hbm4b:s30+s1], $0x200, $0x38;
	[tilespmem:$0x18600] =	vst v63  }
0x1d: {  	_ =	swait.ge [sflag:s15], $0x200  }
0x1e: {  	[sflag:s15] =	ssyncset.done $0x0  }
0x1f: {  	[sflag:s15] =	ssyncadd.s32 $0xFFFFFE00  }
0x20: {  	v0 =	vld [tilespmem:s1+$0x0];
	_ =	sdelay $0x4  }
0x21: {  	v0 =	vshll.u32 v0, $0x4  }
0x22: {  	(v2sf) =	vpush v0, $0x0  }
0x23: {  	(v2sf) =	vpush v0, $0x1  }
0x24: {  	(v2sf) =	vpush v0, $0x2;
	_ =	sdelay $0x1  }
0x25: {  	(v2sf) =	vpush v0, $0x4;
	_ =	sdelay $0x1  }
0x26: {  	(v2sf) =	vpush v0, $0x3  }
0x27: {  	(v2sf) =	vpush v0, $0x5  }
0x28: {  	s28 =	simm.s32 $0x2000;
	s29 =	simm.s32 $0x0;
	s26 =	simm.s32 $0x0;
	(v2sf) =	vpush v0, $0x6  }
.LBB2_2:
0x29: {  	p0 =	sne.s32 s28, $0x1E000  }
0x2a: {  	s5 =	sadd.s32 $0x680, s26;
	s2 =	sadd.s32 $0xB80, s26;
	s30 =	smov.u32 s28  }
0x2b: {  	s28 =	sadd.s32 $0x2000, s28;
	s19 =	sadd.s32 $0x980, s26;
	s31 =	sadd.s32 $0xC00, s26;
	(v2sf) =	vpush v0, $0x7  }
0x2c: {  	s23 =	sadd.s32 $0x880, s26;
	s16 =	sadd.s32 $0xA00, s26;
	s0 =	sadd.s32 $0xC80, s26  }
0x2d: {  	s6 =	sadd.s32 $0x600, s26;
	s7 =	sadd.s32 $0x800, s26;
	(v2sf) =	vpush v0, $0x8  }
0x2e: {  	s25 =	simm.s32 $0x0;
	s8 =	sadd.s32 $0x900, s26;
	s29 =	sadd.s32 $0x10, s29  }
0x2f: {  	s9 =	sadd.s32 $0x700, s26;
	s17 =	sadd.s32 $0xB00, s26;
	s21 =	spop (v2sf);
	(v2sf) =	vpush v0, $0x9  }
0x30: {  	s10 =	sand.u32 $0x1FFFFFF0, s21;
	s21 =	sadd.s32 $0xA80, s26;
	s11 =	spop (v2sf)  }
0x31: {  	s10 =	sadd.s32 s3, s10;
	s11 =	sand.u32 $0x1FFFFFF0, s11;
	s12 =	spop (v2sf);
	(v2sf) =	vpush v0, $0xA  }
0x32: {  	[tilespmem:s6], [sflag:$0x1] =	stream.linear.gather [hbm4b:s10+s25], $0x80, $0x38;
	[tilespmem:$0x18600] =	vst v63  }
0x33: {  	s6 =	sadd.s32 s3, s11;
	s10 =	sadd.s32 $0x780, s26;
	s11 =	spop (v2sf);
	(v2sf) =	vpush v0, $0xB  }
0x34: {  	[tilespmem:s5], [sflag:$0x1] =	stream.linear.gather [hbm4b:s6+s25], $0x80, $0x38;
	[tilespmem:$0x18600] =	vst v63  }
0x35: {  	s5 =	sand.u32 $0x1FFFFFF0, s12;
	s6 =	sand.u32 $0x1FFFFFF0, s11;
	s11 =	spop (v2sf);
	(v2sf) =	vpush v0, $0xC  }
0x36: {  	s5 =	sadd.s32 s3, s5;
	s11 =	sand.u32 $0x1FFFFFF0, s11;
	s12 =	spop (v2sf)  }
0x37: {  	[tilespmem:s9], [sflag:$0x1] =	stream.linear.gather [hbm4b:s5+s25], $0x80, $0x38;
	(v2sf) =	vpush v0, $0xD;
	[tilespmem:$0x18600] =	vst v63  }
0x38: {  	s5 =	sadd.s32 s3, s11;
	s9 =	sand.u32 $0x1FFFFFF0, s12;
	s11 =	spop (v2sf)  }
0x39: {  	[tilespmem:s10], [sflag:$0x1] =	stream.linear.gather [hbm4b:s5+s25], $0x80, $0x38;
	(v2sf) =	vpush v0, $0xE;
	[tilespmem:$0x18600] =	vst v63  }
0x3a: {  	s5 =	sadd.s32 s3, s6;
	s6 =	sand.u32 $0x1FFFFFF0, s11;
	s10 =	spop (v2sf)  }
0x3b: {  	[tilespmem:s7], [sflag:$0x1] =	stream.linear.gather [hbm4b:s5+s25], $0x80, $0x38;
	(v2sf) =	vpush v0, $0xF;
	[tilespmem:$0x18600] =	vst v63  }
0x3c: {  	s5 =	sadd.s32 s3, s9;
	s7 =	sand.u32 $0x1FFFFFF0, s10;
	s9 =	spop (v2sf)  }
0x3d: {  	[tilespmem:s23], [sflag:$0x1] =	stream.linear.gather [hbm4b:s5+s25], $0x80, $0x38;
	[tilespmem:$0x18600] =	vst v63  }
0x3e: {  	s5 =	sadd.s32 s3, s6;
	s6 =	sand.u32 $0x1FFFFFF0, s9;
	s9 =	spop (v2sf)  }
0x3f: {  	[tilespmem:s8], [sflag:$0x1] =	stream.linear.gather [hbm4b:s5+s25], $0x80, $0x38;
	[tilespmem:$0x18600] =	vst v63  }
0x40: {  	s5 =	sadd.s32 s3, s7;
	s7 =	sand.u32 $0x1FFFFFF0, s9;
	s8 =	spop (v2sf)  }
0x41: {  	[tilespmem:s19], [sflag:$0x1] =	stream.linear.gather [hbm4b:s5+s25], $0x80, $0x38;
	[tilespmem:$0x18600] =	vst v63  }
0x42: {  	s5 =	sadd.s32 s3, s6;
	s6 =	sand.u32 $0x1FFFFFF0, s8;
	s8 =	spop (v2sf)  }
0x43: {  	[tilespmem:s16], [sflag:$0x1] =	stream.linear.gather [hbm4b:s5+s25], $0x80, $0x38;
	[tilespmem:$0x18600] =	vst v63  }
0x44: {  	s5 =	sadd.s32 s3, s7;
	s7 =	sand.u32 $0x1FFFFFF0, s8;
	s8 =	spop (v2sf)  }
0x45: {  	[tilespmem:s21], [sflag:$0x1] =	stream.linear.gather [hbm4b:s5+s25], $0x80, $0x38;
	[tilespmem:$0x18600] =	vst v63  }
0x46: {  	s5 =	sadd.s32 s3, s6;
	s6 =	sand.u32 $0x1FFFFFF0, s8;
	s8 =	spop (v2sf)  }
0x47: {  	[tilespmem:s17], [sflag:$0x1] =	stream.linear.gather [hbm4b:s5+s25], $0x80, $0x38;
	[tilespmem:$0x18600] =	vst v63  }
0x48: {  	s5 =	sadd.s32 s3, s7;
	s7 =	sand.u32 $0x1FFFFFF0, s8;
	s8 =	spop (v2sf)  }
0x49: {  	[tilespmem:s2], [sflag:$0x1] =	stream.linear.gather [hbm4b:s5+s25], $0x80, $0x38;
	[tilespmem:$0x18600] =	vst v63  }
0x4a: {  	s2 =	sadd.s32 s3, s6;
	s5 =	sand.u32 $0x1FFFFFF0, s8;
	s6 =	spop (v2sf)  }
0x4b: {  	[tilespmem:s31], [sflag:$0x1] =	stream.linear.gather [hbm4b:s2+s25], $0x80, $0x38;
	[tilespmem:$0x18600] =	vst v63  }
0x4c: {  	s2 =	sadd.s32 s3, s7;
	s6 =	sand.u32 $0x1FFFFFF0, s6  }
0x4d: {  	[tilespmem:s0], [sflag:$0x1] =	stream.linear.gather [hbm4b:s2+s25], $0x80, $0x38;
	[tilespmem:$0x18600] =	vst v63  }
0x4e: {  	s0 =	sadd.s32 $0xD00, s26;
	s2 =	sadd.s32 s3, s5  }
0x4f: {  	[tilespmem:s0], [sflag:$0x1] =	stream.linear.gather [hbm4b:s2+s25], $0x80, $0x38;
	[tilespmem:$0x18600] =	vst v63  }
0x50: {  	s0 =	sadd.s32 $0xD80, s26;
	s2 =	sadd.s32 s3, s6  }
0x51: {  	[tilespmem:s0], [sflag:$0x1] =	stream.linear.gather [hbm4b:s2+s25], $0x80, $0x38;
	[tilespmem:$0x18600] =	vst v63  }
0x52: {  	v0 =	vld [tilespmem:s29+$0x0];
	_ =	sdelay $0x4  }
0x53: {  	v0 =	vshll.u32 v0, $0x4  }
0x54: {  	(v2sf) =	vpush v0, $0x0  }
0x55: {  	(v2sf) =	vpush v0, $0x1  }
0x56: {  	(v2sf) =	vpush v0, $0x2;
	_ =	sdelay $0x1  }
0x57: {  	(v2sf) =	vpush v0, $0x4  }
.Ltmp0:
0x58: {  	(pc) =	sbr.rel @p0 .LBB2_2-.Ltmp0, $3  }
0x59: {  	(v2sf) =	vpush v0, $0x3  }
0x5a: {  	(v2sf) =	vpush v0, $0x5;
	_ =	sdelay $0x1  }
0x5b: {  	s26 =	sshra.s32 s30, $0x2;
	(v2sf) =	vpush v0, $0x6  }
0x5c: {  	_ =	sdelay $0x1  }
0x5d: {  	s5 =	sadd.s32 $0x680, s26;
	s16 =	sadd.s32 $0xB80, s26  }
0x5e: {  	s6 =	sadd.s32 $0x980, s26;
	s0 =	sadd.s32 $0xC00, s26;
	(v2sf) =	vpush v0, $0x7;
	s7 =	sadd.s32 $0x880, s26  }
0x5f: {  	s8 =	sadd.s32 $0xA00, s26;
	s2 =	sadd.s32 $0xC80, s26;
	s9 =	sadd.s32 $0x600, s26  }
0x60: {  	s10 =	sadd.s32 $0x800, s26;
	s11 =	sadd.s32 $0x900, s26;
	(v2sf) =	vpush v0, $0x8;
	s12 =	spop (v2sf)  }
0x61: {  	s17 =	sadd.s32 $0x700, s26;
	s12 =	sand.u32 $0x1FFFFFF0, s12;
	s19 =	spop (v2sf)  }
0x62: {  	(v2sf) =	vpush v0, $0x9;
	s12 =	sadd.s32 s3, s12;
	s19 =	sand.u32 $0x1FFFFFF0, s19;
	s21 =	spop (v2sf)  }
0x63: {  	[tilespmem:s9], [sflag:$0x1] =	stream.linear.gather [hbm4b:s12+s25], $0x80, $0x38;
	[tilespmem:$0x18600] =	vst v63  }
0x64: {  	(v2sf) =	vpush v0, $0xA;
	s23 =	sadd.s32 s3, s19;
	s30 =	sand.u32 $0x1FFFFFF0, s21;
	s19 =	spop (v2sf)  }
0x65: {  	[tilespmem:s5], [sflag:$0x1] =	stream.linear.gather [hbm4b:s23+s25], $0x80, $0x38;
	[tilespmem:$0x18600] =	vst v63  }
0x66: {  	s9 =	sadd.s32 $0xB00, s26;
	(v2sf) =	vpush v0, $0xB;
	s12 =	sadd.s32 s3, s30;
	s31 =	spop (v2sf)  }
0x67: {  	s5 =	sadd.s32 $0xA80, s26;
	s23 =	sadd.s32 $0x780, s26;
	s21 =	sand.u32 $0x1FFFFFF0, s31  }
0x68: {  	(v2sf) =	vpush v0, $0xC;
	[tilespmem:s17], [sflag:$0x1] =	stream.linear.gather [hbm4b:s12+s25], $0x80, $0x38;
	[tilespmem:$0x18600] =	vst v63  }
0x69: {  	s12 =	sand.u32 $0x1FFFFFF0, s19;
	s30 =	spop (v2sf);
	s31 =	sadd.s32 s3, s21  }
0x6a: {  	(v2sf) =	vpush v0, $0xD;
	[tilespmem:s23], [sflag:$0x1] =	stream.linear.gather [hbm4b:s31+s25], $0x80, $0x38;
	[tilespmem:$0x18600] =	vst v63  }
0x6b: {  	s17 =	sand.u32 $0x1FFFFFF0, s30;
	s12 =	sadd.s32 s3, s12;
	s21 =	spop (v2sf)  }
0x6c: {  	(v2sf) =	vpush v0, $0xE;
	[tilespmem:s10], [sflag:$0x1] =	stream.linear.gather [hbm4b:s12+s25], $0x80, $0x38;
	[tilespmem:$0x18600] =	vst v63  }
0x6d: {  	s17 =	sadd.s32 s3, s17;
	s23 =	sand.u32 $0x1FFFFFF0, s21;
	s30 =	spop (v2sf)  }
0x6e: {  	(v2sf) =	vpush v0, $0xF;
	[tilespmem:s7], [sflag:$0x1] =	stream.linear.gather [hbm4b:s17+s25], $0x80, $0x38;
	[tilespmem:$0x18600] =	vst v63  }
0x6f: {  	s31 =	sand.u32 $0x1FFFFFF0, s30;
	s10 =	sadd.s32 s3, s23;
	s17 =	spop (v2sf)  }
0x70: {  	[tilespmem:s11], [sflag:$0x1] =	stream.linear.gather [hbm4b:s10+s25], $0x80, $0x38;
	[tilespmem:$0x18600] =	vst v63  }
0x71: {  	s7 =	sadd.s32 s3, s31;
	s19 =	sand.u32 $0x1FFFFFF0, s17;
	s21 =	spop (v2sf)  }
0x72: {  	[tilespmem:s6], [sflag:$0x1] =	stream.linear.gather [hbm4b:s7+s25], $0x80, $0x38;
	[tilespmem:$0x18600] =	vst v63  }
0x73: {  	s10 =	sadd.s32 s3, s19;
	s23 =	sand.u32 $0x1FFFFFF0, s21;
	s30 =	spop (v2sf)  }
0x74: {  	[tilespmem:s8], [sflag:$0x1] =	stream.linear.gather [hbm4b:s10+s25], $0x80, $0x38;
	[tilespmem:$0x18600] =	vst v63  }
0x75: {  	s7 =	sand.u32 $0x1FFFFFF0, s30;
	s6 =	sadd.s32 s3, s23;
	s31 =	spop (v2sf)  }
0x76: {  	[tilespmem:s5], [sflag:$0x1] =	stream.linear.gather [hbm4b:s6+s25], $0x80, $0x38;
	[tilespmem:$0x18600] =	vst v63  }
0x77: {  	s7 =	sadd.s32 s3, s7;
	s10 =	sand.u32 $0x1FFFFFF0, s31;
	s11 =	spop (v2sf)  }
0x78: {  	[tilespmem:s9], [sflag:$0x1] =	stream.linear.gather [hbm4b:s7+s25], $0x80, $0x38;
	[tilespmem:$0x18600] =	vst v63  }
0x79: {  	s5 =	sadd.s32 s3, s10;
	s6 =	sand.u32 $0x1FFFFFF0, s11;
	s12 =	spop (v2sf)  }
0x7a: {  	[tilespmem:s16], [sflag:$0x1] =	stream.linear.gather [hbm4b:s5+s25], $0x80, $0x38;
	[tilespmem:$0x18600] =	vst v63  }
0x7b: {  	s6 =	sadd.s32 s3, s6;
	s17 =	spop (v2sf);
	s16 =	sand.u32 $0x1FFFFFF0, s12  }
0x7c: {  	[tilespmem:s0], [sflag:$0x1] =	stream.linear.gather [hbm4b:s6+s25], $0x80, $0x38;
	[tilespmem:$0x18600] =	vst v63  }
0x7d: {  	s19 =	sand.u32 $0x1FFFFFF0, s17;
	s21 =	spop (v2sf);
	s5 =	sadd.s32 s3, s16  }
0x7e: {  	[tilespmem:s2], [sflag:$0x1] =	stream.linear.gather [hbm4b:s5+s25], $0x80, $0x38;
	[tilespmem:$0x18600] =	vst v63  }
0x7f: {  	s30 =	sadd.s32 $0xD00, s26;
	s23 =	sand.u32 $0x1FFFFFF0, s21;
	s0 =	sadd.s32 s3, s19  }
0x80: {  	[tilespmem:s30], [sflag:$0x1] =	stream.linear.gather [hbm4b:s0+s25], $0x80, $0x38;
	[tilespmem:$0x18600] =	vst v63  }
0x81: {  	s28 =	simm.s32 $0x200;
	s31 =	sadd.s32 $0xD80, s26;
	s2 =	sadd.s32 s3, s23  }
0x82: {  	[tilespmem:s31], [sflag:$0x1] =	stream.linear.gather [hbm4b:s2+s25], $0x80, $0x38;
	[tilespmem:$0x18600] =	vst v63  }
0x83: {  	v0 =	vld [tilespmem:s28+$0x0];
	_ =	sdelay $0x4  }
0x84: {  	v0 =	vshll.u32 v0, $0x4  }
0x85: {  	(v2sf) =	vpush v0, $0x0  }
0x86: {  	(v2sf) =	vpush v0, $0x1  }
0x87: {  	(v2sf) =	vpush v0, $0x2;
	_ =	sdelay $0x1  }
0x88: {  	(v2sf) =	vpush v0, $0x4;
	_ =	sdelay $0x1  }
0x89: {  	(v2sf) =	vpush v0, $0x3  }
0x8a: {  	(v2sf) =	vpush v0, $0x5  }
0x8b: {  	s29 =	simm.s32 $0x2000;
	s26 =	simm.s32 $0x0;
	(v2sf) =	vpush v0, $0x6  }
.LBB2_4:
0x8c: {  	p0 =	sne.s32 s29, $0x1E000  }
0x8d: {  	s5 =	sadd.s32 $0x8680, s26;
	s31 =	sadd.s32 $0x8B80, s26;
	s30 =	smov.u32 s29  }
0x8e: {  	s29 =	sadd.s32 $0x2000, s29;
	s19 =	sadd.s32 $0x8980, s26;
	s0 =	sadd.s32 $0x8C00, s26;
	(v2sf) =	vpush v0, $0x7  }
0x8f: {  	s23 =	sadd.s32 $0x8880, s26;
	s17 =	sadd.s32 $0x8A00, s26;
	s2 =	sadd.s32 $0x8C80, s26  }
0x90: {  	s6 =	sadd.s32 $0x8600, s26;
	s7 =	sadd.s32 $0x8800, s26;
	(v2sf) =	vpush v0, $0x8  }
0x91: {  	s8 =	sadd.s32 $0x8900, s26;
	s28 =	sadd.s32 $0x10, s28  }
0x92: {  	s9 =	sadd.s32 $0x8700, s26;
	s16 =	sadd.s32 $0x8B00, s26;
	s10 =	spop (v2sf);
	(v2sf) =	vpush v0, $0x9  }
0x93: {  	s21 =	sadd.s32 $0x8A80, s26;
	s10 =	sand.u32 $0x1FFFFFF0, s10;
	s11 =	spop (v2sf)  }
0x94: {  	s10 =	sadd.s32 s4, s10;
	s11 =	sand.u32 $0x1FFFFFF0, s11;
	s12 =	spop (v2sf);
	(v2sf) =	vpush v0, $0xA  }
0x95: {  	[tilespmem:s6], [sflag:$0x2] =	stream.linear.gather [hbm4b:s10+s25], $0x80, $0x38;
	[tilespmem:$0x18600] =	vst v63  }
0x96: {  	s6 =	sadd.s32 s4, s11;
	s10 =	sadd.s32 $0x8780, s26;
	s11 =	spop (v2sf);
	(v2sf) =	vpush v0, $0xB  }
0x97: {  	[tilespmem:s5], [sflag:$0x2] =	stream.linear.gather [hbm4b:s6+s25], $0x80, $0x38;
	[tilespmem:$0x18600] =	vst v63  }
0x98: {  	s5 =	sand.u32 $0x1FFFFFF0, s12;
	s6 =	sand.u32 $0x1FFFFFF0, s11;
	s11 =	spop (v2sf);
	(v2sf) =	vpush v0, $0xC  }
0x99: {  	s5 =	sadd.s32 s4, s5;
	s11 =	sand.u32 $0x1FFFFFF0, s11;
	s12 =	spop (v2sf)  }
0x9a: {  	[tilespmem:s9], [sflag:$0x2] =	stream.linear.gather [hbm4b:s5+s25], $0x80, $0x38;
	(v2sf) =	vpush v0, $0xD;
	[tilespmem:$0x18600] =	vst v63  }
0x9b: {  	s5 =	sadd.s32 s4, s11;
	s9 =	sand.u32 $0x1FFFFFF0, s12;
	s11 =	spop (v2sf)  }
0x9c: {  	[tilespmem:s10], [sflag:$0x2] =	stream.linear.gather [hbm4b:s5+s25], $0x80, $0x38;
	(v2sf) =	vpush v0, $0xE;
	[tilespmem:$0x18600] =	vst v63  }
0x9d: {  	s5 =	sadd.s32 s4, s6;
	s6 =	sand.u32 $0x1FFFFFF0, s11;
	s10 =	spop (v2sf)  }
0x9e: {  	[tilespmem:s7], [sflag:$0x2] =	stream.linear.gather [hbm4b:s5+s25], $0x80, $0x38;
	(v2sf) =	vpush v0, $0xF;
	[tilespmem:$0x18600] =	vst v63  }
0x9f: {  	s5 =	sadd.s32 s4, s9;
	s7 =	sand.u32 $0x1FFFFFF0, s10;
	s9 =	spop (v2sf)  }
0xa0: {  	[tilespmem:s23], [sflag:$0x2] =	stream.linear.gather [hbm4b:s5+s25], $0x80, $0x38;
	[tilespmem:$0x18600] =	vst v63  }
0xa1: {  	s5 =	sadd.s32 s4, s6;
	s6 =	sand.u32 $0x1FFFFFF0, s9;
	s9 =	spop (v2sf)  }
0xa2: {  	[tilespmem:s8], [sflag:$0x2] =	stream.linear.gather [hbm4b:s5+s25], $0x80, $0x38;
	[tilespmem:$0x18600] =	vst v63  }
0xa3: {  	s5 =	sadd.s32 s4, s7;
	s7 =	sand.u32 $0x1FFFFFF0, s9;
	s8 =	spop (v2sf)  }
0xa4: {  	[tilespmem:s19], [sflag:$0x2] =	stream.linear.gather [hbm4b:s5+s25], $0x80, $0x38;
	[tilespmem:$0x18600] =	vst v63  }
0xa5: {  	s5 =	sadd.s32 s4, s6;
	s6 =	sand.u32 $0x1FFFFFF0, s8;
	s8 =	spop (v2sf)  }
0xa6: {  	[tilespmem:s17], [sflag:$0x2] =	stream.linear.gather [hbm4b:s5+s25], $0x80, $0x38;
	[tilespmem:$0x18600] =	vst v63  }
0xa7: {  	s5 =	sadd.s32 s4, s7;
	s7 =	sand.u32 $0x1FFFFFF0, s8;
	s8 =	spop (v2sf)  }
0xa8: {  	[tilespmem:s21], [sflag:$0x2] =	stream.linear.gather [hbm4b:s5+s25], $0x80, $0x38;
	[tilespmem:$0x18600] =	vst v63  }
0xa9: {  	s5 =	sadd.s32 s4, s6;
	s6 =	sand.u32 $0x1FFFFFF0, s8;
	s8 =	spop (v2sf)  }
0xaa: {  	[tilespmem:s16], [sflag:$0x2] =	stream.linear.gather [hbm4b:s5+s25], $0x80, $0x38;
	[tilespmem:$0x18600] =	vst v63  }
0xab: {  	s5 =	sadd.s32 s4, s7;
	s7 =	sand.u32 $0x1FFFFFF0, s8;
	s8 =	spop (v2sf)  }
0xac: {  	[tilespmem:s31], [sflag:$0x2] =	stream.linear.gather [hbm4b:s5+s25], $0x80, $0x38;
	[tilespmem:$0x18600] =	vst v63  }
0xad: {  	s5 =	sadd.s32 s4, s6;
	s6 =	sand.u32 $0x1FFFFFF0, s8;
	s8 =	spop (v2sf)  }
0xae: {  	[tilespmem:s0], [sflag:$0x2] =	stream.linear.gather [hbm4b:s5+s25], $0x80, $0x38;
	[tilespmem:$0x18600] =	vst v63  }
0xaf: {  	s0 =	sadd.s32 s4, s7;
	s5 =	sand.u32 $0x1FFFFFF0, s8  }
0xb0: {  	[tilespmem:s2], [sflag:$0x2] =	stream.linear.gather [hbm4b:s0+s25], $0x80, $0x38;
	[tilespmem:$0x18600] =	vst v63  }
0xb1: {  	s0 =	sadd.s32 $0x8D00, s26;
	s2 =	sadd.s32 s4, s6  }
0xb2: {  	[tilespmem:s0], [sflag:$0x2] =	stream.linear.gather [hbm4b:s2+s25], $0x80, $0x38;
	[tilespmem:$0x18600] =	vst v63  }
0xb3: {  	s0 =	sadd.s32 $0x8D80, s26;
	s2 =	sadd.s32 s4, s5  }
0xb4: {  	[tilespmem:s0], [sflag:$0x2] =	stream.linear.gather [hbm4b:s2+s25], $0x80, $0x38;
	[tilespmem:$0x18600] =	vst v63  }
0xb5: {  	v0 =	vld [tilespmem:s28+$0x0];
	_ =	sdelay $0x4  }
0xb6: {  	v0 =	vshll.u32 v0, $0x4  }
0xb7: {  	(v2sf) =	vpush v0, $0x0  }
0xb8: {  	(v2sf) =	vpush v0, $0x1  }
0xb9: {  	(v2sf) =	vpush v0, $0x2;
	_ =	sdelay $0x1  }
0xba: {  	(v2sf) =	vpush v0, $0x4  }
.Ltmp1:
0xbb: {  	(pc) =	sbr.rel @p0 .LBB2_4-.Ltmp1, $3  }
0xbc: {  	(v2sf) =	vpush v0, $0x3  }
0xbd: {  	(v2sf) =	vpush v0, $0x5;
	_ =	sdelay $0x1  }
0xbe: {  	s26 =	sshra.s32 s30, $0x2;
	(v2sf) =	vpush v0, $0x6  }
0xbf: {  	_ =	sdelay $0x1  }
0xc0: {  	s5 =	sadd.s32 $0x8680, s26;
	s16 =	sadd.s32 $0x8B80, s26  }
0xc1: {  	s6 =	sadd.s32 $0x8980, s26;
	s0 =	sadd.s32 $0x8C00, s26;
	(v2sf) =	vpush v0, $0x7;
	s7 =	sadd.s32 $0x8880, s26  }
0xc2: {  	s8 =	sadd.s32 $0x8A00, s26;
	s2 =	sadd.s32 $0x8C80, s26;
	s9 =	sadd.s32 $0x8600, s26  }
0xc3: {  	s10 =	sadd.s32 $0x8800, s26;
	s11 =	sadd.s32 $0x8900, s26;
	(v2sf) =	vpush v0, $0x8;
	s12 =	spop (v2sf)  }
0xc4: {  	s17 =	sadd.s32 $0x8700, s26;
	s12 =	sand.u32 $0x1FFFFFF0, s12;
	s19 =	spop (v2sf)  }
0xc5: {  	(v2sf) =	vpush v0, $0x9;
	s12 =	sadd.s32 s4, s12;
	s19 =	sand.u32 $0x1FFFFFF0, s19;
	s21 =	spop (v2sf)  }
0xc6: {  	[tilespmem:s9], [sflag:$0x2] =	stream.linear.gather [hbm4b:s12+s25], $0x80, $0x38;
	[tilespmem:$0x18600] =	vst v63  }
0xc7: {  	s23 =	sadd.s32 $0x8780, s26;
	(v2sf) =	vpush v0, $0xA;
	s30 =	sadd.s32 s4, s19;
	s31 =	spop (v2sf)  }
0xc8: {  	[tilespmem:s5], [sflag:$0x2] =	stream.linear.gather [hbm4b:s30+s25], $0x80, $0x38;
	[tilespmem:$0x18600] =	vst v63  }
0xc9: {  	s9 =	sadd.s32 $0x8B00, s26;
	s21 =	sand.u32 $0x1FFFFFF0, s21;
	(v2sf) =	vpush v0, $0xB;
	s29 =	spop (v2sf)  }
0xca: {  	s12 =	sadd.s32 s4, s21;
	s5 =	sadd.s32 $0x8A80, s26;
	s21 =	sand.u32 $0x1FFFFFF0, s29  }
0xcb: {  	(v2sf) =	vpush v0, $0xC;
	[tilespmem:s17], [sflag:$0x2] =	stream.linear.gather [hbm4b:s12+s25], $0x80, $0x38;
	[tilespmem:$0x18600] =	vst v63  }
0xcc: {  	s30 =	sand.u32 $0x1FFFFFF0, s31;
	s31 =	spop (v2sf);
	s21 =	sadd.s32 s4, s21  }
0xcd: {  	(v2sf) =	vpush v0, $0xD;
	[tilespmem:s23], [sflag:$0x2] =	stream.linear.gather [hbm4b:s21+s25], $0x80, $0x38;
	[tilespmem:$0x18600] =	vst v63  }
0xce: {  	s12 =	sadd.s32 s4, s30;
	s17 =	sand.u32 $0x1FFFFFF0, s31;
	s29 =	spop (v2sf)  }
0xcf: {  	(v2sf) =	vpush v0, $0xE;
	[tilespmem:s10], [sflag:$0x2] =	stream.linear.gather [hbm4b:s12+s25], $0x80, $0x38;
	[tilespmem:$0x18600] =	vst v63  }
0xd0: {  	s17 =	sadd.s32 s4, s17;
	s30 =	sand.u32 $0x1FFFFFF0, s29;
	s31 =	spop (v2sf)  }
0xd1: {  	(v2sf) =	vpush v0, $0xF;
	[tilespmem:s7], [sflag:$0x2] =	stream.linear.gather [hbm4b:s17+s25], $0x80, $0x38;
	[tilespmem:$0x18600] =	vst v63  }
0xd2: {  	s19 =	spop (v2sf);
	s10 =	sadd.s32 s4, s30;
	s17 =	sand.u32 $0x1FFFFFF0, s31  }
0xd3: {  	[tilespmem:s11], [sflag:$0x2] =	stream.linear.gather [hbm4b:s10+s25], $0x80, $0x38;
	[tilespmem:$0x18600] =	vst v63  }
0xd4: {  	s21 =	sand.u32 $0x1FFFFFF0, s19;
	s7 =	sadd.s32 s4, s17;
	s23 =	spop (v2sf)  }
0xd5: {  	[tilespmem:s6], [sflag:$0x2] =	stream.linear.gather [hbm4b:s7+s25], $0x80, $0x38;
	[tilespmem:$0x18600] =	vst v63  }
0xd6: {  	s10 =	sadd.s32 s4, s21;
	s29 =	sand.u32 $0x1FFFFFF0, s23;
	s30 =	spop (v2sf)  }
0xd7: {  	[tilespmem:s8], [sflag:$0x2] =	stream.linear.gather [hbm4b:s10+s25], $0x80, $0x38;
	[tilespmem:$0x18600] =	vst v63  }
0xd8: {  	s7 =	sand.u32 $0x1FFFFFF0, s30;
	s6 =	sadd.s32 s4, s29;
	s31 =	spop (v2sf)  }
0xd9: {  	[tilespmem:s5], [sflag:$0x2] =	stream.linear.gather [hbm4b:s6+s25], $0x80, $0x38;
	[tilespmem:$0x18600] =	vst v63  }
0xda: {  	s7 =	sadd.s32 s4, s7;
	s10 =	sand.u32 $0x1FFFFFF0, s31;
	s11 =	spop (v2sf)  }
0xdb: {  	[tilespmem:s9], [sflag:$0x2] =	stream.linear.gather [hbm4b:s7+s25], $0x80, $0x38;
	[tilespmem:$0x18600] =	vst v63  }
0xdc: {  	s5 =	sadd.s32 s4, s10;
	s6 =	sand.u32 $0x1FFFFFF0, s11;
	s12 =	spop (v2sf)  }
0xdd: {  	[tilespmem:s16], [sflag:$0x2] =	stream.linear.gather [hbm4b:s5+s25], $0x80, $0x38;
	[tilespmem:$0x18600] =	vst v63  }
0xde: {  	s17 =	sand.u32 $0x1FFFFFF0, s12;
	s6 =	sadd.s32 s4, s6;
	s19 =	spop (v2sf)  }
0xdf: {  	[tilespmem:s0], [sflag:$0x2] =	stream.linear.gather [hbm4b:s6+s25], $0x80, $0x38;
	[tilespmem:$0x18600] =	vst v63  }
0xe0: {  	s21 =	sand.u32 $0x1FFFFFF0, s19;
	s23 =	spop (v2sf);
	s5 =	sadd.s32 s4, s17  }
0xe1: {  	[tilespmem:s2], [sflag:$0x2] =	stream.linear.gather [hbm4b:s5+s25], $0x80, $0x38;
	[tilespmem:$0x18600] =	vst v63  }
0xe2: {  	s30 =	sadd.s32 $0x8D00, s26;
	s29 =	sand.u32 $0x1FFFFFF0, s23;
	s0 =	sadd.s32 s4, s21  }
0xe3: {  	[tilespmem:s30], [sflag:$0x2] =	stream.linear.gather [hbm4b:s0+s25], $0x80, $0x38;
	[tilespmem:$0x18600] =	vst v63  }
0xe4: {  	s31 =	sadd.s32 $0x8D80, s26;
	s26 =	simm.s32 $0x400;
	s2 =	sadd.s32 s4, s29  }
0xe5: {  	[tilespmem:s31], [sflag:$0x2] =	stream.linear.gather [hbm4b:s2+s25], $0x80, $0x38;
	[tilespmem:$0x18600] =	vst v63  }
0xe6: {  	v0 =	vld [tilespmem:s26+$0x0];
	_ =	sdelay $0x4  }
0xe7: {  	v0 =	vshll.u32 v0, $0x4  }
0xe8: {  	(v2sf) =	vpush v0, $0x0  }
0xe9: {  	(v2sf) =	vpush v0, $0x1  }
0xea: {  	(v2sf) =	vpush v0, $0x2;
	_ =	sdelay $0x1  }
0xeb: {  	(v2sf) =	vpush v0, $0x4;
	_ =	sdelay $0x1  }
0xec: {  	(v2sf) =	vpush v0, $0x3  }
0xed: {  	(v2sf) =	vpush v0, $0x5  }
0xee: {  	s28 =	simm.s32 $0x2000;
	s25 =	simm.s32 $0x0;
	(v2sf) =	vpush v0, $0x6  }
.LBB2_6:
0xef: {  	p0 =	sne.s32 s28, $0x1E000  }
0xf0: {  	s5 =	sadd.s32 $0x10680, s25;
	s30 =	sadd.s32 $0x10B80, s25;
	s29 =	smov.u32 s28  }
0xf1: {  	s28 =	sadd.s32 $0x2000, s28;
	s19 =	sadd.s32 $0x10980, s25;
	s0 =	sadd.s32 $0x10C00, s25;
	(v2sf) =	vpush v0, $0x7  }
0xf2: {  	s23 =	sadd.s32 $0x10880, s25;
	s17 =	sadd.s32 $0x10A00, s25;
	s2 =	sadd.s32 $0x10C80, s25  }
0xf3: {  	s6 =	sadd.s32 $0x10600, s25;
	s7 =	sadd.s32 $0x10800, s25;
	(v2sf) =	vpush v0, $0x8  }
0xf4: {  	s8 =	sadd.s32 $0x10900, s25;
	s26 =	sadd.s32 $0x10, s26  }
0xf5: {  	s9 =	sadd.s32 $0x10700, s25;
	s16 =	sadd.s32 $0x10B00, s25;
	s10 =	spop (v2sf);
	(v2sf) =	vpush v0, $0x9  }
0xf6: {  	s21 =	sadd.s32 $0x10A80, s25;
	s10 =	sand.u32 $0x1FFFFFF0, s10;
	s11 =	spop (v2sf)  }
0xf7: {  	s10 =	sadd.s32 s3, s10;
	s11 =	sand.u32 $0x1FFFFFF0, s11;
	s12 =	spop (v2sf);
	(v2sf) =	vpush v0, $0xA  }
0xf8: {  	[tilespmem:s6], [sflag:$0x3] =	stream.linear.gather [hbm4b:s10+s1], $0x80, $0x38;
	[tilespmem:$0x18600] =	vst v63  }
0xf9: {  	s6 =	sadd.s32 s3, s11;
	s10 =	sadd.s32 $0x10780, s25;
	s11 =	spop (v2sf);
	(v2sf) =	vpush v0, $0xB  }
0xfa: {  	[tilespmem:s5], [sflag:$0x3] =	stream.linear.gather [hbm4b:s6+s1], $0x80, $0x38;
	[tilespmem:$0x18600] =	vst v63  }
0xfb: {  	s5 =	sand.u32 $0x1FFFFFF0, s12;
	s6 =	sand.u32 $0x1FFFFFF0, s11;
	s11 =	spop (v2sf);
	(v2sf) =	vpush v0, $0xC  }
0xfc: {  	s5 =	sadd.s32 s3, s5;
	s11 =	sand.u32 $0x1FFFFFF0, s11;
	s12 =	spop (v2sf)  }
0xfd: {  	[tilespmem:s9], [sflag:$0x3] =	stream.linear.gather [hbm4b:s5+s1], $0x80, $0x38;
	(v2sf) =	vpush v0, $0xD;
	[tilespmem:$0x18600] =	vst v63  }
0xfe: {  	s5 =	sadd.s32 s3, s11;
	s9 =	sand.u32 $0x1FFFFFF0, s12;
	s11 =	spop (v2sf)  }
0xff: {  	[tilespmem:s10], [sflag:$0x3] =	stream.linear.gather [hbm4b:s5+s1], $0x80, $0x38;
	(v2sf) =	vpush v0, $0xE;
	[tilespmem:$0x18600] =	vst v63  }
0x100: {  	s5 =	sadd.s32 s3, s6;
	s6 =	sand.u32 $0x1FFFFFF0, s11;
	s10 =	spop (v2sf)  }
0x101: {  	[tilespmem:s7], [sflag:$0x3] =	stream.linear.gather [hbm4b:s5+s1], $0x80, $0x38;
	(v2sf) =	vpush v0, $0xF;
	[tilespmem:$0x18600] =	vst v63  }
0x102: {  	s5 =	sadd.s32 s3, s9;
	s7 =	sand.u32 $0x1FFFFFF0, s10;
	s9 =	spop (v2sf)  }
0x103: {  	[tilespmem:s23], [sflag:$0x3] =	stream.linear.gather [hbm4b:s5+s1], $0x80, $0x38;
	[tilespmem:$0x18600] =	vst v63  }
0x104: {  	s5 =	sadd.s32 s3, s6;
	s6 =	sand.u32 $0x1FFFFFF0, s9;
	s9 =	spop (v2sf)  }
0x105: {  	[tilespmem:s8], [sflag:$0x3] =	stream.linear.gather [hbm4b:s5+s1], $0x80, $0x38;
	[tilespmem:$0x18600] =	vst v63  }
0x106: {  	s5 =	sadd.s32 s3, s7;
	s7 =	sand.u32 $0x1FFFFFF0, s9;
	s8 =	spop (v2sf)  }
0x107: {  	[tilespmem:s19], [sflag:$0x3] =	stream.linear.gather [hbm4b:s5+s1], $0x80, $0x38;
	[tilespmem:$0x18600] =	vst v63  }
0x108: {  	s5 =	sadd.s32 s3, s6;
	s6 =	sand.u32 $0x1FFFFFF0, s8;
	s8 =	spop (v2sf)  }
0x109: {  	[tilespmem:s17], [sflag:$0x3] =	stream.linear.gather [hbm4b:s5+s1], $0x80, $0x38;
	[tilespmem:$0x18600] =	vst v63  }
0x10a: {  	s5 =	sadd.s32 s3, s7;
	s7 =	sand.u32 $0x1FFFFFF0, s8;
	s8 =	spop (v2sf)  }
0x10b: {  	[tilespmem:s21], [sflag:$0x3] =	stream.linear.gather [hbm4b:s5+s1], $0x80, $0x38;
	[tilespmem:$0x18600] =	vst v63  }
0x10c: {  	s5 =	sadd.s32 s3, s6;
	s6 =	sand.u32 $0x1FFFFFF0, s8;
	s8 =	spop (v2sf)  }
0x10d: {  	[tilespmem:s16], [sflag:$0x3] =	stream.linear.gather [hbm4b:s5+s1], $0x80, $0x38;
	[tilespmem:$0x18600] =	vst v63  }
0x10e: {  	s5 =	sadd.s32 s3, s7;
	s7 =	sand.u32 $0x1FFFFFF0, s8;
	s8 =	spop (v2sf)  }
0x10f: {  	[tilespmem:s30], [sflag:$0x3] =	stream.linear.gather [hbm4b:s5+s1], $0x80, $0x38;
	[tilespmem:$0x18600] =	vst v63  }
0x110: {  	s5 =	sadd.s32 s3, s6;
	s6 =	sand.u32 $0x1FFFFFF0, s8;
	s8 =	spop (v2sf)  }
0x111: {  	[tilespmem:s0], [sflag:$0x3] =	stream.linear.gather [hbm4b:s5+s1], $0x80, $0x38;
	[tilespmem:$0x18600] =	vst v63  }
0x112: {  	s0 =	sadd.s32 s3, s7;
	s5 =	sand.u32 $0x1FFFFFF0, s8  }
0x113: {  	[tilespmem:s2], [sflag:$0x3] =	stream.linear.gather [hbm4b:s0+s1], $0x80, $0x38;
	[tilespmem:$0x18600] =	vst v63  }
0x114: {  	s0 =	sadd.s32 $0x10D00, s25;
	s2 =	sadd.s32 s3, s6  }
0x115: {  	[tilespmem:s0], [sflag:$0x3] =	stream.linear.gather [hbm4b:s2+s1], $0x80, $0x38;
	[tilespmem:$0x18600] =	vst v63  }
0x116: {  	s0 =	sadd.s32 $0x10D80, s25;
	s2 =	sadd.s32 s3, s5  }
0x117: {  	[tilespmem:s0], [sflag:$0x3] =	stream.linear.gather [hbm4b:s2+s1], $0x80, $0x38;
	[tilespmem:$0x18600] =	vst v63  }
0x118: {  	v0 =	vld [tilespmem:s26+$0x0];
	_ =	sdelay $0x4  }
0x119: {  	v0 =	vshll.u32 v0, $0x4  }
0x11a: {  	(v2sf) =	vpush v0, $0x0  }
0x11b: {  	(v2sf) =	vpush v0, $0x1  }
0x11c: {  	(v2sf) =	vpush v0, $0x2;
	_ =	sdelay $0x1  }
0x11d: {  	(v2sf) =	vpush v0, $0x4  }
.Ltmp2:
0x11e: {  	(pc) =	sbr.rel @p0 .LBB2_6-.Ltmp2, $3  }
0x11f: {  	(v2sf) =	vpush v0, $0x3  }
0x120: {  	(v2sf) =	vpush v0, $0x5;
	_ =	sdelay $0x1  }
0x121: {  	s25 =	sshra.s32 s29, $0x2;
	(v2sf) =	vpush v0, $0x6  }
0x122: {  	_ =	sdelay $0x1  }
0x123: {  	s5 =	sadd.s32 $0x10680, s25;
	s16 =	sadd.s32 $0x10B80, s25  }
0x124: {  	s6 =	sadd.s32 $0x10980, s25;
	s0 =	sadd.s32 $0x10C00, s25;
	(v2sf) =	vpush v0, $0x7;
	s7 =	sadd.s32 $0x10880, s25  }
0x125: {  	s8 =	sadd.s32 $0x10A00, s25;
	s2 =	sadd.s32 $0x10C80, s25;
	s9 =	sadd.s32 $0x10600, s25  }
0x126: {  	s10 =	sadd.s32 $0x10800, s25;
	s11 =	sadd.s32 $0x10900, s25;
	(v2sf) =	vpush v0, $0x8;
	s12 =	spop (v2sf)  }
0x127: {  	s17 =	sadd.s32 $0x10700, s25;
	s12 =	sand.u32 $0x1FFFFFF0, s12;
	s19 =	spop (v2sf)  }
0x128: {  	(v2sf) =	vpush v0, $0x9;
	s12 =	sadd.s32 s3, s12;
	s19 =	sand.u32 $0x1FFFFFF0, s19;
	s21 =	spop (v2sf)  }
0x129: {  	[tilespmem:s9], [sflag:$0x3] =	stream.linear.gather [hbm4b:s12+s1], $0x80, $0x38;
	[tilespmem:$0x18600] =	vst v63  }
0x12a: {  	s23 =	sadd.s32 $0x10780, s25;
	(v2sf) =	vpush v0, $0xA;
	s30 =	sadd.s32 s3, s19;
	s31 =	spop (v2sf)  }
0x12b: {  	[tilespmem:s5], [sflag:$0x3] =	stream.linear.gather [hbm4b:s30+s1], $0x80, $0x38;
	[tilespmem:$0x18600] =	vst v63  }
0x12c: {  	s9 =	sadd.s32 $0x10B00, s25;
	s26 =	sand.u32 $0x1FFFFFF0, s21;
	(v2sf) =	vpush v0, $0xB;
	s29 =	spop (v2sf)  }
0x12d: {  	s12 =	sadd.s32 s3, s26;
	s5 =	sadd.s32 $0x10A80, s25;
	s21 =	sand.u32 $0x1FFFFFF0, s29  }
0x12e: {  	(v2sf) =	vpush v0, $0xC;
	[tilespmem:s17], [sflag:$0x3] =	stream.linear.gather [hbm4b:s12+s1], $0x80, $0x38;
	[tilespmem:$0x18600] =	vst v63  }
0x12f: {  	s30 =	sand.u32 $0x1FFFFFF0, s31;
	s31 =	spop (v2sf);
	s26 =	sadd.s32 s3, s21  }
0x130: {  	(v2sf) =	vpush v0, $0xD;
	[tilespmem:s23], [sflag:$0x3] =	stream.linear.gather [hbm4b:s26+s1], $0x80, $0x38;
	[tilespmem:$0x18600] =	vst v63  }
0x131: {  	s12 =	sadd.s32 s3, s30;
	s17 =	sand.u32 $0x1FFFFFF0, s31;
	s29 =	spop (v2sf)  }
0x132: {  	(v2sf) =	vpush v0, $0xE;
	[tilespmem:s10], [sflag:$0x3] =	stream.linear.gather [hbm4b:s12+s1], $0x80, $0x38;
	[tilespmem:$0x18600] =	vst v63  }
0x133: {  	s17 =	sadd.s32 s3, s17;
	s30 =	sand.u32 $0x1FFFFFF0, s29;
	s31 =	spop (v2sf)  }
0x134: {  	(v2sf) =	vpush v0, $0xF;
	[tilespmem:s7], [sflag:$0x3] =	stream.linear.gather [hbm4b:s17+s1], $0x80, $0x38;
	[tilespmem:$0x18600] =	vst v63  }
0x135: {  	s19 =	sand.u32 $0x1FFFFFF0, s31;
	s21 =	spop (v2sf);
	s10 =	sadd.s32 s3, s30  }
0x136: {  	[tilespmem:s11], [sflag:$0x3] =	stream.linear.gather [hbm4b:s10+s1], $0x80, $0x38;
	[tilespmem:$0x18600] =	vst v63  }
0x137: {  	s23 =	sand.u32 $0x1FFFFFF0, s21;
	s7 =	sadd.s32 s3, s19;
	s26 =	spop (v2sf)  }
0x138: {  	[tilespmem:s6], [sflag:$0x3] =	stream.linear.gather [hbm4b:s7+s1], $0x80, $0x38;
	[tilespmem:$0x18600] =	vst v63  }
0x139: {  	s10 =	sadd.s32 s3, s23;
	s29 =	sand.u32 $0x1FFFFFF0, s26;
	s30 =	spop (v2sf)  }
0x13a: {  	[tilespmem:s8], [sflag:$0x3] =	stream.linear.gather [hbm4b:s10+s1], $0x80, $0x38;
	[tilespmem:$0x18600] =	vst v63  }
0x13b: {  	s7 =	sand.u32 $0x1FFFFFF0, s30;
	s6 =	sadd.s32 s3, s29;
	s31 =	spop (v2sf)  }
0x13c: {  	[tilespmem:s5], [sflag:$0x3] =	stream.linear.gather [hbm4b:s6+s1], $0x80, $0x38;
	[tilespmem:$0x18600] =	vst v63  }
0x13d: {  	s7 =	sadd.s32 s3, s7;
	s8 =	sand.u32 $0x1FFFFFF0, s31;
	s10 =	spop (v2sf)  }
0x13e: {  	[tilespmem:s9], [sflag:$0x3] =	stream.linear.gather [hbm4b:s7+s1], $0x80, $0x38;
	[tilespmem:$0x18600] =	vst v63  }
0x13f: {  	s5 =	sadd.s32 s3, s8;
	s6 =	sand.u32 $0x1FFFFFF0, s10;
	s11 =	spop (v2sf)  }
0x140: {  	[tilespmem:s16], [sflag:$0x3] =	stream.linear.gather [hbm4b:s5+s1], $0x80, $0x38;
	[tilespmem:$0x18600] =	vst v63  }
0x141: {  	s12 =	sand.u32 $0x1FFFFFF0, s11;
	s6 =	sadd.s32 s3, s6;
	s16 =	spop (v2sf)  }
0x142: {  	[tilespmem:s0], [sflag:$0x3] =	stream.linear.gather [hbm4b:s6+s1], $0x80, $0x38;
	[tilespmem:$0x18600] =	vst v63  }
0x143: {  	s5 =	sadd.s32 s3, s12;
	s17 =	sand.u32 $0x1FFFFFF0, s16;
	s19 =	spop (v2sf)  }
0x144: {  	[tilespmem:s2], [sflag:$0x3] =	stream.linear.gather [hbm4b:s5+s1], $0x80, $0x38;
	[tilespmem:$0x18600] =	vst v63  }
0x145: {  	s23 =	sadd.s32 $0x10D00, s25;
	s21 =	sand.u32 $0x1FFFFFF0, s19;
	s0 =	sadd.s32 s3, s17  }
0x146: {  	[tilespmem:s23], [sflag:$0x3] =	stream.linear.gather [hbm4b:s0+s1], $0x80, $0x38;
	[tilespmem:$0x18600] =	vst v63  }
0x147: {  	s26 =	sadd.s32 $0x10D80, s25;
	s2 =	sadd.s32 s3, s21  }
0x148: {  	[tilespmem:s26], [sflag:$0x3] =	stream.linear.gather [hbm4b:s2+s1], $0x80, $0x38;
	[tilespmem:$0x18600] =	vst v63  }
0x149: {  	_ =	swait.ge [sflag:s18], $0x8000  }
0x14a: {  	s25 =	simm.s32 $0x0;
	[sflag:s18] =	ssyncset.done $0x0  }
0x14b: {  	s30 =	simm.s32 $0x600;
	s29 =	rddreg [dreg:$0x8];
	[sflag:s18] =	ssyncadd.s32 $0xFFFF8000  }
0x14c: {  	[hbm4b:s29+s25] =	stream.linear.scatter [tilespmem:s30], [sflag:$0x4], $0x8000, $0x38;
	[tilespmem:$0x18600] =	vst v63  }
0x14d: {  	_ =	swait.ge [sflag:s15], $0x8000  }
0x14e: {  	[sflag:s15] =	ssyncset.done $0x0  }
0x14f: {  	s31 =	sand.u32 $0xF0, s25;
	[sflag:s15] =	ssyncadd.s32 $0xFFFF8000  }
0x150: {  	v0 =	vld [tilespmem:s31+$0x100];
	_ =	sdelay $0x4  }
0x151: {  	v0 =	vshll.u32 v0, $0x4  }
0x152: {  	(v2sf) =	vpush v0, $0x0  }
0x153: {  	(v2sf) =	vpush v0, $0x2  }
0x154: {  	(v2sf) =	vpush v0, $0x1;
	_ =	sdelay $0x1  }
0x155: {  	(v2sf) =	vpush v0, $0x3  }
0x156: {  	(v2sf) =	vpush v0, $0x4;
	_ =	sdelay $0x2  }
0x157: {  	s28 =	simm.s32 $0x10;
	s26 =	simm.s32 $0x2000  }
.LBB2_8:
0x158: {  	p0 =	sne.s32 s26, $0x1E000;
	(v2sf) =	vpush v0, $0x5;
	s0 =	smov.u32 s26;
	s26 =	sadd.s32 $0x2000, s26  }
0x159: {  	s29 =	sshra.s32 s25, $0x2;
	s25 =	smov.u32 s0  }
0x15a: {  	s5 =	sadd.s32 $0x680, s29;
	(v2sf) =	vpush v0, $0x6  }
0x15b: {  	s6 =	sadd.s32 $0x600, s29  }
0x15c: {  	s30 =	sadd.s32 $0xB80, s29;
	s2 =	sadd.s32 $0xC00, s29;
	s0 =	sadd.s32 $0xC80, s29;
	(v2sf) =	vpush v0, $0x7  }
0x15d: {  	s17 =	sadd.s32 $0xA00, s29;
	s16 =	sadd.s32 $0xA80, s29;
	s31 =	sadd.s32 $0xB00, s29  }
0x15e: {  	s7 =	sadd.s32 $0x900, s29;
	s19 =	sadd.s32 $0x980, s29;
	s8 =	spop (v2sf);
	(v2sf) =	vpush v0, $0x8  }
0x15f: {  	s9 =	sadd.s32 $0x700, s29;
	s8 =	sand.u32 $0x1FFFFFF0, s8;
	s10 =	spop (v2sf)  }
0x160: {  	s11 =	sadd.s32 $0x880, s29;
	s8 =	sadd.s32 s3, s8;
	s12 =	spop (v2sf);
	(v2sf) =	vpush v0, $0x9  }
0x161: {  	[tilespmem:s6], [sflag:$0x1] =	stream.linear.gather [hbm4b:s8+s1], $0x80, $0x38;
	[tilespmem:$0x18600] =	vst v63  }
0x162: {  	s6 =	sand.u32 $0x1FFFFFF0, s12;
	s8 =	sand.u32 $0x1FFFFFF0, s10;
	s10 =	spop (v2sf);
	(v2sf) =	vpush v0, $0xA  }
0x163: {  	s12 =	sadd.s32 $0x800, s29;
	s6 =	sadd.s32 s3, s6;
	s21 =	spop (v2sf)  }
0x164: {  	[tilespmem:s5], [sflag:$0x1] =	stream.linear.gather [hbm4b:s6+s1], $0x80, $0x38;
	(v2sf) =	vpush v0, $0xB;
	[tilespmem:$0x18600] =	vst v63  }
0x165: {  	s5 =	sadd.s32 s3, s8;
	s6 =	sand.u32 $0x1FFFFFF0, s10;
	s8 =	sand.u32 $0x1FFFFFF0, s21  }
0x166: {  	[tilespmem:s9], [sflag:$0x1] =	stream.linear.gather [hbm4b:s5+s1], $0x80, $0x38;
	(v2sf) =	vpush v0, $0xC;
	[tilespmem:$0x18600] =	vst v63  }
0x167: {  	s6 =	sadd.s32 s3, s6;
	s5 =	sadd.s32 $0x780, s29;
	s9 =	spop (v2sf)  }
0x168: {  	[tilespmem:s5], [sflag:$0x1] =	stream.linear.gather [hbm4b:s6+s1], $0x80, $0x38;
	(v2sf) =	vpush v0, $0xD;
	[tilespmem:$0x18600] =	vst v63  }
0x169: {  	s5 =	sadd.s32 s3, s8;
	s6 =	sand.u32 $0x1FFFFFF0, s9;
	s8 =	spop (v2sf)  }
0x16a: {  	[tilespmem:s12], [sflag:$0x1] =	stream.linear.gather [hbm4b:s5+s1], $0x80, $0x38;
	(v2sf) =	vpush v0, $0xE;
	[tilespmem:$0x18600] =	vst v63  }
0x16b: {  	s5 =	sadd.s32 s3, s6;
	s6 =	sand.u32 $0x1FFFFFF0, s8;
	s8 =	spop (v2sf)  }
0x16c: {  	[tilespmem:s11], [sflag:$0x1] =	stream.linear.gather [hbm4b:s5+s1], $0x80, $0x38;
	(v2sf) =	vpush v0, $0xF;
	[tilespmem:$0x18600] =	vst v63  }
0x16d: {  	s5 =	sadd.s32 s3, s6;
	s6 =	sand.u32 $0x1FFFFFF0, s8;
	s8 =	spop (v2sf)  }
0x16e: {  	[tilespmem:s7], [sflag:$0x1] =	stream.linear.gather [hbm4b:s5+s1], $0x80, $0x38;
	[tilespmem:$0x18600] =	vst v63  }
0x16f: {  	s5 =	sadd.s32 s3, s6;
	s6 =	sand.u32 $0x1FFFFFF0, s8;
	s7 =	spop (v2sf)  }
0x170: {  	[tilespmem:s19], [sflag:$0x1] =	stream.linear.gather [hbm4b:s5+s1], $0x80, $0x38;
	[tilespmem:$0x18600] =	vst v63  }
0x171: {  	s5 =	sadd.s32 s3, s6;
	s6 =	sand.u32 $0x1FFFFFF0, s7;
	s7 =	spop (v2sf)  }
0x172: {  	[tilespmem:s17], [sflag:$0x1] =	stream.linear.gather [hbm4b:s5+s1], $0x80, $0x38;
	[tilespmem:$0x18600] =	vst v63  }
0x173: {  	s5 =	sadd.s32 s3, s6;
	s6 =	sand.u32 $0x1FFFFFF0, s7;
	s7 =	spop (v2sf)  }
0x174: {  	[tilespmem:s16], [sflag:$0x1] =	stream.linear.gather [hbm4b:s5+s1], $0x80, $0x38;
	[tilespmem:$0x18600] =	vst v63  }
0x175: {  	s5 =	sadd.s32 s3, s6;
	s6 =	sand.u32 $0x1FFFFFF0, s7;
	s7 =	spop (v2sf)  }
0x176: {  	[tilespmem:s31], [sflag:$0x1] =	stream.linear.gather [hbm4b:s5+s1], $0x80, $0x38;
	[tilespmem:$0x18600] =	vst v63  }
0x177: {  	s5 =	sadd.s32 s3, s6;
	s6 =	sand.u32 $0x1FFFFFF0, s7;
	s7 =	spop (v2sf)  }
0x178: {  	[tilespmem:s30], [sflag:$0x1] =	stream.linear.gather [hbm4b:s5+s1], $0x80, $0x38;
	[tilespmem:$0x18600] =	vst v63  }
0x179: {  	s5 =	sadd.s32 s3, s6;
	s6 =	sand.u32 $0x1FFFFFF0, s7;
	s7 =	spop (v2sf)  }
0x17a: {  	[tilespmem:s2], [sflag:$0x1] =	stream.linear.gather [hbm4b:s5+s1], $0x80, $0x38;
	[tilespmem:$0x18600] =	vst v63  }
0x17b: {  	s2 =	sadd.s32 s3, s6;
	s5 =	sand.u32 $0x1FFFFFF0, s7;
	s6 =	spop (v2sf)  }
0x17c: {  	[tilespmem:s0], [sflag:$0x1] =	stream.linear.gather [hbm4b:s2+s1], $0x80, $0x38;
	[tilespmem:$0x18600] =	vst v63  }
0x17d: {  	s0 =	sadd.s32 $0xD00, s29;
	s2 =	sadd.s32 s3, s5;
	s5 =	sand.u32 $0x1FFFFFF0, s6  }
0x17e: {  	[tilespmem:s0], [sflag:$0x1] =	stream.linear.gather [hbm4b:s2+s1], $0x80, $0x38;
	[tilespmem:$0x18600] =	vst v63  }
0x17f: {  	s5 =	sadd.s32 s3, s5;
	s0 =	sand.u32 $0xF0, s28;
	s2 =	sadd.s32 $0xD80, s29  }
0x180: {  	[tilespmem:s2], [sflag:$0x1] =	stream.linear.gather [hbm4b:s5+s1], $0x80, $0x38;
	[tilespmem:$0x18600] =	vst v63  }
0x181: {  	v0 =	vld [tilespmem:s0+$0x100];
	_ =	sdelay $0x4  }
0x182: {  	v0 =	vshll.u32 v0, $0x4  }
0x183: {  	(v2sf) =	vpush v0, $0x0  }
0x184: {  	(v2sf) =	vpush v0, $0x2  }
0x185: {  	(v2sf) =	vpush v0, $0x1;
	_ =	sdelay $0x1  }
.Ltmp3:
0x186: {  	(v2sf) =	vpush v0, $0x3;
	(pc) =	sbr.rel @p0 .LBB2_8-.Ltmp3, $2  }
0x187: {  	(v2sf) =	vpush v0, $0x4;
	_ =	sdelay $0x2  }
0x188: {  	s28 =	sadd.s32 $0x10, s28  }
0x189: {  	(v2sf) =	vpush v0, $0x5;
	_ =	sdelay $0x1  }
0x18a: {  	s0 =	sshra.s32 s25, $0x2;
	(v2sf) =	vpush v0, $0x6  }
0x18b: {  	s5 =	sadd.s32 $0x680, s0;
	s6 =	sadd.s32 $0x600, s0  }
0x18c: {  	s17 =	sadd.s32 $0xB80, s0;
	s16 =	sadd.s32 $0xC00, s0;
	s2 =	sadd.s32 $0xC80, s0;
	(v2sf) =	vpush v0, $0x7  }
0x18d: {  	s7 =	sadd.s32 $0xA00, s0;
	s8 =	sadd.s32 $0xA80, s0;
	s9 =	sadd.s32 $0xB00, s0  }
0x18e: {  	s10 =	sadd.s32 $0x900, s0;
	s11 =	sadd.s32 $0x980, s0;
	s12 =	spop (v2sf);
	(v2sf) =	vpush v0, $0x8  }
0x18f: {  	s19 =	sadd.s32 $0x700, s0;
	s12 =	sand.u32 $0x1FFFFFF0, s12;
	s21 =	spop (v2sf)  }
0x190: {  	s23 =	sadd.s32 $0x880, s0;
	s12 =	sadd.s32 s3, s12;
	s26 =	spop (v2sf);
	(v2sf) =	vpush v0, $0x9  }
0x191: {  	[tilespmem:s6], [sflag:$0x1] =	stream.linear.gather [hbm4b:s12+s1], $0x80, $0x38;
	[tilespmem:$0x18600] =	vst v63  }
0x192: {  	s25 =	sadd.s32 $0x800, s0;
	s29 =	sand.u32 $0x1FFFFFF0, s26;
	s31 =	spop (v2sf);
	(v2sf) =	vpush v0, $0xA  }
0x193: {  	s30 =	sand.u32 $0x1FFFFFF0, s21;
	s6 =	sadd.s32 s3, s29;
	s26 =	spop (v2sf)  }
0x194: {  	[tilespmem:s5], [sflag:$0x1] =	stream.linear.gather [hbm4b:s6+s1], $0x80, $0x38;
	(v2sf) =	vpush v0, $0xB;
	[tilespmem:$0x18600] =	vst v63  }
0x195: {  	s21 =	sadd.s32 $0x780, s0;
	s29 =	sadd.s32 s3, s30;
	s30 =	sand.u32 $0x1FFFFFF0, s31  }
0x196: {  	(v2sf) =	vpush v0, $0xC;
	[tilespmem:s19], [sflag:$0x1] =	stream.linear.gather [hbm4b:s29+s1], $0x80, $0x38;
	[tilespmem:$0x18600] =	vst v63  }
0x197: {  	s31 =	sand.u32 $0x1FFFFFF0, s26;
	s6 =	sadd.s32 s3, s30;
	s26 =	spop (v2sf)  }
0x198: {  	[tilespmem:s21], [sflag:$0x1] =	stream.linear.gather [hbm4b:s6+s1], $0x80, $0x38;
	(v2sf) =	vpush v0, $0xD;
	[tilespmem:$0x18600] =	vst v63  }
0x199: {  	s29 =	sadd.s32 s3, s31;
	s30 =	sand.u32 $0x1FFFFFF0, s26;
	s31 =	spop (v2sf)  }
0x19a: {  	(v2sf) =	vpush v0, $0xE;
	[tilespmem:s25], [sflag:$0x1] =	stream.linear.gather [hbm4b:s29+s1], $0x80, $0x38;
	[tilespmem:$0x18600] =	vst v63  }
0x19b: {  	s6 =	sadd.s32 s3, s30;
	s19 =	sand.u32 $0x1FFFFFF0, s31;
	s21 =	spop (v2sf)  }
0x19c: {  	(v2sf) =	vpush v0, $0xF;
	[tilespmem:s23], [sflag:$0x1] =	stream.linear.gather [hbm4b:s6+s1], $0x80, $0x38;
	[tilespmem:$0x18600] =	vst v63  }
0x19d: {  	s25 =	sand.u32 $0x1FFFFFF0, s21;
	s23 =	sadd.s32 s3, s19;
	s26 =	spop (v2sf)  }
0x19e: {  	[tilespmem:s10], [sflag:$0x1] =	stream.linear.gather [hbm4b:s23+s1], $0x80, $0x38;
	[tilespmem:$0x18600] =	vst v63  }
0x19f: {  	s29 =	sadd.s32 s3, s25;
	s30 =	sand.u32 $0x1FFFFFF0, s26;
	s31 =	spop (v2sf)  }
0x1a0: {  	[tilespmem:s11], [sflag:$0x1] =	stream.linear.gather [hbm4b:s29+s1], $0x80, $0x38;
	[tilespmem:$0x18600] =	vst v63  }
0x1a1: {  	s12 =	sadd.s32 s3, s30;
	s19 =	sand.u32 $0x1FFFFFF0, s31;
	s21 =	spop (v2sf)  }
0x1a2: {  	[tilespmem:s7], [sflag:$0x1] =	stream.linear.gather [hbm4b:s12+s1], $0x80, $0x38;
	[tilespmem:$0x18600] =	vst v63  }
0x1a3: {  	s23 =	sadd.s32 s3, s19;
	s25 =	sand.u32 $0x1FFFFFF0, s21;
	s26 =	spop (v2sf)  }
0x1a4: {  	[tilespmem:s8], [sflag:$0x1] =	stream.linear.gather [hbm4b:s23+s1], $0x80, $0x38;
	[tilespmem:$0x18600] =	vst v63  }
0x1a5: {  	s29 =	sadd.s32 s3, s25;
	s30 =	sand.u32 $0x1FFFFFF0, s26;
	s31 =	spop (v2sf)  }
0x1a6: {  	[tilespmem:s9], [sflag:$0x1] =	stream.linear.gather [hbm4b:s29+s1], $0x80, $0x38;
	[tilespmem:$0x18600] =	vst v63  }
0x1a7: {  	s6 =	sadd.s32 s3, s30;
	s8 =	sand.u32 $0x1FFFFFF0, s31;
	s9 =	spop (v2sf)  }
0x1a8: {  	[tilespmem:s17], [sflag:$0x1] =	stream.linear.gather [hbm4b:s6+s1], $0x80, $0x38;
	[tilespmem:$0x18600] =	vst v63  }
0x1a9: {  	s10 =	sadd.s32 s3, s8;
	s11 =	sand.u32 $0x1FFFFFF0, s9;
	s12 =	spop (v2sf)  }
0x1aa: {  	[tilespmem:s16], [sflag:$0x1] =	stream.linear.gather [hbm4b:s10+s1], $0x80, $0x38;
	[tilespmem:$0x18600] =	vst v63  }
0x1ab: {  	s17 =	sand.u32 $0x1FFFFFF0, s12;
	s19 =	spop (v2sf);
	s16 =	sadd.s32 s3, s11  }
0x1ac: {  	[tilespmem:s2], [sflag:$0x1] =	stream.linear.gather [hbm4b:s16+s1], $0x80, $0x38;
	[tilespmem:$0x18600] =	vst v63  }
0x1ad: {  	s21 =	sadd.s32 $0xD00, s0;
	s23 =	sadd.s32 s3, s17;
	s25 =	sand.u32 $0x1FFFFFF0, s19  }
0x1ae: {  	[tilespmem:s21], [sflag:$0x1] =	stream.linear.gather [hbm4b:s23+s1], $0x80, $0x38;
	[tilespmem:$0x18600] =	vst v63  }
0x1af: {  	s0 =	sadd.s32 $0xD80, s0;
	s26 =	sadd.s32 s3, s25  }
0x1b0: {  	[tilespmem:s0], [sflag:$0x1] =	stream.linear.gather [hbm4b:s26+s1], $0x80, $0x38;
	[tilespmem:$0x18600] =	vst v63  }
0x1b1: {  	_ =	swait.ge [sflag:s20], $0x8000  }
0x1b2: {  	s30 =	simm.s32 $0x8600;
	[sflag:s20] =	ssyncset.done $0x0  }
0x1b3: {  	s25 =	simm.s32 $0x0;
	s29 =	rddreg [dreg:$0x9];
	[sflag:s20] =	ssyncadd.s32 $0xFFFF8000  }
0x1b4: {  	[hbm4b:s29+s25] =	stream.linear.scatter [tilespmem:s30], [sflag:$0x4], $0x8000, $0x38;
	[tilespmem:$0x18600] =	vst v63  }
0x1b5: {  	_ =	swait.ge [sflag:s15], $0x8000  }
0x1b6: {  	[sflag:s15] =	ssyncset.done $0x0  }
0x1b7: {  	s31 =	sand.u32 $0xF0, s25;
	[sflag:s15] =	ssyncadd.s32 $0xFFFF8000  }
0x1b8: {  	v0 =	vld [tilespmem:s31+$0x300];
	_ =	sdelay $0x4  }
0x1b9: {  	v0 =	vshll.u32 v0, $0x4  }
0x1ba: {  	(v2sf) =	vpush v0, $0x0  }
0x1bb: {  	(v2sf) =	vpush v0, $0x2  }
0x1bc: {  	(v2sf) =	vpush v0, $0x1;
	_ =	sdelay $0x1  }
0x1bd: {  	(v2sf) =	vpush v0, $0x3  }
0x1be: {  	(v2sf) =	vpush v0, $0x4;
	_ =	sdelay $0x2  }
0x1bf: {  	s28 =	simm.s32 $0x10;
	s26 =	simm.s32 $0x2000  }
.LBB2_10:
0x1c0: {  	p0 =	sne.s32 s26, $0x1E000;
	(v2sf) =	vpush v0, $0x5;
	s0 =	smov.u32 s26;
	s26 =	sadd.s32 $0x2000, s26  }
0x1c1: {  	s29 =	sshra.s32 s25, $0x2;
	s25 =	smov.u32 s0  }
0x1c2: {  	s5 =	sadd.s32 $0x8680, s29;
	(v2sf) =	vpush v0, $0x6  }
0x1c3: {  	s6 =	sadd.s32 $0x8600, s29  }
0x1c4: {  	s30 =	sadd.s32 $0x8B80, s29;
	s2 =	sadd.s32 $0x8C00, s29;
	s0 =	sadd.s32 $0x8C80, s29;
	(v2sf) =	vpush v0, $0x7  }
0x1c5: {  	s17 =	sadd.s32 $0x8A00, s29;
	s16 =	sadd.s32 $0x8A80, s29;
	s31 =	sadd.s32 $0x8B00, s29  }
0x1c6: {  	s7 =	sadd.s32 $0x8900, s29;
	s19 =	sadd.s32 $0x8980, s29;
	s8 =	spop (v2sf);
	(v2sf) =	vpush v0, $0x8  }
0x1c7: {  	s9 =	sadd.s32 $0x8700, s29;
	s8 =	sand.u32 $0x1FFFFFF0, s8;
	s10 =	spop (v2sf)  }
0x1c8: {  	s11 =	sadd.s32 $0x8880, s29;
	s8 =	sadd.s32 s4, s8;
	s12 =	spop (v2sf);
	(v2sf) =	vpush v0, $0x9  }
0x1c9: {  	[tilespmem:s6], [sflag:$0x2] =	stream.linear.gather [hbm4b:s8+s1], $0x80, $0x38;
	[tilespmem:$0x18600] =	vst v63  }
0x1ca: {  	s6 =	sand.u32 $0x1FFFFFF0, s12;
	s8 =	sand.u32 $0x1FFFFFF0, s10;
	s10 =	spop (v2sf);
	(v2sf) =	vpush v0, $0xA  }
0x1cb: {  	s12 =	sadd.s32 $0x8800, s29;
	s6 =	sadd.s32 s4, s6;
	s21 =	spop (v2sf)  }
0x1cc: {  	[tilespmem:s5], [sflag:$0x2] =	stream.linear.gather [hbm4b:s6+s1], $0x80, $0x38;
	(v2sf) =	vpush v0, $0xB;
	[tilespmem:$0x18600] =	vst v63  }
0x1cd: {  	s5 =	sadd.s32 s4, s8;
	s6 =	sand.u32 $0x1FFFFFF0, s10;
	s8 =	sand.u32 $0x1FFFFFF0, s21  }
0x1ce: {  	[tilespmem:s9], [sflag:$0x2] =	stream.linear.gather [hbm4b:s5+s1], $0x80, $0x38;
	(v2sf) =	vpush v0, $0xC;
	[tilespmem:$0x18600] =	vst v63  }
0x1cf: {  	s6 =	sadd.s32 s4, s6;
	s5 =	sadd.s32 $0x8780, s29;
	s9 =	spop (v2sf)  }
0x1d0: {  	[tilespmem:s5], [sflag:$0x2] =	stream.linear.gather [hbm4b:s6+s1], $0x80, $0x38;
	(v2sf) =	vpush v0, $0xD;
	[tilespmem:$0x18600] =	vst v63  }
0x1d1: {  	s5 =	sadd.s32 s4, s8;
	s6 =	sand.u32 $0x1FFFFFF0, s9;
	s8 =	spop (v2sf)  }
0x1d2: {  	[tilespmem:s12], [sflag:$0x2] =	stream.linear.gather [hbm4b:s5+s1], $0x80, $0x38;
	(v2sf) =	vpush v0, $0xE;
	[tilespmem:$0x18600] =	vst v63  }
0x1d3: {  	s5 =	sadd.s32 s4, s6;
	s6 =	sand.u32 $0x1FFFFFF0, s8;
	s8 =	spop (v2sf)  }
0x1d4: {  	[tilespmem:s11], [sflag:$0x2] =	stream.linear.gather [hbm4b:s5+s1], $0x80, $0x38;
	(v2sf) =	vpush v0, $0xF;
	[tilespmem:$0x18600] =	vst v63  }
0x1d5: {  	s5 =	sadd.s32 s4, s6;
	s6 =	sand.u32 $0x1FFFFFF0, s8;
	s8 =	spop (v2sf)  }
0x1d6: {  	[tilespmem:s7], [sflag:$0x2] =	stream.linear.gather [hbm4b:s5+s1], $0x80, $0x38;
	[tilespmem:$0x18600] =	vst v63  }
0x1d7: {  	s5 =	sadd.s32 s4, s6;
	s6 =	sand.u32 $0x1FFFFFF0, s8;
	s7 =	spop (v2sf)  }
0x1d8: {  	[tilespmem:s19], [sflag:$0x2] =	stream.linear.gather [hbm4b:s5+s1], $0x80, $0x38;
	[tilespmem:$0x18600] =	vst v63  }
0x1d9: {  	s5 =	sadd.s32 s4, s6;
	s6 =	sand.u32 $0x1FFFFFF0, s7;
	s7 =	spop (v2sf)  }
0x1da: {  	[tilespmem:s17], [sflag:$0x2] =	stream.linear.gather [hbm4b:s5+s1], $0x80, $0x38;
	[tilespmem:$0x18600] =	vst v63  }
0x1db: {  	s5 =	sadd.s32 s4, s6;
	s6 =	sand.u32 $0x1FFFFFF0, s7;
	s7 =	spop (v2sf)  }
0x1dc: {  	[tilespmem:s16], [sflag:$0x2] =	stream.linear.gather [hbm4b:s5+s1], $0x80, $0x38;
	[tilespmem:$0x18600] =	vst v63  }
0x1dd: {  	s5 =	sadd.s32 s4, s6;
	s6 =	sand.u32 $0x1FFFFFF0, s7;
	s7 =	spop (v2sf)  }
0x1de: {  	[tilespmem:s31], [sflag:$0x2] =	stream.linear.gather [hbm4b:s5+s1], $0x80, $0x38;
	[tilespmem:$0x18600] =	vst v63  }
0x1df: {  	s5 =	sadd.s32 s4, s6;
	s6 =	sand.u32 $0x1FFFFFF0, s7;
	s7 =	spop (v2sf)  }
0x1e0: {  	[tilespmem:s30], [sflag:$0x2] =	stream.linear.gather [hbm4b:s5+s1], $0x80, $0x38;
	[tilespmem:$0x18600] =	vst v63  }
0x1e1: {  	s5 =	sadd.s32 s4, s6;
	s6 =	sand.u32 $0x1FFFFFF0, s7;
	s7 =	spop (v2sf)  }
0x1e2: {  	[tilespmem:s2], [sflag:$0x2] =	stream.linear.gather [hbm4b:s5+s1], $0x80, $0x38;
	[tilespmem:$0x18600] =	vst v63  }
0x1e3: {  	s2 =	sadd.s32 s4, s6;
	s5 =	sand.u32 $0x1FFFFFF0, s7;
	s6 =	spop (v2sf)  }
0x1e4: {  	[tilespmem:s0], [sflag:$0x2] =	stream.linear.gather [hbm4b:s2+s1], $0x80, $0x38;
	[tilespmem:$0x18600] =	vst v63  }
0x1e5: {  	s0 =	sadd.s32 $0x8D00, s29;
	s2 =	sadd.s32 s4, s5;
	s5 =	sand.u32 $0x1FFFFFF0, s6  }
0x1e6: {  	[tilespmem:s0], [sflag:$0x2] =	stream.linear.gather [hbm4b:s2+s1], $0x80, $0x38;
	[tilespmem:$0x18600] =	vst v63  }
0x1e7: {  	s5 =	sadd.s32 s4, s5;
	s0 =	sand.u32 $0xF0, s28;
	s2 =	sadd.s32 $0x8D80, s29  }
0x1e8: {  	[tilespmem:s2], [sflag:$0x2] =	stream.linear.gather [hbm4b:s5+s1], $0x80, $0x38;
	[tilespmem:$0x18600] =	vst v63  }
0x1e9: {  	v0 =	vld [tilespmem:s0+$0x300];
	_ =	sdelay $0x4  }
0x1ea: {  	v0 =	vshll.u32 v0, $0x4  }
0x1eb: {  	(v2sf) =	vpush v0, $0x0  }
0x1ec: {  	(v2sf) =	vpush v0, $0x2  }
0x1ed: {  	(v2sf) =	vpush v0, $0x1;
	_ =	sdelay $0x1  }
.Ltmp4:
0x1ee: {  	(v2sf) =	vpush v0, $0x3;
	(pc) =	sbr.rel @p0 .LBB2_10-.Ltmp4, $2  }
0x1ef: {  	(v2sf) =	vpush v0, $0x4;
	_ =	sdelay $0x2  }
0x1f0: {  	s28 =	sadd.s32 $0x10, s28  }
0x1f1: {  	(v2sf) =	vpush v0, $0x5;
	_ =	sdelay $0x1  }
0x1f2: {  	s0 =	sshra.s32 s25, $0x2;
	(v2sf) =	vpush v0, $0x6  }
0x1f3: {  	s5 =	sadd.s32 $0x8680, s0;
	s6 =	sadd.s32 $0x8600, s0  }
0x1f4: {  	s17 =	sadd.s32 $0x8B80, s0;
	s16 =	sadd.s32 $0x8C00, s0;
	s2 =	sadd.s32 $0x8C80, s0;
	(v2sf) =	vpush v0, $0x7  }
0x1f5: {  	s7 =	sadd.s32 $0x8A00, s0;
	s8 =	sadd.s32 $0x8A80, s0;
	s9 =	sadd.s32 $0x8B00, s0  }
0x1f6: {  	s10 =	sadd.s32 $0x8900, s0;
	s11 =	sadd.s32 $0x8980, s0;
	s12 =	spop (v2sf);
	(v2sf) =	vpush v0, $0x8  }
0x1f7: {  	s19 =	sadd.s32 $0x8700, s0;
	s12 =	sand.u32 $0x1FFFFFF0, s12;
	s21 =	spop (v2sf)  }
0x1f8: {  	s23 =	sadd.s32 $0x8880, s0;
	s12 =	sadd.s32 s4, s12;
	s26 =	spop (v2sf);
	(v2sf) =	vpush v0, $0x9  }
0x1f9: {  	[tilespmem:s6], [sflag:$0x2] =	stream.linear.gather [hbm4b:s12+s1], $0x80, $0x38;
	[tilespmem:$0x18600] =	vst v63  }
0x1fa: {  	s25 =	sadd.s32 $0x8800, s0;
	s29 =	sand.u32 $0x1FFFFFF0, s26;
	s31 =	spop (v2sf);
	(v2sf) =	vpush v0, $0xA  }
0x1fb: {  	s30 =	sand.u32 $0x1FFFFFF0, s21;
	s6 =	sadd.s32 s4, s29;
	s26 =	spop (v2sf)  }
0x1fc: {  	[tilespmem:s5], [sflag:$0x2] =	stream.linear.gather [hbm4b:s6+s1], $0x80, $0x38;
	(v2sf) =	vpush v0, $0xB;
	[tilespmem:$0x18600] =	vst v63  }
0x1fd: {  	s21 =	sadd.s32 $0x8780, s0;
	s29 =	sadd.s32 s4, s30;
	s30 =	sand.u32 $0x1FFFFFF0, s31  }
0x1fe: {  	(v2sf) =	vpush v0, $0xC;
	[tilespmem:s19], [sflag:$0x2] =	stream.linear.gather [hbm4b:s29+s1], $0x80, $0x38;
	[tilespmem:$0x18600] =	vst v63  }
0x1ff: {  	s31 =	sand.u32 $0x1FFFFFF0, s26;
	s6 =	sadd.s32 s4, s30;
	s26 =	spop (v2sf)  }
0x200: {  	[tilespmem:s21], [sflag:$0x2] =	stream.linear.gather [hbm4b:s6+s1], $0x80, $0x38;
	(v2sf) =	vpush v0, $0xD;
	[tilespmem:$0x18600] =	vst v63  }
0x201: {  	s29 =	sadd.s32 s4, s31;
	s30 =	sand.u32 $0x1FFFFFF0, s26;
	s31 =	spop (v2sf)  }
0x202: {  	(v2sf) =	vpush v0, $0xE;
	[tilespmem:s25], [sflag:$0x2] =	stream.linear.gather [hbm4b:s29+s1], $0x80, $0x38;
	[tilespmem:$0x18600] =	vst v63  }
0x203: {  	s6 =	sadd.s32 s4, s30;
	s19 =	sand.u32 $0x1FFFFFF0, s31;
	s21 =	spop (v2sf)  }
0x204: {  	(v2sf) =	vpush v0, $0xF;
	[tilespmem:s23], [sflag:$0x2] =	stream.linear.gather [hbm4b:s6+s1], $0x80, $0x38;
	[tilespmem:$0x18600] =	vst v63  }
0x205: {  	s25 =	sand.u32 $0x1FFFFFF0, s21;
	s23 =	sadd.s32 s4, s19;
	s26 =	spop (v2sf)  }
0x206: {  	[tilespmem:s10], [sflag:$0x2] =	stream.linear.gather [hbm4b:s23+s1], $0x80, $0x38;
	[tilespmem:$0x18600] =	vst v63  }
0x207: {  	s29 =	sadd.s32 s4, s25;
	s30 =	sand.u32 $0x1FFFFFF0, s26;
	s31 =	spop (v2sf)  }
0x208: {  	[tilespmem:s11], [sflag:$0x2] =	stream.linear.gather [hbm4b:s29+s1], $0x80, $0x38;
	[tilespmem:$0x18600] =	vst v63  }
0x209: {  	s12 =	sadd.s32 s4, s30;
	s19 =	sand.u32 $0x1FFFFFF0, s31;
	s21 =	spop (v2sf)  }
0x20a: {  	[tilespmem:s7], [sflag:$0x2] =	stream.linear.gather [hbm4b:s12+s1], $0x80, $0x38;
	[tilespmem:$0x18600] =	vst v63  }
0x20b: {  	s23 =	sadd.s32 s4, s19;
	s25 =	sand.u32 $0x1FFFFFF0, s21;
	s26 =	spop (v2sf)  }
0x20c: {  	[tilespmem:s8], [sflag:$0x2] =	stream.linear.gather [hbm4b:s23+s1], $0x80, $0x38;
	[tilespmem:$0x18600] =	vst v63  }
0x20d: {  	s29 =	sadd.s32 s4, s25;
	s30 =	sand.u32 $0x1FFFFFF0, s26;
	s31 =	spop (v2sf)  }
0x20e: {  	[tilespmem:s9], [sflag:$0x2] =	stream.linear.gather [hbm4b:s29+s1], $0x80, $0x38;
	[tilespmem:$0x18600] =	vst v63  }
0x20f: {  	s6 =	sadd.s32 s4, s30;
	s8 =	sand.u32 $0x1FFFFFF0, s31;
	s9 =	spop (v2sf)  }
0x210: {  	[tilespmem:s17], [sflag:$0x2] =	stream.linear.gather [hbm4b:s6+s1], $0x80, $0x38;
	[tilespmem:$0x18600] =	vst v63  }
0x211: {  	s10 =	sadd.s32 s4, s8;
	s11 =	sand.u32 $0x1FFFFFF0, s9;
	s12 =	spop (v2sf)  }
0x212: {  	[tilespmem:s16], [sflag:$0x2] =	stream.linear.gather [hbm4b:s10+s1], $0x80, $0x38;
	[tilespmem:$0x18600] =	vst v63  }
0x213: {  	s17 =	sadd.s32 s4, s11;
	s19 =	sand.u32 $0x1FFFFFF0, s12;
	s21 =	spop (v2sf)  }
0x214: {  	[tilespmem:s2], [sflag:$0x2] =	stream.linear.gather [hbm4b:s17+s1], $0x80, $0x38;
	[tilespmem:$0x18600] =	vst v63  }
0x215: {  	s23 =	sadd.s32 $0x8D00, s0;
	s25 =	sadd.s32 s4, s19;
	s26 =	sand.u32 $0x1FFFFFF0, s21  }
0x216: {  	[tilespmem:s23], [sflag:$0x2] =	stream.linear.gather [hbm4b:s25+s1], $0x80, $0x38;
	[tilespmem:$0x18600] =	vst v63  }
0x217: {  	s0 =	sadd.s32 $0x8D80, s0;
	s29 =	sadd.s32 s4, s26  }
0x218: {  	[tilespmem:s0], [sflag:$0x2] =	stream.linear.gather [hbm4b:s29+s1], $0x80, $0x38;
	[tilespmem:$0x18600] =	vst v63  }
0x219: {  	_ =	swait.ge [sflag:s22], $0x8000  }
0x21a: {  	s25 =	simm.s32 $0x0;
	[sflag:s22] =	ssyncset.done $0x0  }
0x21b: {  	s23 =	simm.s32 $0x10600;
	s30 =	rddreg [dreg:$0xa];
	[sflag:s22] =	ssyncadd.s32 $0xFFFF8000  }
0x21c: {  	[hbm4b:s30+s25] =	stream.linear.scatter [tilespmem:s23], [sflag:$0x4], $0x8000, $0x38;
	[tilespmem:$0x18600] =	vst v63  }
0x21d: {  	_ =	swait.ge [sflag:s15], $0x8000  }
0x21e: {  	[sflag:s15] =	ssyncset.done $0x0  }
0x21f: {  	s31 =	sand.u32 $0xF0, s25;
	[sflag:s15] =	ssyncadd.s32 $0xFFFF8000  }
0x220: {  	v0 =	vld [tilespmem:s31+$0x500];
	_ =	sdelay $0x4  }
0x221: {  	v0 =	vshll.u32 v0, $0x4  }
0x222: {  	(v2sf) =	vpush v0, $0x0  }
0x223: {  	(v2sf) =	vpush v0, $0x2  }
0x224: {  	(v2sf) =	vpush v0, $0x1;
	_ =	sdelay $0x1  }
0x225: {  	(v2sf) =	vpush v0, $0x3  }
0x226: {  	(v2sf) =	vpush v0, $0x4;
	_ =	sdelay $0x2  }
0x227: {  	s28 =	simm.s32 $0x10;
	s26 =	simm.s32 $0x2000  }
.LBB2_12:
0x228: {  	p0 =	sne.s32 s26, $0x1E000;
	(v2sf) =	vpush v0, $0x5;
	s0 =	smov.u32 s26;
	s26 =	sadd.s32 $0x2000, s26  }
0x229: {  	s29 =	sshra.s32 s25, $0x2;
	s25 =	smov.u32 s0  }
0x22a: {  	s5 =	sadd.s32 $0x10680, s29;
	(v2sf) =	vpush v0, $0x6  }
0x22b: {  	s6 =	sadd.s32 $0x10600, s29  }
0x22c: {  	s30 =	sadd.s32 $0x10B80, s29;
	s2 =	sadd.s32 $0x10C00, s29;
	s0 =	sadd.s32 $0x10C80, s29;
	(v2sf) =	vpush v0, $0x7  }
0x22d: {  	s17 =	sadd.s32 $0x10A00, s29;
	s16 =	sadd.s32 $0x10A80, s29;
	s31 =	sadd.s32 $0x10B00, s29  }
0x22e: {  	s7 =	sadd.s32 $0x10900, s29;
	s19 =	sadd.s32 $0x10980, s29;
	s8 =	spop (v2sf);
	(v2sf) =	vpush v0, $0x8  }
0x22f: {  	s9 =	sadd.s32 $0x10700, s29;
	s8 =	sand.u32 $0x1FFFFFF0, s8;
	s10 =	spop (v2sf)  }
0x230: {  	s11 =	sadd.s32 $0x10880, s29;
	s8 =	sadd.s32 s3, s8;
	s12 =	spop (v2sf);
	(v2sf) =	vpush v0, $0x9  }
0x231: {  	[tilespmem:s6], [sflag:$0x3] =	stream.linear.gather [hbm4b:s8+s1], $0x80, $0x38;
	[tilespmem:$0x18600] =	vst v63  }
0x232: {  	s6 =	sand.u32 $0x1FFFFFF0, s12;
	s8 =	sand.u32 $0x1FFFFFF0, s10;
	s10 =	spop (v2sf);
	(v2sf) =	vpush v0, $0xA  }
0x233: {  	s12 =	sadd.s32 $0x10800, s29;
	s6 =	sadd.s32 s3, s6;
	s21 =	spop (v2sf)  }
0x234: {  	[tilespmem:s5], [sflag:$0x3] =	stream.linear.gather [hbm4b:s6+s1], $0x80, $0x38;
	(v2sf) =	vpush v0, $0xB;
	[tilespmem:$0x18600] =	vst v63  }
0x235: {  	s5 =	sadd.s32 s3, s8;
	s6 =	sand.u32 $0x1FFFFFF0, s10;
	s8 =	sand.u32 $0x1FFFFFF0, s21  }
0x236: {  	[tilespmem:s9], [sflag:$0x3] =	stream.linear.gather [hbm4b:s5+s1], $0x80, $0x38;
	(v2sf) =	vpush v0, $0xC;
	[tilespmem:$0x18600] =	vst v63  }
0x237: {  	s6 =	sadd.s32 s3, s6;
	s5 =	sadd.s32 $0x10780, s29;
	s9 =	spop (v2sf)  }
0x238: {  	[tilespmem:s5], [sflag:$0x3] =	stream.linear.gather [hbm4b:s6+s1], $0x80, $0x38;
	(v2sf) =	vpush v0, $0xD;
	[tilespmem:$0x18600] =	vst v63  }
0x239: {  	s5 =	sadd.s32 s3, s8;
	s6 =	sand.u32 $0x1FFFFFF0, s9;
	s8 =	spop (v2sf)  }
0x23a: {  	[tilespmem:s12], [sflag:$0x3] =	stream.linear.gather [hbm4b:s5+s1], $0x80, $0x38;
	(v2sf) =	vpush v0, $0xE;
	[tilespmem:$0x18600] =	vst v63  }
0x23b: {  	s5 =	sadd.s32 s3, s6;
	s6 =	sand.u32 $0x1FFFFFF0, s8;
	s8 =	spop (v2sf)  }
0x23c: {  	[tilespmem:s11], [sflag:$0x3] =	stream.linear.gather [hbm4b:s5+s1], $0x80, $0x38;
	(v2sf) =	vpush v0, $0xF;
	[tilespmem:$0x18600] =	vst v63  }
0x23d: {  	s5 =	sadd.s32 s3, s6;
	s6 =	sand.u32 $0x1FFFFFF0, s8;
	s8 =	spop (v2sf)  }
0x23e: {  	[tilespmem:s7], [sflag:$0x3] =	stream.linear.gather [hbm4b:s5+s1], $0x80, $0x38;
	[tilespmem:$0x18600] =	vst v63  }
0x23f: {  	s5 =	sadd.s32 s3, s6;
	s6 =	sand.u32 $0x1FFFFFF0, s8;
	s7 =	spop (v2sf)  }
0x240: {  	[tilespmem:s19], [sflag:$0x3] =	stream.linear.gather [hbm4b:s5+s1], $0x80, $0x38;
	[tilespmem:$0x18600] =	vst v63  }
0x241: {  	s5 =	sadd.s32 s3, s6;
	s6 =	sand.u32 $0x1FFFFFF0, s7;
	s7 =	spop (v2sf)  }
0x242: {  	[tilespmem:s17], [sflag:$0x3] =	stream.linear.gather [hbm4b:s5+s1], $0x80, $0x38;
	[tilespmem:$0x18600] =	vst v63  }
0x243: {  	s5 =	sadd.s32 s3, s6;
	s6 =	sand.u32 $0x1FFFFFF0, s7;
	s7 =	spop (v2sf)  }
0x244: {  	[tilespmem:s16], [sflag:$0x3] =	stream.linear.gather [hbm4b:s5+s1], $0x80, $0x38;
	[tilespmem:$0x18600] =	vst v63  }
0x245: {  	s5 =	sadd.s32 s3, s6;
	s6 =	sand.u32 $0x1FFFFFF0, s7;
	s7 =	spop (v2sf)  }
0x246: {  	[tilespmem:s31], [sflag:$0x3] =	stream.linear.gather [hbm4b:s5+s1], $0x80, $0x38;
	[tilespmem:$0x18600] =	vst v63  }
0x247: {  	s5 =	sadd.s32 s3, s6;
	s6 =	sand.u32 $0x1FFFFFF0, s7;
	s7 =	spop (v2sf)  }
0x248: {  	[tilespmem:s30], [sflag:$0x3] =	stream.linear.gather [hbm4b:s5+s1], $0x80, $0x38;
	[tilespmem:$0x18600] =	vst v63  }
0x249: {  	s5 =	sadd.s32 s3, s6;
	s6 =	sand.u32 $0x1FFFFFF0, s7;
	s7 =	spop (v2sf)  }
0x24a: {  	[tilespmem:s2], [sflag:$0x3] =	stream.linear.gather [hbm4b:s5+s1], $0x80, $0x38;
	[tilespmem:$0x18600] =	vst v63  }
0x24b: {  	s2 =	sadd.s32 s3, s6;
	s5 =	sand.u32 $0x1FFFFFF0, s7;
	s6 =	spop (v2sf)  }
0x24c: {  	[tilespmem:s0], [sflag:$0x3] =	stream.linear.gather [hbm4b:s2+s1], $0x80, $0x38;
	[tilespmem:$0x18600] =	vst v63  }
0x24d: {  	s0 =	sadd.s32 $0x10D00, s29;
	s2 =	sadd.s32 s3, s5;
	s5 =	sand.u32 $0x1FFFFFF0, s6  }
0x24e: {  	[tilespmem:s0], [sflag:$0x3] =	stream.linear.gather [hbm4b:s2+s1], $0x80, $0x38;
	[tilespmem:$0x18600] =	vst v63  }
0x24f: {  	s5 =	sadd.s32 s3, s5;
	s0 =	sand.u32 $0xF0, s28;
	s2 =	sadd.s32 $0x10D80, s29  }
0x250: {  	[tilespmem:s2], [sflag:$0x3] =	stream.linear.gather [hbm4b:s5+s1], $0x80, $0x38;
	[tilespmem:$0x18600] =	vst v63  }
0x251: {  	v0 =	vld [tilespmem:s0+$0x500];
	_ =	sdelay $0x4  }
0x252: {  	v0 =	vshll.u32 v0, $0x4  }
0x253: {  	(v2sf) =	vpush v0, $0x0  }
0x254: {  	(v2sf) =	vpush v0, $0x2  }
0x255: {  	(v2sf) =	vpush v0, $0x1;
	_ =	sdelay $0x1  }
.Ltmp5:
0x256: {  	(v2sf) =	vpush v0, $0x3;
	(pc) =	sbr.rel @p0 .LBB2_12-.Ltmp5, $2  }
0x257: {  	(v2sf) =	vpush v0, $0x4;
	_ =	sdelay $0x2  }
0x258: {  	s28 =	sadd.s32 $0x10, s28  }
0x259: {  	_ =	sdelay $0x5  }
0x25a: {  	s2 =	spop (v2sf)  }
0x25b: {  	s6 =	spop (v2sf);
	(v2sf) =	vpush v0, $0x5;
	_ =	sdelay $0x1  }
0x25c: {  	s7 =	spop (v2sf);
	(v2sf) =	vpush v0, $0x6;
	_ =	sdelay $0x2  }
0x25d: {  	s11 =	spop (v2sf);
	(v2sf) =	vpush v0, $0x7  }
0x25e: {  	s0 =	sshra.s32 s25, $0x2;
	s2 =	sand.u32 $0x1FFFFFF0, s2  }
0x25f: {  	s5 =	sadd.s32 $0x10600, s0;
	s2 =	sadd.s32 s3, s2  }
0x260: {  	[tilespmem:s5], [sflag:$0x3] =	stream.linear.gather [hbm4b:s2+s1], $0x80, $0x38;
	[tilespmem:$0x18600] =	vst v63  }
0x261: {  	s2 =	sand.u32 $0x1FFFFFF0, s7;
	s16 =	spop (v2sf);
	(v2sf) =	vpush v0, $0x8  }
0x262: {  	s8 =	sadd.s32 $0x10680, s0;
	s9 =	sand.u32 $0x1FFFFFF0, s6;
	s2 =	sadd.s32 s3, s2  }
0x263: {  	[tilespmem:s8], [sflag:$0x3] =	stream.linear.gather [hbm4b:s2+s1], $0x80, $0x38;
	[tilespmem:$0x18600] =	vst v63  }
0x264: {  	s10 =	sadd.s32 $0x10700, s0;
	s2 =	sadd.s32 s3, s9  }
0x265: {  	[tilespmem:s10], [sflag:$0x3] =	stream.linear.gather [hbm4b:s2+s1], $0x80, $0x38;
	[tilespmem:$0x18600] =	vst v63  }
0x266: {  	s2 =	sand.u32 $0x1FFFFFF0, s11  }
0x267: {  	s12 =	sadd.s32 $0x10780, s0;
	s2 =	sadd.s32 s3, s2;
	s19 =	spop (v2sf);
	(v2sf) =	vpush v0, $0x9  }
0x268: {  	[tilespmem:s12], [sflag:$0x3] =	stream.linear.gather [hbm4b:s2+s1], $0x80, $0x38;
	[tilespmem:$0x18600] =	vst v63  }
0x269: {  	s2 =	sand.u32 $0x1FFFFFF0, s16;
	s25 =	spop (v2sf);
	(v2sf) =	vpush v0, $0xA  }
0x26a: {  	s17 =	sadd.s32 $0x10800, s0;
	s2 =	sadd.s32 s3, s2  }
0x26b: {  	[tilespmem:s17], [sflag:$0x3] =	stream.linear.gather [hbm4b:s2+s1], $0x80, $0x38;
	[tilespmem:$0x18600] =	vst v63  }
0x26c: {  	s2 =	sand.u32 $0x1FFFFFF0, s19;
	s28 =	spop (v2sf);
	(v2sf) =	vpush v0, $0xB  }
0x26d: {  	s21 =	sadd.s32 $0x10880, s0;
	s2 =	sadd.s32 s3, s2  }
0x26e: {  	[tilespmem:s21], [sflag:$0x3] =	stream.linear.gather [hbm4b:s2+s1], $0x80, $0x38;
	[tilespmem:$0x18600] =	vst v63  }
0x26f: {  	s2 =	sand.u32 $0x1FFFFFF0, s25  }
0x270: {  	s26 =	sadd.s32 $0x10900, s0;
	s2 =	sadd.s32 s3, s2;
	s30 =	spop (v2sf)  }
0x271: {  	(v2sf) =	vpush v0, $0xC;
	[tilespmem:s26], [sflag:$0x3] =	stream.linear.gather [hbm4b:s2+s1], $0x80, $0x38;
	[tilespmem:$0x18600] =	vst v63  }
0x272: {  	s2 =	sand.u32 $0x1FFFFFF0, s28  }
0x273: {  	s29 =	sadd.s32 $0x10980, s0;
	s2 =	sadd.s32 s3, s2  }
0x274: {  	[tilespmem:s29], [sflag:$0x3] =	stream.linear.gather [hbm4b:s2+s1], $0x80, $0x38;
	[tilespmem:$0x18600] =	vst v63  }
0x275: {  	s2 =	sand.u32 $0x1FFFFFF0, s30  }
0x276: {  	s31 =	sadd.s32 $0x10A00, s0;
	s2 =	sadd.s32 s3, s2;
	s6 =	spop (v2sf);
	(v2sf) =	vpush v0, $0xD  }
0x277: {  	[tilespmem:s31], [sflag:$0x3] =	stream.linear.gather [hbm4b:s2+s1], $0x80, $0x38;
	[tilespmem:$0x18600] =	vst v63  }
0x278: {  	s2 =	sand.u32 $0x1FFFFFF0, s6;
	s8 =	spop (v2sf);
	(v2sf) =	vpush v0, $0xE  }
0x279: {  	s7 =	sadd.s32 $0x10A80, s0;
	s2 =	sadd.s32 s3, s2  }
0x27a: {  	[tilespmem:s7], [sflag:$0x3] =	stream.linear.gather [hbm4b:s2+s1], $0x80, $0x38;
	[tilespmem:$0x18600] =	vst v63  }
0x27b: {  	s10 =	spop (v2sf);
	(v2sf) =	vpush v0, $0xF  }
0x27c: {  	s2 =	sand.u32 $0x1FFFFFF0, s8  }
0x27d: {  	s9 =	sadd.s32 $0x10B00, s0;
	s2 =	sadd.s32 s3, s2  }
0x27e: {  	[tilespmem:s9], [sflag:$0x3] =	stream.linear.gather [hbm4b:s2+s1], $0x80, $0x38;
	[tilespmem:$0x18600] =	vst v63  }
0x27f: {  	s2 =	sand.u32 $0x1FFFFFF0, s10  }
0x280: {  	s11 =	sadd.s32 $0x10B80, s0;
	s12 =	spop (v2sf);
	s2 =	sadd.s32 s3, s2  }
0x281: {  	[tilespmem:s11], [sflag:$0x3] =	stream.linear.gather [hbm4b:s2+s1], $0x80, $0x38;
	[tilespmem:$0x18600] =	vst v63  }
0x282: {  	s2 =	sand.u32 $0x1FFFFFF0, s12  }
0x283: {  	s16 =	sadd.s32 $0x10C00, s0;
	s2 =	sadd.s32 s3, s2  }
0x284: {  	[tilespmem:s16], [sflag:$0x3] =	stream.linear.gather [hbm4b:s2+s1], $0x80, $0x38;
	[tilespmem:$0x18600] =	vst v63  }
0x285: {  	s17 =	spop (v2sf)  }
0x286: {  	s2 =	sand.u32 $0x1FFFFFF0, s17  }
0x287: {  	s19 =	sadd.s32 $0x10C80, s0;
	s21 =	spop (v2sf);
	s2 =	sadd.s32 s3, s2  }
0x288: {  	[tilespmem:s19], [sflag:$0x3] =	stream.linear.gather [hbm4b:s2+s1], $0x80, $0x38;
	[tilespmem:$0x18600] =	vst v63  }
0x289: {  	s2 =	sand.u32 $0x1FFFFFF0, s21  }
0x28a: {  	s25 =	sadd.s32 $0x10D00, s0;
	s26 =	spop (v2sf);
	s2 =	sadd.s32 s3, s2  }
0x28b: {  	[tilespmem:s25], [sflag:$0x3] =	stream.linear.gather [hbm4b:s2+s1], $0x80, $0x38;
	[tilespmem:$0x18600] =	vst v63  }
0x28c: {  	s2 =	sand.u32 $0x1FFFFFF0, s26  }
0x28d: {  	s0 =	sadd.s32 $0x10D80, s0;
	s2 =	sadd.s32 s3, s2  }
0x28e: {  	[tilespmem:s0], [sflag:$0x3] =	stream.linear.gather [hbm4b:s2+s1], $0x80, $0x38;
	[tilespmem:$0x18600] =	vst v63  }
0x28f: {  	_ =	swait.ge [sflag:s18], $0x8000  }
0x290: {  	[sflag:s18] =	ssyncset.done $0x0  }
0x291: {  	s29 =	simm.s32 $0x600;
	s28 =	rddreg [dreg:$0xb];
	[sflag:s18] =	ssyncadd.s32 $0xFFFF8000  }
0x292: {  	[hbm4b:s28+s1] =	stream.linear.scatter [tilespmem:s29], [sflag:$0x4], $0x8000, $0x38;
	[tilespmem:$0x18600] =	vst v63  }
0x293: {  	_ =	swait.ge [sflag:s15], $0x8000  }
0x294: {  	[sflag:s15] =	ssyncset.done $0x0  }
0x295: {  	[sflag:s15] =	ssyncadd.s32 $0xFFFF8000  }
0x296: {  	_ =	swait.ge [sflag:s20], $0x8000  }
0x297: {  	[sflag:s20] =	ssyncset.done $0x0  }
0x298: {  	s31 =	simm.s32 $0x8600;
	s30 =	rddreg [dreg:$0xc];
	[sflag:s20] =	ssyncadd.s32 $0xFFFF8000  }
0x299: {  	[hbm4b:s30+s1] =	stream.linear.scatter [tilespmem:s31], [sflag:$0x4], $0x8000, $0x38;
	[tilespmem:$0x18600] =	vst v63  }
0x29a: {  	_ =	swait.ge [sflag:s15], $0x8000  }
0x29b: {  	[sflag:s15] =	ssyncset.done $0x0  }
0x29c: {  	[sflag:s15] =	ssyncadd.s32 $0xFFFF8000  }
0x29d: {  	s24 =	sadd.s32 $0x1, s24;
	_ =	swait.ge [sflag:s22], $0x8000  }
0x29e: {  	p0 =	sne.s32 s24, s14;
	[sflag:s22] =	ssyncset.done $0x0  }
.Ltmp6:
0x29f: {  	[sflag:s22] =	ssyncadd.s32 $0xFFFF8000;
	(pc) =	sbr.rel @p0 .LBB2_1-.Ltmp6, $4  }
0x2a0: {  	[hbm4b:s13+s1] =	stream.linear.scatter [tilespmem:s23], [sflag:$0x4], $0x8000, $0x38;
	[tilespmem:$0x18600] =	vst v63  }
0x2a1: {  	_ =	swait.ge [sflag:s15], $0x8000  }
0x2a2: {  	[sflag:s15] =	ssyncset.done $0x0  }
0x2a3: {  	[sflag:s15] =	ssyncadd.s32 $0xFFFF8000  }
0x2a4: {  	_ =	sfence.sel $0x180000  }
0x2a5: {  	[bflag:$0x0] =	sbarrier.arrive $0xFFFF  }
0x2a6: {  	_ =	strace $0x90000047  }
0x2a7: {  	s0 =	stileid.u32;
	[bflag:$0x2] =	sbarrier.arrive $0xFFFF  }
0x2a8: {  	p0 =	sne.s32 s0, $0x0;
	s0 =	rddreg [dreg:$0x4]  }
0x2a9: {  	s0 =	sadd.s32 @!p0 $0x100000, s0  }
0x2aa: {  	[sflag:s0] =	ssyncadd.tile.s32 @!p0 $0x1;
	_ =	shalt  }
.Lfunc_end2:
_tile_overlayer_lowered:
.L_overlay_start_2:
0x2ab: {  	(tag) =	ssettag $0x2  }
0x2ac: {  	s0 =	rddreg [dreg:$0x0];
	s2 =	stileid.u32  }
0x2ad: {  	s1 =	rddreg [dreg:$0x1];
	p0 =	sne.s32 s2, $0x0  }
0x2ae: {  	s3 =	rddreg [dreg:$0x2];
	[bflag:$0x3] =	sbarrier.arrive $0xFFFF;
	s2 =	simm.s32 @!p0 $0x1C04  }
0x2af: {  	[timem:s3], [sflag:s2] =	dma.local @!p0 [hbm:s0], s1  }
0x2b0: {  	s0 =	simm.s32 @!p0 $0x4  }
0x2b1: {  	_ =	swait.ge @!p0 [sflag:s0], s1  }
0x2b2: {  	s1 =	ssub.s32 @!p0 $0x0, s1;
	[sflag:s0] =	ssyncset.done @!p0 $0x0  }
0x2b3: {  	[sflag:s0] =	ssyncadd.s32 @!p0 s1  }
0x2b4: {  	[bflag:$0x3] =	sbarrier.arrive $0xFFFF  }
0x2b5: {  	_ =	shalt  }

</sc_bundles>
